<compile_context>
chip_gen: v7x
topology: tpu7x:2x2x1
jax: 0.10.2.dev20260603
libtpu: 0.0.44.dev20260713+nightly
codegen_flags: <defaults>
</compile_context>

<pallas_src>
import functools

import jax
import jax.numpy as jnp
from jax import lax
from jax.experimental import pallas as pl
from jax.experimental.pallas import tpu as pltpu
from jax.experimental.pallas import tpu_sc as plsc

CAP = 100000
D = 128
Q = 4096
K = 5
CHUNK = 8
NCAND = K * CHUNK
KPAD = 102400
BK = 2048
NKB = KPAD // BK
CPB = BK // CHUNK
NCHUNK = CAP // CHUNK
NCHUNK_PAD = KPAD // CHUNK
QL = 512
NQB = Q // QL
GQ = 64

_NEG = float("-inf")
_IMAX = 2**31 - 1


def _phaseAB_body(kn_ref, q_ref, out_ref, cmax_ref):
    kb = pl.program_id(1)
    u = lax.dot_general(kn_ref[...], q_ref[...], (((1,), (1,)), ((), ())),
                        preferred_element_type=jnp.float32)
    m = u[0 * CPB:1 * CPB, :]
    for j in range(1, CHUNK):
        m = jnp.maximum(m, u[j * CPB:(j + 1) * CPB, :])
    gchunk = kb * CPB + lax.broadcasted_iota(jnp.int32, (CPB, QL), 0)
    m = jnp.where(gchunk < NCHUNK, m, _NEG)
    cmax_ref[pl.ds(kb * CPB, CPB), :] = m

    @pl.when(kb == NKB - 1)
    def _phaseB():
        rows = lax.broadcasted_iota(jnp.int32, (NCHUNK_PAD, QL), 0)
        for t in range(K):
            c = cmax_ref[...]
            bidx = jnp.argmax(c, axis=0).astype(jnp.int32)
            prow = lax.shift_right_logical(bidx, 8) * BK + (bidx & (CPB - 1))
            for j in range(CHUNK):
                out_ref[0, t * CHUNK + j, :] = prow + j * CPB
            if t < K - 1:
                cmax_ref[...] = jnp.where(rows == bidx[None, :], _NEG, c)


def _phaseAB(qn, kn):
    return pl.pallas_call(
        _phaseAB_body,
        grid=(NQB, NKB),
        in_specs=[
            pl.BlockSpec((BK, D), lambda ql, kb: (kb, 0)),
            pl.BlockSpec((QL, D), lambda ql, kb: (ql, 0)),
        ],
        out_specs=pl.BlockSpec((1, NCAND, QL), lambda ql, kb: (ql, 0, 0)),
        out_shape=jax.ShapeDtypeStruct((NQB, NCAND, QL), jnp.int32),
        scratch_shapes=[pltpu.VMEM((NCHUNK_PAD, QL), jnp.float32)],
        compiler_params=pltpu.CompilerParams(
            dimension_semantics=("arbitrary", "arbitrary"),
            vmem_limit_bytes=128 * 1024 * 1024,
        ),
    )(kn, qn)


def _pb2_body(q_ref, kc_ref, cand_ref, sel_ref):
    p = lax.dot_general(q_ref[...], kc_ref[...], (((1,), (1,)), ((), ())),
                        preferred_element_type=jnp.float32)
    qrow = lax.broadcasted_iota(jnp.int32, (GQ, NCAND), 0)
    s = jnp.zeros((GQ, NCAND), jnp.float32)
    for a in range(GQ):
        stripe = p[:, a * NCAND:(a + 1) * NCAND]
        s = s + jnp.where(qrow == a, stripe, 0.0)
    pid = cand_ref[...]
    cand = ((lax.shift_right_logical(pid, 11) * BK)
            | lax.shift_left((pid & (CPB - 1)), 3)
            | (lax.shift_right_logical(pid, 8) & (CHUNK - 1)))
    for t in range(K):
        mx = jnp.max(s, axis=1)
        kmask = jnp.where(s == mx[:, None], cand, _IMAX)
        pick = jnp.min(kmask, axis=1)
        sel_ref[:, t] = pick
        if t < K - 1:
            s = jnp.where(kmask == pick[:, None], _NEG, s)


def _pb2(qn, kc, cand):
    return pl.pallas_call(
        _pb2_body,
        grid=(Q // GQ,),
        in_specs=[
            pl.BlockSpec((GQ, D), lambda g: (g, 0)),
            pl.BlockSpec((GQ * NCAND, D), lambda g: (g, 0)),
            pl.BlockSpec((GQ, NCAND), lambda g: (g, 0)),
        ],
        out_specs=pl.BlockSpec((GQ, K), lambda g: (g, 0)),
        out_shape=jax.ShapeDtypeStruct((Q, K), jnp.int32),
    )(qn, kc, cand)


_NW = 32
_QPW = Q // _NW
_SB1 = 8


def _sc_gather_cand(cand_flat, kn_p):
    mesh = plsc.VectorSubcoreMesh(core_axis_name="c", subcore_axis_name="s")

    n = _SB1 * NCAND
    nb = _QPW // _SB1

    @functools.partial(
        pl.kernel, mesh=mesh,
        out_type=jax.ShapeDtypeStruct((Q * NCAND, D), jnp.float32),
        scratch_types=[
            pltpu.VMEM((n,), jnp.int32),
            pltpu.VMEM((n,), jnp.int32),
            pltpu.VMEM((n, D), jnp.float32),
            pltpu.VMEM((n, D), jnp.float32),
            pltpu.SemaphoreType.DMA,
            pltpu.SemaphoreType.DMA,
            pltpu.SemaphoreType.DMA,
            pltpu.SemaphoreType.DMA,
        ],
    )
    def sc1(cand_hbm, kn_hbm, kc_hbm, i0, i1, r0, r1, g0, g1, w0, w1):
        wid = lax.axis_index("s") * 2 + lax.axis_index("c")
        idx, rows, gsem, wsem = (i0, i1), (r0, r1), (g0, g1), (w0, w1)
        gd, wd = {}, {}
        for b in range(nb):
            u = b & 1
            if b >= 2:
                wd[u].wait()
            base = (wid * _QPW + b * _SB1) * NCAND
            pltpu.sync_copy(cand_hbm.at[pl.ds(base, n)], idx[u])
            gd[u] = pltpu.async_copy(kn_hbm.at[idx[u]], rows[u], gsem[u])
            if b >= 1:
                pu = (b - 1) & 1
                gd[pu].wait()
                pbase = (wid * _QPW + (b - 1) * _SB1) * NCAND
                wd[pu] = pltpu.async_copy(rows[pu], kc_hbm.at[pl.ds(pbase, n)],
                                          wsem[pu])
        lu = (nb - 1) & 1
        gd[lu].wait()
        lbase = (wid * _QPW + (nb - 1) * _SB1) * NCAND
        wd[lu] = pltpu.async_copy(rows[lu], kc_hbm.at[pl.ds(lbase, n)], wsem[lu])
        wd[0].wait()
        wd[1].wait()

    return sc1(cand_flat, kn_p)


def _sc_fuse_values(sel_flat, values):
    mesh = plsc.VectorSubcoreMesh(core_axis_name="c", subcore_axis_name="s")
    rpw = _QPW * K

    @functools.partial(
        pl.kernel, mesh=mesh,
        out_type=jax.ShapeDtypeStruct((Q, D), jnp.float32),
        scratch_types=[
            pltpu.VMEM((rpw,), jnp.int32),
            pltpu.VMEM((rpw, D), jnp.float32),
            pltpu.VMEM((_QPW, D), jnp.float32),
            pltpu.SemaphoreType.DMA,
        ],
    )
    def sc2(sel_hbm, val_hbm, out_hbm, sidx_v, vr_v, out_v, sem):
        wid = lax.axis_index("s") * 2 + lax.axis_index("c")
        pltpu.sync_copy(sel_hbm.at[pl.ds(wid * rpw, rpw)], sidx_v)
        pltpu.async_copy(val_hbm.at[sidx_v], vr_v, sem).wait()

        def body(qq, _):
            for d in range(D // 16):
                sl = pl.ds(d * 16, 16)
                acc = (vr_v[qq * K + 0, sl] + vr_v[qq * K + 1, sl]
                       + vr_v[qq * K + 2, sl] + vr_v[qq * K + 3, sl]
                       + vr_v[qq * K + 4, sl])
                out_v[qq, sl] = acc * (1.0 / K)
            return 0

        lax.fori_loop(0, _QPW, body, 0)
        pltpu.sync_copy(out_v, out_hbm.at[pl.ds(wid * _QPW, _QPW)])

    return sc2(sel_flat, values)


def kernel(q, keys, values):
    eps = 1e-8
    qn = q / jnp.maximum(jnp.linalg.norm(q, axis=-1, keepdims=True), eps)
    kn = keys / jnp.maximum(jnp.linalg.norm(keys, axis=-1, keepdims=True), eps)
    kn_p = jnp.pad(kn, ((0, KPAD - CAP), (0, 0)))
    kn_perm = (kn_p.reshape(NKB, CPB, CHUNK, D)
               .transpose(0, 2, 1, 3).reshape(KPAD, D))

    t5 = _phaseAB(qn, kn_perm)
    cand = t5.transpose(0, 2, 1).reshape(Q, NCAND)

    kc = _sc_gather_cand(cand.reshape(-1), kn_perm)
    sel = _pb2(qn, kc, cand)

    return _sc_fuse_values(sel.reshape(-1), values)

# --- scband reference (transcript-rebuilt; emitter-appended) ---
"""Pipeline reference for scband-memory-bank-61323543052638 (READ-ONLY COPY).

The authoritative reference and input builder live on the scoring server;
editing this copy changes nothing except your own understanding.
"""

import jax, jax.numpy as jnp
import numpy as np

CAPACITY = 100000
KEY_DIM = 128
VALUE_DIM = 128
Q_BATCH = 4096
TOPK = 5


def setup_inputs(seed: int = 0) -> dict:
    key = jax.random.key(seed)
    k1, k2, k3 = jax.random.split(key, 3)
    q = jax.random.normal(k1, (Q_BATCH, KEY_DIM), dtype=jnp.float32)
    # buffers: in the torch module these start as zeros and are filled via add();
    # materialize a populated memory bank so the computation is meaningful.
    keys = jax.random.normal(k2, (CAPACITY, KEY_DIM), dtype=jnp.float32)
    values = jax.random.normal(k3, (CAPACITY, VALUE_DIM), dtype=jnp.float32)
    return {"q": q, "keys": keys, "values": values}


def reference(q, keys, values):
    # F.cosine_similarity(q.unsqueeze(1), keys.unsqueeze(0), dim=-1) with eps=1e-8
    eps = 1e-8
    q_norm = jnp.maximum(jnp.linalg.norm(q, axis=-1, keepdims=True), eps)
    k_norm = jnp.maximum(jnp.linalg.norm(keys, axis=-1, keepdims=True), eps)
    qn = q / q_norm
    kn = keys / k_norm
    scores = qn @ kn.T  # [Q, capacity]
    topk_scores, topk_idx = jax.lax.top_k(scores, TOPK)  # [Q, 5]
    top_values = jnp.take(values, topk_idx, axis=0)  # [Q, 5, value_dim]
    fused = jnp.mean(top_values, axis=1)  # [Q, value_dim]
    return fused

if __name__ == "__main__":
    import jax
    _d = setup_inputs()
    print(jax.jit(kernel)(*tuple(_d.values())))

</pallas_src>

<mosaic_0001>
#map = affine_map<(d0, d1) -> (0)>
#map1 = affine_map<(d0, d1) -> (0, 0)>
module attributes {stable_mosaic.version = 14 : i64} {
  func.func @sc1(%arg0: i32, %arg1: i32, %arg2: memref<163840xi32, #tpu.memory_space<hbm>>, %arg3: memref<102400x128xf32, #tpu.memory_space<hbm>>, %arg4: memref<163840x128xf32, #tpu.memory_space<hbm>>, %arg5: memref<320xi32, #tpu.memory_space<vmem>>, %arg6: memref<320xi32, #tpu.memory_space<vmem>>, %arg7: memref<320x128xf32, #tpu.memory_space<vmem>>, %arg8: memref<320x128xf32, #tpu.memory_space<vmem>>, %arg9: memref<!tpu.dma_semaphore, #tpu.memory_space<semaphore_mem>>, %arg10: memref<!tpu.dma_semaphore, #tpu.memory_space<semaphore_mem>>, %arg11: memref<!tpu.dma_semaphore, #tpu.memory_space<semaphore_mem>>, %arg12: memref<!tpu.dma_semaphore, #tpu.memory_space<semaphore_mem>>) attributes {dimension_semantics = [#tpu.dimension_semantics<core_parallel>, #tpu.dimension_semantics<subcore_parallel>], iteration_bounds = array<i64: 2, 16>, scalar_prefetch = 0 : i64, scratch_operands = 8 : i64, tpu.core_type = #tpu.core_type<sc_vector_subcore>, window_params = [{transform_indices = #map}, {transform_indices = #map1}, {transform_indices = #map1}]} {
    %mul3A = arith.constant 2 : i32
    %mul3A_0 = arith.muli %arg1, %mul3A : i32
    %add3A = arith.addi %mul3A_0, %arg0 : i32
    %mul3A_1 = arith.constant 128 : i32
    %mul3A_2 = arith.muli %add3A, %mul3A_1 : i32
    %add3A_3 = arith.constant 0 : i32
    %add3A_4 = arith.addi %mul3A_2, %add3A_3 : i32
    %mul3A_5 = arith.constant 40 : i32
    %mul3A_6 = arith.muli %add3A_4, %mul3A_5 : i32
    "tpu.region"() ({
      %run_scoped3A = tpu.sem_alloc : memref<!tpu.dma_semaphore, #tpu.memory_space<semaphore_mem>>
      %dma_start3A_415 = tpu.memref_slice %arg2[%mul3A_6] : memref<163840xi32, #tpu.memory_space<hbm>> -> memref<320xi32, #tpu.memory_space<hbm>>
      %dma_start3A_416 = tpu.memref_slice %arg2[%mul3A_6] : memref<163840xi32, #tpu.memory_space<hbm>> -> memref<320xi32, #tpu.memory_space<hbm>>
      tpu.enqueue_dma source(%dma_start3A_416 : memref<320xi32, #tpu.memory_space<hbm>>) target(%arg5 : memref<320xi32, #tpu.memory_space<vmem>>) target_semaphore(%run_scoped3A : memref<!tpu.dma_semaphore, #tpu.memory_space<semaphore_mem>>)
      %dma_wait3A_417 = tpu.memref_slice %arg2[%mul3A_6] : memref<163840xi32, #tpu.memory_space<hbm>> -> memref<320xi32, #tpu.memory_space<hbm>>
      %dma_wait3A_418 = tpu.memref_slice %arg2[%mul3A_6] : memref<163840xi32, #tpu.memory_space<hbm>> -> memref<320xi32, #tpu.memory_space<hbm>>
      tpu.wait_dma2 semaphore(%run_scoped3A : memref<!tpu.dma_semaphore, #tpu.memory_space<semaphore_mem>>) src(%dma_wait3A_418 : memref<320xi32, #tpu.memory_space<hbm>>) dst(%arg5 : memref<320xi32, #tpu.memory_space<vmem>>)
      tpu.yield
    }) : () -> ()
    %dma_start3A = arith.constant 0 : i32
    %dma_start3A_7 = arith.constant 0 : i32
    %dma_start3A_8 = tpu.memref_slice %arg3[%dma_start3A, %dma_start3A_7] : memref<102400x128xf32, #tpu.memory_space<hbm>> -> memref<102400x128xf32, #tpu.memory_space<hbm>>
    tpu.enqueue_indirect_dma source(%dma_start3A_8 : memref<102400x128xf32, #tpu.memory_space<hbm>>) target(%arg7 : memref<320x128xf32, #tpu.memory_space<vmem>>) offsets(%arg5 : memref<320xi32, #tpu.memory_space<vmem>>) semaphore(%arg9 : memref<!tpu.dma_semaphore, #tpu.memory_space<semaphore_mem>>)
    %mul3A_9 = arith.constant 128 : i32
    %mul3A_10 = arith.muli %add3A, %mul3A_9 : i32
    %add3A_11 = arith.constant 8 : i32
    %add3A_12 = arith.addi %mul3A_10, %add3A_11 : i32
    %mul3A_13 = arith.constant 40 : i32
    %mul3A_14 = arith.muli %add3A_12, %mul3A_13 : i32
    "tpu.region"() ({
      %run_scoped3A = tpu.sem_alloc : memref<!tpu.dma_semaphore, #tpu.memory_space<semaphore_mem>>
      %dma_start3A_415 = tpu.memref_slice %arg2[%mul3A_14] : memref<163840xi32, #tpu.memory_space<hbm>> -> memref<320xi32, #tpu.memory_space<hbm>>
      %dma_start3A_416 = tpu.memref_slice %arg2[%mul3A_14] : memref<163840xi32, #tpu.memory_space<hbm>> -> memref<320xi32, #tpu.memory_space<hbm>>
      tpu.enqueue_dma source(%dma_start3A_416 : memref<320xi32, #tpu.memory_space<hbm>>) target(%arg6 : memref<320xi32, #tpu.memory_space<vmem>>) target_semaphore(%run_scoped3A : memref<!tpu.dma_semaphore, #tpu.memory_space<semaphore_mem>>)
      %dma_wait3A_417 = tpu.memref_slice %arg2[%mul3A_14] : memref<163840xi32, #tpu.memory_space<hbm>> -> memref<320xi32, #tpu.memory_space<hbm>>
      %dma_wait3A_418 = tpu.memref_slice %arg2[%mul3A_14] : memref<163840xi32, #tpu.memory_space<hbm>> -> memref<320xi32, #tpu.memory_space<hbm>>
      tpu.wait_dma2 semaphore(%run_scoped3A : memref<!tpu.dma_semaphore, #tpu.memory_space<semaphore_mem>>) src(%dma_wait3A_418 : memref<320xi32, #tpu.memory_space<hbm>>) dst(%arg6 : memref<320xi32, #tpu.memory_space<vmem>>)
      tpu.yield
    }) : () -> ()
    %dma_start3A_15 = arith.constant 0 : i32
    %dma_start3A_16 = arith.constant 0 : i32
    %dma_start3A_17 = tpu.memref_slice %arg3[%dma_start3A_15, %dma_start3A_16] : memref<102400x128xf32, #tpu.memory_space<hbm>> -> memref<102400x128xf32, #tpu.memory_space<hbm>>
    tpu.enqueue_indirect_dma source(%dma_start3A_17 : memref<102400x128xf32, #tpu.memory_space<hbm>>) target(%arg8 : memref<320x128xf32, #tpu.memory_space<vmem>>) offsets(%arg6 : memref<320xi32, #tpu.memory_space<vmem>>) semaphore(%arg10 : memref<!tpu.dma_semaphore, #tpu.memory_space<semaphore_mem>>)
    %dma_wait3A = arith.constant 0 : i32
    %dma_wait3A_18 = arith.constant 0 : i32
    %dma_wait3A_19 = tpu.memref_slice %arg3[%dma_wait3A, %dma_wait3A_18] : memref<102400x128xf32, #tpu.memory_space<hbm>> -> memref<102400x128xf32, #tpu.memory_space<hbm>>
    tpu.wait_indirect_dma semaphore(%arg9 : memref<!tpu.dma_semaphore, #tpu.memory_space<semaphore_mem>>) src(%dma_wait3A_19 : memref<102400x128xf32, #tpu.memory_space<hbm>>) dst(%arg7 : memref<320x128xf32, #tpu.memory_space<vmem>>)
    %mul3A_20 = arith.constant 128 : i32
    %mul3A_21 = arith.muli %add3A, %mul3A_20 : i32
    %add3A_22 = arith.constant 0 : i32
    %add3A_23 = arith.addi %mul3A_21, %add3A_22 : i32
    %mul3A_24 = arith.constant 40 : i32
    %mul3A_25 = arith.muli %add3A_23, %mul3A_24 : i32
    %dma_start3A_26 = arith.constant 0 : i32
    %dma_start3A_27 = tpu.memref_slice %arg4[%mul3A_25, %dma_start3A_26] : memref<163840x128xf32, #tpu.memory_space<hbm>> -> memref<320x128xf32, #tpu.memory_space<hbm>>
    %dma_start3A_28 = arith.constant 0 : i32
    %dma_start3A_29 = tpu.memref_slice %arg4[%mul3A_25, %dma_start3A_28] : memref<163840x128xf32, #tpu.memory_space<hbm>> -> memref<320x128xf32, #tpu.memory_space<hbm>>
    tpu.enqueue_dma source(%arg7 : memref<320x128xf32, #tpu.memory_space<vmem>>) target(%dma_start3A_29 : memref<320x128xf32, #tpu.memory_space<hbm>>) target_semaphore(%arg11 : memref<!tpu.dma_semaphore, #tpu.memory_space<semaphore_mem>>)
    %dma_wait3A_30 = arith.constant 0 : i32
    %dma_wait3A_31 = tpu.memref_slice %arg4[%mul3A_25, %dma_wait3A_30] : memref<163840x128xf32, #tpu.memory_space<hbm>> -> memref<320x128xf32, #tpu.memory_space<hbm>>
    %dma_wait3A_32 = arith.constant 0 : i32
    %dma_wait3A_33 = tpu.memref_slice %arg4[%mul3A_25, %dma_wait3A_32] : memref<163840x128xf32, #tpu.memory_space<hbm>> -> memref<320x128xf32, #tpu.memory_space<hbm>>
    tpu.wait_dma2 semaphore(%arg11 : memref<!tpu.dma_semaphore, #tpu.memory_space<semaphore_mem>>) src(%arg7 : memref<320x128xf32, #tpu.memory_space<vmem>>) dst(%dma_wait3A_33 : memref<320x128xf32, #tpu.memory_space<hbm>>)
    %mul3A_34 = arith.constant 128 : i32
    %mul3A_35 = arith.muli %add3A, %mul3A_34 : i32
    %add3A_36 = arith.constant 16 : i32
    %add3A_37 = arith.addi %mul3A_35, %add3A_36 : i32
    %mul3A_38 = arith.constant 40 : i32
    %mul3A_39 = arith.muli %add3A_37, %mul3A_38 : i32
    "tpu.region"() ({
      %run_scoped3A = tpu.sem_alloc : memref<!tpu.dma_semaphore, #tpu.memory_space<semaphore_mem>>
      %dma_start3A_415 = tpu.memref_slice %arg2[%mul3A_39] : memref<163840xi32, #tpu.memory_space<hbm>> -> memref<320xi32, #tpu.memory_space<hbm>>
      %dma_start3A_416 = tpu.memref_slice %arg2[%mul3A_39] : memref<163840xi32, #tpu.memory_space<hbm>> -> memref<320xi32, #tpu.memory_space<hbm>>
      tpu.enqueue_dma source(%dma_start3A_416 : memref<320xi32, #tpu.memory_space<hbm>>) target(%arg5 : memref<320xi32, #tpu.memory_space<vmem>>) target_semaphore(%run_scoped3A : memref<!tpu.dma_semaphore, #tpu.memory_space<semaphore_mem>>)
      %dma_wait3A_417 = tpu.memref_slice %arg2[%mul3A_39] : memref<163840xi32, #tpu.memory_space<hbm>> -> memref<320xi32, #tpu.memory_space<hbm>>
      %dma_wait3A_418 = tpu.memref_slice %arg2[%mul3A_39] : memref<163840xi32, #tpu.memory_space<hbm>> -> memref<320xi32, #tpu.memory_space<hbm>>
      tpu.wait_dma2 semaphore(%run_scoped3A : memref<!tpu.dma_semaphore, #tpu.memory_space<semaphore_mem>>) src(%dma_wait3A_418 : memref<320xi32, #tpu.memory_space<hbm>>) dst(%arg5 : memref<320xi32, #tpu.memory_space<vmem>>)
      tpu.yield
    }) : () -> ()
    %dma_start3A_40 = arith.constant 0 : i32
    %dma_start3A_41 = arith.constant 0 : i32
    %dma_start3A_42 = tpu.memref_slice %arg3[%dma_start3A_40, %dma_start3A_41] : memref<102400x128xf32, #tpu.memory_space<hbm>> -> memref<102400x128xf32, #tpu.memory_space<hbm>>
    tpu.enqueue_indirect_dma source(%dma_start3A_42 : memref<102400x128xf32, #tpu.memory_space<hbm>>) target(%arg7 : memref<320x128xf32, #tpu.memory_space<vmem>>) offsets(%arg5 : memref<320xi32, #tpu.memory_space<vmem>>) semaphore(%arg9 : memref<!tpu.dma_semaphore, #tpu.memory_space<semaphore_mem>>)
    %dma_wait3A_43 = arith.constant 0 : i32
    %dma_wait3A_44 = arith.constant 0 : i32
    %dma_wait3A_45 = tpu.memref_slice %arg3[%dma_wait3A_43, %dma_wait3A_44] : memref<102400x128xf32, #tpu.memory_space<hbm>> -> memref<102400x128xf32, #tpu.memory_space<hbm>>
    tpu.wait_indirect_dma semaphore(%arg10 : memref<!tpu.dma_semaphore, #tpu.memory_space<semaphore_mem>>) src(%dma_wait3A_45 : memref<102400x128xf32, #tpu.memory_space<hbm>>) dst(%arg8 : memref<320x128xf32, #tpu.memory_space<vmem>>)
    %mul3A_46 = arith.constant 128 : i32
    %mul3A_47 = arith.muli %add3A, %mul3A_46 : i32
    %add3A_48 = arith.constant 8 : i32
    %add3A_49 = arith.addi %mul3A_47, %add3A_48 : i32
    %mul3A_50 = arith.constant 40 : i32
    %mul3A_51 = arith.muli %add3A_49, %mul3A_50 : i32
    %dma_start3A_52 = arith.constant 0 : i32
    %dma_start3A_53 = tpu.memref_slice %arg4[%mul3A_51, %dma_start3A_52] : memref<163840x128xf32, #tpu.memory_space<hbm>> -> memref<320x128xf32, #tpu.memory_space<hbm>>
    %dma_start3A_54 = arith.constant 0 : i32
    %dma_start3A_55 = tpu.memref_slice %arg4[%mul3A_51, %dma_start3A_54] : memref<163840x128xf32, #tpu.memory_space<hbm>> -> memref<320x128xf32, #tpu.memory_space<hbm>>
    tpu.enqueue_dma source(%arg8 : memref<320x128xf32, #tpu.memory_space<vmem>>) target(%dma_start3A_55 : memref<320x128xf32, #tpu.memory_space<hbm>>) target_semaphore(%arg12 : memref<!tpu.dma_semaphore, #tpu.memory_space<semaphore_mem>>)
    %dma_wait3A_56 = arith.constant 0 : i32
    %dma_wait3A_57 = tpu.memref_slice %arg4[%mul3A_51, %dma_wait3A_56] : memref<163840x128xf32, #tpu.memory_space<hbm>> -> memref<320x128xf32, #tpu.memory_space<hbm>>
    %dma_wait3A_58 = arith.constant 0 : i32
    %dma_wait3A_59 = tpu.memref_slice %arg4[%mul3A_51, %dma_wait3A_58] : memref<163840x128xf32, #tpu.memory_space<hbm>> -> memref<320x128xf32, #tpu.memory_space<hbm>>
    tpu.wait_dma2 semaphore(%arg12 : memref<!tpu.dma_semaphore, #tpu.memory_space<semaphore_mem>>) src(%arg8 : memref<320x128xf32, #tpu.memory_space<vmem>>) dst(%dma_wait3A_59 : memref<320x128xf32, #tpu.memory_space<hbm>>)
    %mul3A_60 = arith.constant 128 : i32
    %mul3A_61 = arith.muli %add3A, %mul3A_60 : i32
    %add3A_62 = arith.constant 24 : i32
    %add3A_63 = arith.addi %mul3A_61, %add3A_62 : i32
    %mul3A_64 = arith.constant 40 : i32
    %mul3A_65 = arith.muli %add3A_63, %mul3A_64 : i32
    "tpu.region"() ({
      %run_scoped3A = tpu.sem_alloc : memref<!tpu.dma_semaphore, #tpu.memory_space<semaphore_mem>>
      %dma_start3A_415 = tpu.memref_slice %arg2[%mul3A_65] : memref<163840xi32, #tpu.memory_space<hbm>> -> memref<320xi32, #tpu.memory_space<hbm>>
      %dma_start3A_416 = tpu.memref_slice %arg2[%mul3A_65] : memref<163840xi32, #tpu.memory_space<hbm>> -> memref<320xi32, #tpu.memory_space<hbm>>
      tpu.enqueue_dma source(%dma_start3A_416 : memref<320xi32, #tpu.memory_space<hbm>>) target(%arg6 : memref<320xi32, #tpu.memory_space<vmem>>) target_semaphore(%run_scoped3A : memref<!tpu.dma_semaphore, #tpu.memory_space<semaphore_mem>>)
      %dma_wait3A_417 = tpu.memref_slice %arg2[%mul3A_65] : memref<163840xi32, #tpu.memory_space<hbm>> -> memref<320xi32, #tpu.memory_space<hbm>>
      %dma_wait3A_418 = tpu.memref_slice %arg2[%mul3A_65] : memref<163840xi32, #tpu.memory_space<hbm>> -> memref<320xi32, #tpu.memory_space<hbm>>
      tpu.wait_dma2 semaphore(%run_scoped3A : memref<!tpu.dma_semaphore, #tpu.memory_space<semaphore_mem>>) src(%dma_wait3A_418 : memref<320xi32, #tpu.memory_space<hbm>>) dst(%arg6 : memref<320xi32, #tpu.memory_space<vmem>>)
      tpu.yield
    }) : () -> ()
    %dma_start3A_66 = arith.constant 0 : i32
    %dma_start3A_67 = arith.constant 0 : i32
    %dma_start3A_68 = tpu.memref_slice %arg3[%dma_start3A_66, %dma_start3A_67] : memref<102400x128xf32, #tpu.memory_space<hbm>> -> memref<102400x128xf32, #tpu.memory_space<hbm>>
    tpu.enqueue_indirect_dma source(%dma_start3A_68 : memref<102400x128xf32, #tpu.memory_space<hbm>>) target(%arg8 : memref<320x128xf32, #tpu.memory_space<vmem>>) offsets(%arg6 : memref<320xi32, #tpu.memory_space<vmem>>) semaphore(%arg10 : memref<!tpu.dma_semaphore, #tpu.memory_space<semaphore_mem>>)
    %dma_wait3A_69 = arith.constant 0 : i32
    %dma_wait3A_70 = arith.constant 0 : i32
    %dma_wait3A_71 = tpu.memref_slice %arg3[%dma_wait3A_69, %dma_wait3A_70] : memref<102400x128xf32, #tpu.memory_space<hbm>> -> memref<102400x128xf32, #tpu.memory_space<hbm>>
    tpu.wait_indirect_dma semaphore(%arg9 : memref<!tpu.dma_semaphore, #tpu.memory_space<semaphore_mem>>) src(%dma_wait3A_71 : memref<102400x128xf32, #tpu.memory_space<hbm>>) dst(%arg7 : memref<320x128xf32, #tpu.memory_space<vmem>>)
    %mul3A_72 = arith.constant 128 : i32
    %mul3A_73 = arith.muli %add3A, %mul3A_72 : i32
    %add3A_74 = arith.constant 16 : i32
    %add3A_75 = arith.addi %mul3A_73, %add3A_74 : i32
    %mul3A_76 = arith.constant 40 : i32
    %mul3A_77 = arith.muli %add3A_75, %mul3A_76 : i32
    %dma_start3A_78 = arith.constant 0 : i32
    %dma_start3A_79 = tpu.memref_slice %arg4[%mul3A_77, %dma_start3A_78] : memref<163840x128xf32, #tpu.memory_space<hbm>> -> memref<320x128xf32, #tpu.memory_space<hbm>>
    %dma_start3A_80 = arith.constant 0 : i32
    %dma_start3A_81 = tpu.memref_slice %arg4[%mul3A_77, %dma_start3A_80] : memref<163840x128xf32, #tpu.memory_space<hbm>> -> memref<320x128xf32, #tpu.memory_space<hbm>>
    tpu.enqueue_dma source(%arg7 : memref<320x128xf32, #tpu.memory_space<vmem>>) target(%dma_start3A_81 : memref<320x128xf32, #tpu.memory_space<hbm>>) target_semaphore(%arg11 : memref<!tpu.dma_semaphore, #tpu.memory_space<semaphore_mem>>)
    %dma_wait3A_82 = arith.constant 0 : i32
    %dma_wait3A_83 = tpu.memref_slice %arg4[%mul3A_77, %dma_wait3A_82] : memref<163840x128xf32, #tpu.memory_space<hbm>> -> memref<320x128xf32, #tpu.memory_space<hbm>>
    %dma_wait3A_84 = arith.constant 0 : i32
    %dma_wait3A_85 = tpu.memref_slice %arg4[%mul3A_77, %dma_wait3A_84] : memref<163840x128xf32, #tpu.memory_space<hbm>> -> memref<320x128xf32, #tpu.memory_space<hbm>>
    tpu.wait_dma2 semaphore(%arg11 : memref<!tpu.dma_semaphore, #tpu.memory_space<semaphore_mem>>) src(%arg7 : memref<320x128xf32, #tpu.memory_space<vmem>>) dst(%dma_wait3A_85 : memref<320x128xf32, #tpu.memory_space<hbm>>)
    %mul3A_86 = arith.constant 128 : i32
    %mul3A_87 = arith.muli %add3A, %mul3A_86 : i32
    %add3A_88 = arith.constant 32 : i32
    %add3A_89 = arith.addi %mul3A_87, %add3A_88 : i32
    %mul3A_90 = arith.constant 40 : i32
    %mul3A_91 = arith.muli %add3A_89, %mul3A_90 : i32
    "tpu.region"() ({
      %run_scoped3A = tpu.sem_alloc : memref<!tpu.dma_semaphore, #tpu.memory_space<semaphore_mem>>
      %dma_start3A_415 = tpu.memref_slice %arg2[%mul3A_91] : memref<163840xi32, #tpu.memory_space<hbm>> -> memref<320xi32, #tpu.memory_space<hbm>>
      %dma_start3A_416 = tpu.memref_slice %arg2[%mul3A_91] : memref<163840xi32, #tpu.memory_space<hbm>> -> memref<320xi32, #tpu.memory_space<hbm>>
      tpu.enqueue_dma source(%dma_start3A_416 : memref<320xi32, #tpu.memory_space<hbm>>) target(%arg5 : memref<320xi32, #tpu.memory_space<vmem>>) target_semaphore(%run_scoped3A : memref<!tpu.dma_semaphore, #tpu.memory_space<semaphore_mem>>)
      %dma_wait3A_417 = tpu.memref_slice %arg2[%mul3A_91] : memref<163840xi32, #tpu.memory_space<hbm>> -> memref<320xi32, #tpu.memory_space<hbm>>
      %dma_wait3A_418 = tpu.memref_slice %arg2[%mul3A_91] : memref<163840xi32, #tpu.memory_space<hbm>> -> memref<320xi32, #tpu.memory_space<hbm>>
      tpu.wait_dma2 semaphore(%run_scoped3A : memref<!tpu.dma_semaphore, #tpu.memory_space<semaphore_mem>>) src(%dma_wait3A_418 : memref<320xi32, #tpu.memory_space<hbm>>) dst(%arg5 : memref<320xi32, #tpu.memory_space<vmem>>)
      tpu.yield
    }) : () -> ()
    %dma_start3A_92 = arith.constant 0 : i32
    %dma_start3A_93 = arith.constant 0 : i32
    %dma_start3A_94 = tpu.memref_slice %arg3[%dma_start3A_92, %dma_start3A_93] : memref<102400x128xf32, #tpu.memory_space<hbm>> -> memref<102400x128xf32, #tpu.memory_space<hbm>>
    tpu.enqueue_indirect_dma source(%dma_start3A_94 : memref<102400x128xf32, #tpu.memory_space<hbm>>) target(%arg7 : memref<320x128xf32, #tpu.memory_space<vmem>>) offsets(%arg5 : memref<320xi32, #tpu.memory_space<vmem>>) semaphore(%arg9 : memref<!tpu.dma_semaphore, #tpu.memory_space<semaphore_mem>>)
    %dma_wait3A_95 = arith.constant 0 : i32
    %dma_wait3A_96 = arith.constant 0 : i32
    %dma_wait3A_97 = tpu.memref_slice %arg3[%dma_wait3A_95, %dma_wait3A_96] : memref<102400x128xf32, #tpu.memory_space<hbm>> -> memref<102400x128xf32, #tpu.memory_space<hbm>>
    tpu.wait_indirect_dma semaphore(%arg10 : memref<!tpu.dma_semaphore, #tpu.memory_space<semaphore_mem>>) src(%dma_wait3A_97 : memref<102400x128xf32, #tpu.memory_space<hbm>>) dst(%arg8 : memref<320x128xf32, #tpu.memory_space<vmem>>)
    %mul3A_98 = arith.constant 128 : i32
    %mul3A_99 = arith.muli %add3A, %mul3A_98 : i32
    %add3A_100 = arith.constant 24 : i32
    %add3A_101 = arith.addi %mul3A_99, %add3A_100 : i32
    %mul3A_102 = arith.constant 40 : i32
    %mul3A_103 = arith.muli %add3A_101, %mul3A_102 : i32
    %dma_start3A_104 = arith.constant 0 : i32
    %dma_start3A_105 = tpu.memref_slice %arg4[%mul3A_103, %dma_start3A_104] : memref<163840x128xf32, #tpu.memory_space<hbm>> -> memref<320x128xf32, #tpu.memory_space<hbm>>
    %dma_start3A_106 = arith.constant 0 : i32
    %dma_start3A_107 = tpu.memref_slice %arg4[%mul3A_103, %dma_start3A_106] : memref<163840x128xf32, #tpu.memory_space<hbm>> -> memref<320x128xf32, #tpu.memory_space<hbm>>
    tpu.enqueue_dma source(%arg8 : memref<320x128xf32, #tpu.memory_space<vmem>>) target(%dma_start3A_107 : memref<320x128xf32, #tpu.memory_space<hbm>>) target_semaphore(%arg12 : memref<!tpu.dma_semaphore, #tpu.memory_space<semaphore_mem>>)
    %dma_wait3A_108 = arith.constant 0 : i32
    %dma_wait3A_109 = tpu.memref_slice %arg4[%mul3A_103, %dma_wait3A_108] : memref<163840x128xf32, #tpu.memory_space<hbm>> -> memref<320x128xf32, #tpu.memory_space<hbm>>
    %dma_wait3A_110 = arith.constant 0 : i32
    %dma_wait3A_111 = tpu.memref_slice %arg4[%mul3A_103, %dma_wait3A_110] : memref<163840x128xf32, #tpu.memory_space<hbm>> -> memref<320x128xf32, #tpu.memory_space<hbm>>
    tpu.wait_dma2 semaphore(%arg12 : memref<!tpu.dma_semaphore, #tpu.memory_space<semaphore_mem>>) src(%arg8 : memref<320x128xf32, #tpu.memory_space<vmem>>) dst(%dma_wait3A_111 : memref<320x128xf32, #tpu.memory_space<hbm>>)
    %mul3A_112 = arith.constant 128 : i32
    %mul3A_113 = arith.muli %add3A, %mul3A_112 : i32
    %add3A_114 = arith.constant 40 : i32
    %add3A_115 = arith.addi %mul3A_113, %add3A_114 : i32
    %mul3A_116 = arith.constant 40 : i32
    %mul3A_117 = arith.muli %add3A_115, %mul3A_116 : i32
    "tpu.region"() ({
      %run_scoped3A = tpu.sem_alloc : memref<!tpu.dma_semaphore, #tpu.memory_space<semaphore_mem>>
      %dma_start3A_415 = tpu.memref_slice %arg2[%mul3A_117] : memref<163840xi32, #tpu.memory_space<hbm>> -> memref<320xi32, #tpu.memory_space<hbm>>
      %dma_start3A_416 = tpu.memref_slice %arg2[%mul3A_117] : memref<163840xi32, #tpu.memory_space<hbm>> -> memref<320xi32, #tpu.memory_space<hbm>>
      tpu.enqueue_dma source(%dma_start3A_416 : memref<320xi32, #tpu.memory_space<hbm>>) target(%arg6 : memref<320xi32, #tpu.memory_space<vmem>>) target_semaphore(%run_scoped3A : memref<!tpu.dma_semaphore, #tpu.memory_space<semaphore_mem>>)
      %dma_wait3A_417 = tpu.memref_slice %arg2[%mul3A_117] : memref<163840xi32, #tpu.memory_space<hbm>> -> memref<320xi32, #tpu.memory_space<hbm>>
      %dma_wait3A_418 = tpu.memref_slice %arg2[%mul3A_117] : memref<163840xi32, #tpu.memory_space<hbm>> -> memref<320xi32, #tpu.memory_space<hbm>>
      tpu.wait_dma2 semaphore(%run_scoped3A : memref<!tpu.dma_semaphore, #tpu.memory_space<semaphore_mem>>) src(%dma_wait3A_418 : memref<320xi32, #tpu.memory_space<hbm>>) dst(%arg6 : memref<320xi32, #tpu.memory_space<vmem>>)
      tpu.yield
    }) : () -> ()
    %dma_start3A_118 = arith.constant 0 : i32
    %dma_start3A_119 = arith.constant 0 : i32
    %dma_start3A_120 = tpu.memref_slice %arg3[%dma_start3A_118, %dma_start3A_119] : memref<102400x128xf32, #tpu.memory_space<hbm>> -> memref<102400x128xf32, #tpu.memory_space<hbm>>
    tpu.enqueue_indirect_dma source(%dma_start3A_120 : memref<102400x128xf32, #tpu.memory_space<hbm>>) target(%arg8 : memref<320x128xf32, #tpu.memory_space<vmem>>) offsets(%arg6 : memref<320xi32, #tpu.memory_space<vmem>>) semaphore(%arg10 : memref<!tpu.dma_semaphore, #tpu.memory_space<semaphore_mem>>)
    %dma_wait3A_121 = arith.constant 0 : i32
    %dma_wait3A_122 = arith.constant 0 : i32
    %dma_wait3A_123 = tpu.memref_slice %arg3[%dma_wait3A_121, %dma_wait3A_122] : memref<102400x128xf32, #tpu.memory_space<hbm>> -> memref<102400x128xf32, #tpu.memory_space<hbm>>
    tpu.wait_indirect_dma semaphore(%arg9 : memref<!tpu.dma_semaphore, #tpu.memory_space<semaphore_mem>>) src(%dma_wait3A_123 : memref<102400x128xf32, #tpu.memory_space<hbm>>) dst(%arg7 : memref<320x128xf32, #tpu.memory_space<vmem>>)
    %mul3A_124 = arith.constant 128 : i32
    %mul3A_125 = arith.muli %add3A, %mul3A_124 : i32
    %add3A_126 = arith.constant 32 : i32
    %add3A_127 = arith.addi %mul3A_125, %add3A_126 : i32
    %mul3A_128 = arith.constant 40 : i32
    %mul3A_129 = arith.muli %add3A_127, %mul3A_128 : i32
    %dma_start3A_130 = arith.constant 0 : i32
    %dma_start3A_131 = tpu.memref_slice %arg4[%mul3A_129, %dma_start3A_130] : memref<163840x128xf32, #tpu.memory_space<hbm>> -> memref<320x128xf32, #tpu.memory_space<hbm>>
    %dma_start3A_132 = arith.constant 0 : i32
    %dma_start3A_133 = tpu.memref_slice %arg4[%mul3A_129, %dma_start3A_132] : memref<163840x128xf32, #tpu.memory_space<hbm>> -> memref<320x128xf32, #tpu.memory_space<hbm>>
    tpu.enqueue_dma source(%arg7 : memref<320x128xf32, #tpu.memory_space<vmem>>) target(%dma_start3A_133 : memref<320x128xf32, #tpu.memory_space<hbm>>) target_semaphore(%arg11 : memref<!tpu.dma_semaphore, #tpu.memory_space<semaphore_mem>>)
    %dma_wait3A_134 = arith.constant 0 : i32
    %dma_wait3A_135 = tpu.memref_slice %arg4[%mul3A_129, %dma_wait3A_134] : memref<163840x128xf32, #tpu.memory_space<hbm>> -> memref<320x128xf32, #tpu.memory_space<hbm>>
    %dma_wait3A_136 = arith.constant 0 : i32
    %dma_wait3A_137 = tpu.memref_slice %arg4[%mul3A_129, %dma_wait3A_136] : memref<163840x128xf32, #tpu.memory_space<hbm>> -> memref<320x128xf32, #tpu.memory_space<hbm>>
    tpu.wait_dma2 semaphore(%arg11 : memref<!tpu.dma_semaphore, #tpu.memory_space<semaphore_mem>>) src(%arg7 : memref<320x128xf32, #tpu.memory_space<vmem>>) dst(%dma_wait3A_137 : memref<320x128xf32, #tpu.memory_space<hbm>>)
    %mul3A_138 = arith.constant 128 : i32
    %mul3A_139 = arith.muli %add3A, %mul3A_138 : i32
    %add3A_140 = arith.constant 48 : i32
    %add3A_141 = arith.addi %mul3A_139, %add3A_140 : i32
    %mul3A_142 = arith.constant 40 : i32
    %mul3A_143 = arith.muli %add3A_141, %mul3A_142 : i32
    "tpu.region"() ({
      %run_scoped3A = tpu.sem_alloc : memref<!tpu.dma_semaphore, #tpu.memory_space<semaphore_mem>>
      %dma_start3A_415 = tpu.memref_slice %arg2[%mul3A_143] : memref<163840xi32, #tpu.memory_space<hbm>> -> memref<320xi32, #tpu.memory_space<hbm>>
      %dma_start3A_416 = tpu.memref_slice %arg2[%mul3A_143] : memref<163840xi32, #tpu.memory_space<hbm>> -> memref<320xi32, #tpu.memory_space<hbm>>
      tpu.enqueue_dma source(%dma_start3A_416 : memref<320xi32, #tpu.memory_space<hbm>>) target(%arg5 : memref<320xi32, #tpu.memory_space<vmem>>) target_semaphore(%run_scoped3A : memref<!tpu.dma_semaphore, #tpu.memory_space<semaphore_mem>>)
      %dma_wait3A_417 = tpu.memref_slice %arg2[%mul3A_143] : memref<163840xi32, #tpu.memory_space<hbm>> -> memref<320xi32, #tpu.memory_space<hbm>>
      %dma_wait3A_418 = tpu.memref_slice %arg2[%mul3A_143] : memref<163840xi32, #tpu.memory_space<hbm>> -> memref<320xi32, #tpu.memory_space<hbm>>
      tpu.wait_dma2 semaphore(%run_scoped3A : memref<!tpu.dma_semaphore, #tpu.memory_space<semaphore_mem>>) src(%dma_wait3A_418 : memref<320xi32, #tpu.memory_space<hbm>>) dst(%arg5 : memref<320xi32, #tpu.memory_space<vmem>>)
      tpu.yield
    }) : () -> ()
    %dma_start3A_144 = arith.constant 0 : i32
    %dma_start3A_145 = arith.constant 0 : i32
    %dma_start3A_146 = tpu.memref_slice %arg3[%dma_start3A_144, %dma_start3A_145] : memref<102400x128xf32, #tpu.memory_space<hbm>> -> memref<102400x128xf32, #tpu.memory_space<hbm>>
    tpu.enqueue_indirect_dma source(%dma_start3A_146 : memref<102400x128xf32, #tpu.memory_space<hbm>>) target(%arg7 : memref<320x128xf32, #tpu.memory_space<vmem>>) offsets(%arg5 : memref<320xi32, #tpu.memory_space<vmem>>) semaphore(%arg9 : memref<!tpu.dma_semaphore, #tpu.memory_space<semaphore_mem>>)
    %dma_wait3A_147 = arith.constant 0 : i32
    %dma_wait3A_148 = arith.constant 0 : i32
    %dma_wait3A_149 = tpu.memref_slice %arg3[%dma_wait3A_147, %dma_wait3A_148] : memref<102400x128xf32, #tpu.memory_space<hbm>> -> memref<102400x128xf32, #tpu.memory_space<hbm>>
    tpu.wait_indirect_dma semaphore(%arg10 : memref<!tpu.dma_semaphore, #tpu.memory_space<semaphore_mem>>) src(%dma_wait3A_149 : memref<102400x128xf32, #tpu.memory_space<hbm>>) dst(%arg8 : memref<320x128xf32, #tpu.memory_space<vmem>>)
    %mul3A_150 = arith.constant 128 : i32
    %mul3A_151 = arith.muli %add3A, %mul3A_150 : i32
    %add3A_152 = arith.constant 40 : i32
    %add3A_153 = arith.addi %mul3A_151, %add3A_152 : i32
    %mul3A_154 = arith.constant 40 : i32
    %mul3A_155 = arith.muli %add3A_153, %mul3A_154 : i32
    %dma_start3A_156 = arith.constant 0 : i32
    %dma_start3A_157 = tpu.memref_slice %arg4[%mul3A_155, %dma_start3A_156] : memref<163840x128xf32, #tpu.memory_space<hbm>> -> memref<320x128xf32, #tpu.memory_space<hbm>>
    %dma_start3A_158 = arith.constant 0 : i32
    %dma_start3A_159 = tpu.memref_slice %arg4[%mul3A_155, %dma_start3A_158] : memref<163840x128xf32, #tpu.memory_space<hbm>> -> memref<320x128xf32, #tpu.memory_space<hbm>>
    tpu.enqueue_dma source(%arg8 : memref<320x128xf32, #tpu.memory_space<vmem>>) target(%dma_start3A_159 : memref<320x128xf32, #tpu.memory_space<hbm>>) target_semaphore(%arg12 : memref<!tpu.dma_semaphore, #tpu.memory_space<semaphore_mem>>)
    %dma_wait3A_160 = arith.constant 0 : i32
    %dma_wait3A_161 = tpu.memref_slice %arg4[%mul3A_155, %dma_wait3A_160] : memref<163840x128xf32, #tpu.memory_space<hbm>> -> memref<320x128xf32, #tpu.memory_space<hbm>>
    %dma_wait3A_162 = arith.constant 0 : i32
    %dma_wait3A_163 = tpu.memref_slice %arg4[%mul3A_155, %dma_wait3A_162] : memref<163840x128xf32, #tpu.memory_space<hbm>> -> memref<320x128xf32, #tpu.memory_space<hbm>>
    tpu.wait_dma2 semaphore(%arg12 : memref<!tpu.dma_semaphore, #tpu.memory_space<semaphore_mem>>) src(%arg8 : memref<320x128xf32, #tpu.memory_space<vmem>>) dst(%dma_wait3A_163 : memref<320x128xf32, #tpu.memory_space<hbm>>)
    %mul3A_164 = arith.constant 128 : i32
    %mul3A_165 = arith.muli %add3A, %mul3A_164 : i32
    %add3A_166 = arith.constant 56 : i32
    %add3A_167 = arith.addi %mul3A_165, %add3A_166 : i32
    %mul3A_168 = arith.constant 40 : i32
    %mul3A_169 = arith.muli %add3A_167, %mul3A_168 : i32
    "tpu.region"() ({
      %run_scoped3A = tpu.sem_alloc : memref<!tpu.dma_semaphore, #tpu.memory_space<semaphore_mem>>
      %dma_start3A_415 = tpu.memref_slice %arg2[%mul3A_169] : memref<163840xi32, #tpu.memory_space<hbm>> -> memref<320xi32, #tpu.memory_space<hbm>>
      %dma_start3A_416 = tpu.memref_slice %arg2[%mul3A_169] : memref<163840xi32, #tpu.memory_space<hbm>> -> memref<320xi32, #tpu.memory_space<hbm>>
      tpu.enqueue_dma source(%dma_start3A_416 : memref<320xi32, #tpu.memory_space<hbm>>) target(%arg6 : memref<320xi32, #tpu.memory_space<vmem>>) target_semaphore(%run_scoped3A : memref<!tpu.dma_semaphore, #tpu.memory_space<semaphore_mem>>)
      %dma_wait3A_417 = tpu.memref_slice %arg2[%mul3A_169] : memref<163840xi32, #tpu.memory_space<hbm>> -> memref<320xi32, #tpu.memory_space<hbm>>
      %dma_wait3A_418 = tpu.memref_slice %arg2[%mul3A_169] : memref<163840xi32, #tpu.memory_space<hbm>> -> memref<320xi32, #tpu.memory_space<hbm>>
      tpu.wait_dma2 semaphore(%run_scoped3A : memref<!tpu.dma_semaphore, #tpu.memory_space<semaphore_mem>>) src(%dma_wait3A_418 : memref<320xi32, #tpu.memory_space<hbm>>) dst(%arg6 : memref<320xi32, #tpu.memory_space<vmem>>)
      tpu.yield
    }) : () -> ()
    %dma_start3A_170 = arith.constant 0 : i32
    %dma_start3A_171 = arith.constant 0 : i32
    %dma_start3A_172 = tpu.memref_slice %arg3[%dma_start3A_170, %dma_start3A_171] : memref<102400x128xf32, #tpu.memory_space<hbm>> -> memref<102400x128xf32, #tpu.memory_space<hbm>>
    tpu.enqueue_indirect_dma source(%dma_start3A_172 : memref<102400x128xf32, #tpu.memory_space<hbm>>) target(%arg8 : memref<320x128xf32, #tpu.memory_space<vmem>>) offsets(%arg6 : memref<320xi32, #tpu.memory_space<vmem>>) semaphore(%arg10 : memref<!tpu.dma_semaphore, #tpu.memory_space<semaphore_mem>>)
    %dma_wait3A_173 = arith.constant 0 : i32
    %dma_wait3A_174 = arith.constant 0 : i32
    %dma_wait3A_175 = tpu.memref_slice %arg3[%dma_wait3A_173, %dma_wait3A_174] : memref<102400x128xf32, #tpu.memory_space<hbm>> -> memref<102400x128xf32, #tpu.memory_space<hbm>>
    tpu.wait_indirect_dma semaphore(%arg9 : memref<!tpu.dma_semaphore, #tpu.memory_space<semaphore_mem>>) src(%dma_wait3A_175 : memref<102400x128xf32, #tpu.memory_space<hbm>>) dst(%arg7 : memref<320x128xf32, #tpu.memory_space<vmem>>)
    %mul3A_176 = arith.constant 128 : i32
    %mul3A_177 = arith.muli %add3A, %mul3A_176 : i32
    %add3A_178 = arith.constant 48 : i32
    %add3A_179 = arith.addi %mul3A_177, %add3A_178 : i32
    %mul3A_180 = arith.constant 40 : i32
    %mul3A_181 = arith.muli %add3A_179, %mul3A_180 : i32
    %dma_start3A_182 = arith.constant 0 : i32
    %dma_start3A_183 = tpu.memref_slice %arg4[%mul3A_181, %dma_start3A_182] : memref<163840x128xf32, #tpu.memory_space<hbm>> -> memref<320x128xf32, #tpu.memory_space<hbm>>
    %dma_start3A_184 = arith.constant 0 : i32
    %dma_start3A_185 = tpu.memref_slice %arg4[%mul3A_181, %dma_start3A_184] : memref<163840x128xf32, #tpu.memory_space<hbm>> -> memref<320x128xf32, #tpu.memory_space<hbm>>
    tpu.enqueue_dma source(%arg7 : memref<320x128xf32, #tpu.memory_space<vmem>>) target(%dma_start3A_185 : memref<320x128xf32, #tpu.memory_space<hbm>>) target_semaphore(%arg11 : memref<!tpu.dma_semaphore, #tpu.memory_space<semaphore_mem>>)
    %dma_wait3A_186 = arith.constant 0 : i32
    %dma_wait3A_187 = tpu.memref_slice %arg4[%mul3A_181, %dma_wait3A_186] : memref<163840x128xf32, #tpu.memory_space<hbm>> -> memref<320x128xf32, #tpu.memory_space<hbm>>
    %dma_wait3A_188 = arith.constant 0 : i32
    %dma_wait3A_189 = tpu.memref_slice %arg4[%mul3A_181, %dma_wait3A_188] : memref<163840x128xf32, #tpu.memory_space<hbm>> -> memref<320x128xf32, #tpu.memory_space<hbm>>
    tpu.wait_dma2 semaphore(%arg11 : memref<!tpu.dma_semaphore, #tpu.memory_space<semaphore_mem>>) src(%arg7 : memref<320x128xf32, #tpu.memory_space<vmem>>) dst(%dma_wait3A_189 : memref<320x128xf32, #tpu.memory_space<hbm>>)
    %mul3A_190 = arith.constant 128 : i32
    %mul3A_191 = arith.muli %add3A, %mul3A_190 : i32
    %add3A_192 = arith.constant 64 : i32
    %add3A_193 = arith.addi %mul3A_191, %add3A_192 : i32
    %mul3A_194 = arith.constant 40 : i32
    %mul3A_195 = arith.muli %add3A_193, %mul3A_194 : i32
    "tpu.region"() ({
      %run_scoped3A = tpu.sem_alloc : memref<!tpu.dma_semaphore, #tpu.memory_space<semaphore_mem>>
      %dma_start3A_415 = tpu.memref_slice %arg2[%mul3A_195] : memref<163840xi32, #tpu.memory_space<hbm>> -> memref<320xi32, #tpu.memory_space<hbm>>
      %dma_start3A_416 = tpu.memref_slice %arg2[%mul3A_195] : memref<163840xi32, #tpu.memory_space<hbm>> -> memref<320xi32, #tpu.memory_space<hbm>>
      tpu.enqueue_dma source(%dma_start3A_416 : memref<320xi32, #tpu.memory_space<hbm>>) target(%arg5 : memref<320xi32, #tpu.memory_space<vmem>>) target_semaphore(%run_scoped3A : memref<!tpu.dma_semaphore, #tpu.memory_space<semaphore_mem>>)
      %dma_wait3A_417 = tpu.memref_slice %arg2[%mul3A_195] : memref<163840xi32, #tpu.memory_space<hbm>> -> memref<320xi32, #tpu.memory_space<hbm>>
      %dma_wait3A_418 = tpu.memref_slice %arg2[%mul3A_195] : memref<163840xi32, #tpu.memory_space<hbm>> -> memref<320xi32, #tpu.memory_space<hbm>>
      tpu.wait_dma2 semaphore(%run_scoped3A : memref<!tpu.dma_semaphore, #tpu.memory_space<semaphore_mem>>) src(%dma_wait3A_418 : memref<320xi32, #tpu.memory_space<hbm>>) dst(%arg5 : memref<320xi32, #tpu.memory_space<vmem>>)
      tpu.yield
    }) : () -> ()
    %dma_start3A_196 = arith.constant 0 : i32
    %dma_start3A_197 = arith.constant 0 : i32
    %dma_start3A_198 = tpu.memref_slice %arg3[%dma_start3A_196, %dma_start3A_197] : memref<102400x128xf32, #tpu.memory_space<hbm>> -> memref<102400x128xf32, #tpu.memory_space<hbm>>
    tpu.enqueue_indirect_dma source(%dma_start3A_198 : memref<102400x128xf32, #tpu.memory_space<hbm>>) target(%arg7 : memref<320x128xf32, #tpu.memory_space<vmem>>) offsets(%arg5 : memref<320xi32, #tpu.memory_space<vmem>>) semaphore(%arg9 : memref<!tpu.dma_semaphore, #tpu.memory_space<semaphore_mem>>)
    %dma_wait3A_199 = arith.constant 0 : i32
    %dma_wait3A_200 = arith.constant 0 : i32
    %dma_wait3A_201 = tpu.memref_slice %arg3[%dma_wait3A_199, %dma_wait3A_200] : memref<102400x128xf32, #tpu.memory_space<hbm>> -> memref<102400x128xf32, #tpu.memory_space<hbm>>
    tpu.wait_indirect_dma semaphore(%arg10 : memref<!tpu.dma_semaphore, #tpu.memory_space<semaphore_mem>>) src(%dma_wait3A_201 : memref<102400x128xf32, #tpu.memory_space<hbm>>) dst(%arg8 : memref<320x128xf32, #tpu.memory_space<vmem>>)
    %mul3A_202 = arith.constant 128 : i32
    %mul3A_203 = arith.muli %add3A, %mul3A_202 : i32
    %add3A_204 = arith.constant 56 : i32
    %add3A_205 = arith.addi %mul3A_203, %add3A_204 : i32
    %mul3A_206 = arith.constant 40 : i32
    %mul3A_207 = arith.muli %add3A_205, %mul3A_206 : i32
    %dma_start3A_208 = arith.constant 0 : i32
    %dma_start3A_209 = tpu.memref_slice %arg4[%mul3A_207, %dma_start3A_208] : memref<163840x128xf32, #tpu.memory_space<hbm>> -> memref<320x128xf32, #tpu.memory_space<hbm>>
    %dma_start3A_210 = arith.constant 0 : i32
    %dma_start3A_211 = tpu.memref_slice %arg4[%mul3A_207, %dma_start3A_210] : memref<163840x128xf32, #tpu.memory_space<hbm>> -> memref<320x128xf32, #tpu.memory_space<hbm>>
    tpu.enqueue_dma source(%arg8 : memref<320x128xf32, #tpu.memory_space<vmem>>) target(%dma_start3A_211 : memref<320x128xf32, #tpu.memory_space<hbm>>) target_semaphore(%arg12 : memref<!tpu.dma_semaphore, #tpu.memory_space<semaphore_mem>>)
    %dma_wait3A_212 = arith.constant 0 : i32
    %dma_wait3A_213 = tpu.memref_slice %arg4[%mul3A_207, %dma_wait3A_212] : memref<163840x128xf32, #tpu.memory_space<hbm>> -> memref<320x128xf32, #tpu.memory_space<hbm>>
    %dma_wait3A_214 = arith.constant 0 : i32
    %dma_wait3A_215 = tpu.memref_slice %arg4[%mul3A_207, %dma_wait3A_214] : memref<163840x128xf32, #tpu.memory_space<hbm>> -> memref<320x128xf32, #tpu.memory_space<hbm>>
    tpu.wait_dma2 semaphore(%arg12 : memref<!tpu.dma_semaphore, #tpu.memory_space<semaphore_mem>>) src(%arg8 : memref<320x128xf32, #tpu.memory_space<vmem>>) dst(%dma_wait3A_215 : memref<320x128xf32, #tpu.memory_space<hbm>>)
    %mul3A_216 = arith.constant 128 : i32
    %mul3A_217 = arith.muli %add3A, %mul3A_216 : i32
    %add3A_218 = arith.constant 72 : i32
    %add3A_219 = arith.addi %mul3A_217, %add3A_218 : i32
    %mul3A_220 = arith.constant 40 : i32
    %mul3A_221 = arith.muli %add3A_219, %mul3A_220 : i32
    "tpu.region"() ({
      %run_scoped3A = tpu.sem_alloc : memref<!tpu.dma_semaphore, #tpu.memory_space<semaphore_mem>>
      %dma_start3A_415 = tpu.memref_slice %arg2[%mul3A_221] : memref<163840xi32, #tpu.memory_space<hbm>> -> memref<320xi32, #tpu.memory_space<hbm>>
      %dma_start3A_416 = tpu.memref_slice %arg2[%mul3A_221] : memref<163840xi32, #tpu.memory_space<hbm>> -> memref<320xi32, #tpu.memory_space<hbm>>
      tpu.enqueue_dma source(%dma_start3A_416 : memref<320xi32, #tpu.memory_space<hbm>>) target(%arg6 : memref<320xi32, #tpu.memory_space<vmem>>) target_semaphore(%run_scoped3A : memref<!tpu.dma_semaphore, #tpu.memory_space<semaphore_mem>>)
      %dma_wait3A_417 = tpu.memref_slice %arg2[%mul3A_221] : memref<163840xi32, #tpu.memory_space<hbm>> -> memref<320xi32, #tpu.memory_space<hbm>>
      %dma_wait3A_418 = tpu.memref_slice %arg2[%mul3A_221] : memref<163840xi32, #tpu.memory_space<hbm>> -> memref<320xi32, #tpu.memory_space<hbm>>
      tpu.wait_dma2 semaphore(%run_scoped3A : memref<!tpu.dma_semaphore, #tpu.memory_space<semaphore_mem>>) src(%dma_wait3A_418 : memref<320xi32, #tpu.memory_space<hbm>>) dst(%arg6 : memref<320xi32, #tpu.memory_space<vmem>>)
      tpu.yield
    }) : () -> ()
    %dma_start3A_222 = arith.constant 0 : i32
    %dma_start3A_223 = arith.constant 0 : i32
    %dma_start3A_224 = tpu.memref_slice %arg3[%dma_start3A_222, %dma_start3A_223] : memref<102400x128xf32, #tpu.memory_space<hbm>> -> memref<102400x128xf32, #tpu.memory_space<hbm>>
    tpu.enqueue_indirect_dma source(%dma_start3A_224 : memref<102400x128xf32, #tpu.memory_space<hbm>>) target(%arg8 : memref<320x128xf32, #tpu.memory_space<vmem>>) offsets(%arg6 : memref<320xi32, #tpu.memory_space<vmem>>) semaphore(%arg10 : memref<!tpu.dma_semaphore, #tpu.memory_space<semaphore_mem>>)
    %dma_wait3A_225 = arith.constant 0 : i32
    %dma_wait3A_226 = arith.constant 0 : i32
    %dma_wait3A_227 = tpu.memref_slice %arg3[%dma_wait3A_225, %dma_wait3A_226] : memref<102400x128xf32, #tpu.memory_space<hbm>> -> memref<102400x128xf32, #tpu.memory_space<hbm>>
    tpu.wait_indirect_dma semaphore(%arg9 : memref<!tpu.dma_semaphore, #tpu.memory_space<semaphore_mem>>) src(%dma_wait3A_227 : memref<102400x128xf32, #tpu.memory_space<hbm>>) dst(%arg7 : memref<320x128xf32, #tpu.memory_space<vmem>>)
    %mul3A_228 = arith.constant 128 : i32
    %mul3A_229 = arith.muli %add3A, %mul3A_228 : i32
    %add3A_230 = arith.constant 64 : i32
    %add3A_231 = arith.addi %mul3A_229, %add3A_230 : i32
    %mul3A_232 = arith.constant 40 : i32
    %mul3A_233 = arith.muli %add3A_231, %mul3A_232 : i32
    %dma_start3A_234 = arith.constant 0 : i32
    %dma_start3A_235 = tpu.memref_slice %arg4[%mul3A_233, %dma_start3A_234] : memref<163840x128xf32, #tpu.memory_space<hbm>> -> memref<320x128xf32, #tpu.memory_space<hbm>>
    %dma_start3A_236 = arith.constant 0 : i32
    %dma_start3A_237 = tpu.memref_slice %arg4[%mul3A_233, %dma_start3A_236] : memref<163840x128xf32, #tpu.memory_space<hbm>> -> memref<320x128xf32, #tpu.memory_space<hbm>>
    tpu.enqueue_dma source(%arg7 : memref<320x128xf32, #tpu.memory_space<vmem>>) target(%dma_start3A_237 : memref<320x128xf32, #tpu.memory_space<hbm>>) target_semaphore(%arg11 : memref<!tpu.dma_semaphore, #tpu.memory_space<semaphore_mem>>)
    %dma_wait3A_238 = arith.constant 0 : i32
    %dma_wait3A_239 = tpu.memref_slice %arg4[%mul3A_233, %dma_wait3A_238] : memref<163840x128xf32, #tpu.memory_space<hbm>> -> memref<320x128xf32, #tpu.memory_space<hbm>>
    %dma_wait3A_240 = arith.constant 0 : i32
    %dma_wait3A_241 = tpu.memref_slice %arg4[%mul3A_233, %dma_wait3A_240] : memref<163840x128xf32, #tpu.memory_space<hbm>> -> memref<320x128xf32, #tpu.memory_space<hbm>>
    tpu.wait_dma2 semaphore(%arg11 : memref<!tpu.dma_semaphore, #tpu.memory_space<semaphore_mem>>) src(%arg7 : memref<320x128xf32, #tpu.memory_space<vmem>>) dst(%dma_wait3A_241 : memref<320x128xf32, #tpu.memory_space<hbm>>)
    %mul3A_242 = arith.constant 128 : i32
    %mul3A_243 = arith.muli %add3A, %mul3A_242 : i32
    %add3A_244 = arith.constant 80 : i32
    %add3A_245 = arith.addi %mul3A_243, %add3A_244 : i32
    %mul3A_246 = arith.constant 40 : i32
    %mul3A_247 = arith.muli %add3A_245, %mul3A_246 : i32
    "tpu.region"() ({
      %run_scoped3A = tpu.sem_alloc : memref<!tpu.dma_semaphore, #tpu.memory_space<semaphore_mem>>
      %dma_start3A_415 = tpu.memref_slice %arg2[%mul3A_247] : memref<163840xi32, #tpu.memory_space<hbm>> -> memref<320xi32, #tpu.memory_space<hbm>>
      %dma_start3A_416 = tpu.memref_slice %arg2[%mul3A_247] : memref<163840xi32, #tpu.memory_space<hbm>> -> memref<320xi32, #tpu.memory_space<hbm>>
      tpu.enqueue_dma source(%dma_start3A_416 : memref<320xi32, #tpu.memory_space<hbm>>) target(%arg5 : memref<320xi32, #tpu.memory_space<vmem>>) target_semaphore(%run_scoped3A : memref<!tpu.dma_semaphore, #tpu.memory_space<semaphore_mem>>)
      %dma_wait3A_417 = tpu.memref_slice %arg2[%mul3A_247] : memref<163840xi32, #tpu.memory_space<hbm>> -> memref<320xi32, #tpu.memory_space<hbm>>
      %dma_wait3A_418 = tpu.memref_slice %arg2[%mul3A_247] : memref<163840xi32, #tpu.memory_space<hbm>> -> memref<320xi32, #tpu.memory_space<hbm>>
      tpu.wait_dma2 semaphore(%run_scoped3A : memref<!tpu.dma_semaphore, #tpu.memory_space<semaphore_mem>>) src(%dma_wait3A_418 : memref<320xi32, #tpu.memory_space<hbm>>) dst(%arg5 : memref<320xi32, #tpu.memory_space<vmem>>)
      tpu.yield
    }) : () -> ()
    %dma_start3A_248 = arith.constant 0 : i32
    %dma_start3A_249 = arith.constant 0 : i32
    %dma_start3A_250 = tpu.memref_slice %arg3[%dma_start3A_248, %dma_start3A_249] : memref<102400x128xf32, #tpu.memory_space<hbm>> -> memref<102400x128xf32, #tpu.memory_space<hbm>>
    tpu.enqueue_indirect_dma source(%dma_start3A_250 : memref<102400x128xf32, #tpu.memory_space<hbm>>) target(%arg7 : memref<320x128xf32, #tpu.memory_space<vmem>>) offsets(%arg5 : memref<320xi32, #tpu.memory_space<vmem>>) semaphore(%arg9 : memref<!tpu.dma_semaphore, #tpu.memory_space<semaphore_mem>>)
    %dma_wait3A_251 = arith.constant 0 : i32
    %dma_wait3A_252 = arith.constant 0 : i32
    %dma_wait3A_253 = tpu.memref_slice %arg3[%dma_wait3A_251, %dma_wait3A_252] : memref<102400x128xf32, #tpu.memory_space<hbm>> -> memref<102400x128xf32, #tpu.memory_space<hbm>>
    tpu.wait_indirect_dma semaphore(%arg10 : memref<!tpu.dma_semaphore, #tpu.memory_space<semaphore_mem>>) src(%dma_wait3A_253 : memref<102400x128xf32, #tpu.memory_space<hbm>>) dst(%arg8 : memref<320x128xf32, #tpu.memory_space<vmem>>)
    %mul3A_254 = arith.constant 128 : i32
    %mul3A_255 = arith.muli %add3A, %mul3A_254 : i32
    %add3A_256 = arith.constant 72 : i32
    %add3A_257 = arith.addi %mul3A_255, %add3A_256 : i32
    %mul3A_258 = arith.constant 40 : i32
    %mul3A_259 = arith.muli %add3A_257, %mul3A_258 : i32
    %dma_start3A_260 = arith.constant 0 : i32
    %dma_start3A_261 = tpu.memref_slice %arg4[%mul3A_259, %dma_start3A_260] : memref<163840x128xf32, #tpu.memory_space<hbm>> -> memref<320x128xf32, #tpu.memory_space<hbm>>
    %dma_start3A_262 = arith.constant 0 : i32
    %dma_start3A_263 = tpu.memref_slice %arg4[%mul3A_259, %dma_start3A_262] : memref<163840x128xf32, #tpu.memory_space<hbm>> -> memref<320x128xf32, #tpu.memory_space<hbm>>
    tpu.enqueue_dma source(%arg8 : memref<320x128xf32, #tpu.memory_space<vmem>>) target(%dma_start3A_263 : memref<320x128xf32, #tpu.memory_space<hbm>>) target_semaphore(%arg12 : memref<!tpu.dma_semaphore, #tpu.memory_space<semaphore_mem>>)
    %dma_wait3A_264 = arith.constant 0 : i32
    %dma_wait3A_265 = tpu.memref_slice %arg4[%mul3A_259, %dma_wait3A_264] : memref<163840x128xf32, #tpu.memory_space<hbm>> -> memref<320x128xf32, #tpu.memory_space<hbm>>
    %dma_wait3A_266 = arith.constant 0 : i32
    %dma_wait3A_267 = tpu.memref_slice %arg4[%mul3A_259, %dma_wait3A_266] : memref<163840x128xf32, #tpu.memory_space<hbm>> -> memref<320x128xf32, #tpu.memory_space<hbm>>
    tpu.wait_dma2 semaphore(%arg12 : memref<!tpu.dma_semaphore, #tpu.memory_space<semaphore_mem>>) src(%arg8 : memref<320x128xf32, #tpu.memory_space<vmem>>) dst(%dma_wait3A_267 : memref<320x128xf32, #tpu.memory_space<hbm>>)
    %mul3A_268 = arith.constant 128 : i32
    %mul3A_269 = arith.muli %add3A, %mul3A_268 : i32
    %add3A_270 = arith.constant 88 : i32
    %add3A_271 = arith.addi %mul3A_269, %add3A_270 : i32
    %mul3A_272 = arith.constant 40 : i32
    %mul3A_273 = arith.muli %add3A_271, %mul3A_272 : i32
    "tpu.region"() ({
      %run_scoped3A = tpu.sem_alloc : memref<!tpu.dma_semaphore, #tpu.memory_space<semaphore_mem>>
      %dma_start3A_415 = tpu.memref_slice %arg2[%mul3A_273] : memref<163840xi32, #tpu.memory_space<hbm>> -> memref<320xi32, #tpu.memory_space<hbm>>
      %dma_start3A_416 = tpu.memref_slice %arg2[%mul3A_273] : memref<163840xi32, #tpu.memory_space<hbm>> -> memref<320xi32, #tpu.memory_space<hbm>>
      tpu.enqueue_dma source(%dma_start3A_416 : memref<320xi32, #tpu.memory_space<hbm>>) target(%arg6 : memref<320xi32, #tpu.memory_space<vmem>>) target_semaphore(%run_scoped3A : memref<!tpu.dma_semaphore, #tpu.memory_space<semaphore_mem>>)
      %dma_wait3A_417 = tpu.memref_slice %arg2[%mul3A_273] : memref<163840xi32, #tpu.memory_space<hbm>> -> memref<320xi32, #tpu.memory_space<hbm>>
      %dma_wait3A_418 = tpu.memref_slice %arg2[%mul3A_273] : memref<163840xi32, #tpu.memory_space<hbm>> -> memref<320xi32, #tpu.memory_space<hbm>>
      tpu.wait_dma2 semaphore(%run_scoped3A : memref<!tpu.dma_semaphore, #tpu.memory_space<semaphore_mem>>) src(%dma_wait3A_418 : memref<320xi32, #tpu.memory_space<hbm>>) dst(%arg6 : memref<320xi32, #tpu.memory_space<vmem>>)
      tpu.yield
    }) : () -> ()
    %dma_start3A_274 = arith.constant 0 : i32
    %dma_start3A_275 = arith.constant 0 : i32
    %dma_start3A_276 = tpu.memref_slice %arg3[%dma_start3A_274, %dma_start3A_275] : memref<102400x128xf32, #tpu.memory_space<hbm>> -> memref<102400x128xf32, #tpu.memory_space<hbm>>
    tpu.enqueue_indirect_dma source(%dma_start3A_276 : memref<102400x128xf32, #tpu.memory_space<hbm>>) target(%arg8 : memref<320x128xf32, #tpu.memory_space<vmem>>) offsets(%arg6 : memref<320xi32, #tpu.memory_space<vmem>>) semaphore(%arg10 : memref<!tpu.dma_semaphore, #tpu.memory_space<semaphore_mem>>)
    %dma_wait3A_277 = arith.constant 0 : i32
    %dma_wait3A_278 = arith.constant 0 : i32
    %dma_wait3A_279 = tpu.memref_slice %arg3[%dma_wait3A_277, %dma_wait3A_278] : memref<102400x128xf32, #tpu.memory_space<hbm>> -> memref<102400x128xf32, #tpu.memory_space<hbm>>
    tpu.wait_indirect_dma semaphore(%arg9 : memref<!tpu.dma_semaphore, #tpu.memory_space<semaphore_mem>>) src(%dma_wait3A_279 : memref<102400x128xf32, #tpu.memory_space<hbm>>) dst(%arg7 : memref<320x128xf32, #tpu.memory_space<vmem>>)
    %mul3A_280 = arith.constant 128 : i32
    %mul3A_281 = arith.muli %add3A, %mul3A_280 : i32
    %add3A_282 = arith.constant 80 : i32
    %add3A_283 = arith.addi %mul3A_281, %add3A_282 : i32
    %mul3A_284 = arith.constant 40 : i32
    %mul3A_285 = arith.muli %add3A_283, %mul3A_284 : i32
    %dma_start3A_286 = arith.constant 0 : i32
    %dma_start3A_287 = tpu.memref_slice %arg4[%mul3A_285, %dma_start3A_286] : memref<163840x128xf32, #tpu.memory_space<hbm>> -> memref<320x128xf32, #tpu.memory_space<hbm>>
    %dma_start3A_288 = arith.constant 0 : i32
    %dma_start3A_289 = tpu.memref_slice %arg4[%mul3A_285, %dma_start3A_288] : memref<163840x128xf32, #tpu.memory_space<hbm>> -> memref<320x128xf32, #tpu.memory_space<hbm>>
    tpu.enqueue_dma source(%arg7 : memref<320x128xf32, #tpu.memory_space<vmem>>) target(%dma_start3A_289 : memref<320x128xf32, #tpu.memory_space<hbm>>) target_semaphore(%arg11 : memref<!tpu.dma_semaphore, #tpu.memory_space<semaphore_mem>>)
    %dma_wait3A_290 = arith.constant 0 : i32
    %dma_wait3A_291 = tpu.memref_slice %arg4[%mul3A_285, %dma_wait3A_290] : memref<163840x128xf32, #tpu.memory_space<hbm>> -> memref<320x128xf32, #tpu.memory_space<hbm>>
    %dma_wait3A_292 = arith.constant 0 : i32
    %dma_wait3A_293 = tpu.memref_slice %arg4[%mul3A_285, %dma_wait3A_292] : memref<163840x128xf32, #tpu.memory_space<hbm>> -> memref<320x128xf32, #tpu.memory_space<hbm>>
    tpu.wait_dma2 semaphore(%arg11 : memref<!tpu.dma_semaphore, #tpu.memory_space<semaphore_mem>>) src(%arg7 : memref<320x128xf32, #tpu.memory_space<vmem>>) dst(%dma_wait3A_293 : memref<320x128xf32, #tpu.memory_space<hbm>>)
    %mul3A_294 = arith.constant 128 : i32
    %mul3A_295 = arith.muli %add3A, %mul3A_294 : i32
    %add3A_296 = arith.constant 96 : i32
    %add3A_297 = arith.addi %mul3A_295, %add3A_296 : i32
    %mul3A_298 = arith.constant 40 : i32
    %mul3A_299 = arith.muli %add3A_297, %mul3A_298 : i32
    "tpu.region"() ({
      %run_scoped3A = tpu.sem_alloc : memref<!tpu.dma_semaphore, #tpu.memory_space<semaphore_mem>>
      %dma_start3A_415 = tpu.memref_slice %arg2[%mul3A_299] : memref<163840xi32, #tpu.memory_space<hbm>> -> memref<320xi32, #tpu.memory_space<hbm>>
      %dma_start3A_416 = tpu.memref_slice %arg2[%mul3A_299] : memref<163840xi32, #tpu.memory_space<hbm>> -> memref<320xi32, #tpu.memory_space<hbm>>
      tpu.enqueue_dma source(%dma_start3A_416 : memref<320xi32, #tpu.memory_space<hbm>>) target(%arg5 : memref<320xi32, #tpu.memory_space<vmem>>) target_semaphore(%run_scoped3A : memref<!tpu.dma_semaphore, #tpu.memory_space<semaphore_mem>>)
      %dma_wait3A_417 = tpu.memref_slice %arg2[%mul3A_299] : memref<163840xi32, #tpu.memory_space<hbm>> -> memref<320xi32, #tpu.memory_space<hbm>>
      %dma_wait3A_418 = tpu.memref_slice %arg2[%mul3A_299] : memref<163840xi32, #tpu.memory_space<hbm>> -> memref<320xi32, #tpu.memory_space<hbm>>
      tpu.wait_dma2 semaphore(%run_scoped3A : memref<!tpu.dma_semaphore, #tpu.memory_space<semaphore_mem>>) src(%dma_wait3A_418 : memref<320xi32, #tpu.memory_space<hbm>>) dst(%arg5 : memref<320xi32, #tpu.memory_space<vmem>>)
      tpu.yield
    }) : () -> ()
    %dma_start3A_300 = arith.constant 0 : i32
    %dma_start3A_301 = arith.constant 0 : i32
    %dma_start3A_302 = tpu.memref_slice %arg3[%dma_start3A_300, %dma_start3A_301] : memref<102400x128xf32, #tpu.memory_space<hbm>> -> memref<102400x128xf32, #tpu.memory_space<hbm>>
    tpu.enqueue_indirect_dma source(%dma_start3A_302 : memref<102400x128xf32, #tpu.memory_space<hbm>>) target(%arg7 : memref<320x128xf32, #tpu.memory_space<vmem>>) offsets(%arg5 : memref<320xi32, #tpu.memory_space<vmem>>) semaphore(%arg9 : memref<!tpu.dma_semaphore, #tpu.memory_space<semaphore_mem>>)
    %dma_wait3A_303 = arith.constant 0 : i32
    %dma_wait3A_304 = arith.constant 0 : i32
    %dma_wait3A_305 = tpu.memref_slice %arg3[%dma_wait3A_303, %dma_wait3A_304] : memref<102400x128xf32, #tpu.memory_space<hbm>> -> memref<102400x128xf32, #tpu.memory_space<hbm>>
    tpu.wait_indirect_dma semaphore(%arg10 : memref<!tpu.dma_semaphore, #tpu.memory_space<semaphore_mem>>) src(%dma_wait3A_305 : memref<102400x128xf32, #tpu.memory_space<hbm>>) dst(%arg8 : memref<320x128xf32, #tpu.memory_space<vmem>>)
    %mul3A_306 = arith.constant 128 : i32
    %mul3A_307 = arith.muli %add3A, %mul3A_306 : i32
    %add3A_308 = arith.constant 88 : i32
    %add3A_309 = arith.addi %mul3A_307, %add3A_308 : i32
    %mul3A_310 = arith.constant 40 : i32
    %mul3A_311 = arith.muli %add3A_309, %mul3A_310 : i32
    %dma_start3A_312 = arith.constant 0 : i32
    %dma_start3A_313 = tpu.memref_slice %arg4[%mul3A_311, %dma_start3A_312] : memref<163840x128xf32, #tpu.memory_space<hbm>> -> memref<320x128xf32, #tpu.memory_space<hbm>>
    %dma_start3A_314 = arith.constant 0 : i32
    %dma_start3A_315 = tpu.memref_slice %arg4[%mul3A_311, %dma_start3A_314] : memref<163840x128xf32, #tpu.memory_space<hbm>> -> memref<320x128xf32, #tpu.memory_space<hbm>>
    tpu.enqueue_dma source(%arg8 : memref<320x128xf32, #tpu.memory_space<vmem>>) target(%dma_start3A_315 : memref<320x128xf32, #tpu.memory_space<hbm>>) target_semaphore(%arg12 : memref<!tpu.dma_semaphore, #tpu.memory_space<semaphore_mem>>)
    %dma_wait3A_316 = arith.constant 0 : i32
    %dma_wait3A_317 = tpu.memref_slice %arg4[%mul3A_311, %dma_wait3A_316] : memref<163840x128xf32, #tpu.memory_space<hbm>> -> memref<320x128xf32, #tpu.memory_space<hbm>>
    %dma_wait3A_318 = arith.constant 0 : i32
    %dma_wait3A_319 = tpu.memref_slice %arg4[%mul3A_311, %dma_wait3A_318] : memref<163840x128xf32, #tpu.memory_space<hbm>> -> memref<320x128xf32, #tpu.memory_space<hbm>>
    tpu.wait_dma2 semaphore(%arg12 : memref<!tpu.dma_semaphore, #tpu.memory_space<semaphore_mem>>) src(%arg8 : memref<320x128xf32, #tpu.memory_space<vmem>>) dst(%dma_wait3A_319 : memref<320x128xf32, #tpu.memory_space<hbm>>)
    %mul3A_320 = arith.constant 128 : i32
    %mul3A_321 = arith.muli %add3A, %mul3A_320 : i32
    %add3A_322 = arith.constant 104 : i32
    %add3A_323 = arith.addi %mul3A_321, %add3A_322 : i32
    %mul3A_324 = arith.constant 40 : i32
    %mul3A_325 = arith.muli %add3A_323, %mul3A_324 : i32
    "tpu.region"() ({
      %run_scoped3A = tpu.sem_alloc : memref<!tpu.dma_semaphore, #tpu.memory_space<semaphore_mem>>
      %dma_start3A_415 = tpu.memref_slice %arg2[%mul3A_325] : memref<163840xi32, #tpu.memory_space<hbm>> -> memref<320xi32, #tpu.memory_space<hbm>>
      %dma_start3A_416 = tpu.memref_slice %arg2[%mul3A_325] : memref<163840xi32, #tpu.memory_space<hbm>> -> memref<320xi32, #tpu.memory_space<hbm>>
      tpu.enqueue_dma source(%dma_start3A_416 : memref<320xi32, #tpu.memory_space<hbm>>) target(%arg6 : memref<320xi32, #tpu.memory_space<vmem>>) target_semaphore(%run_scoped3A : memref<!tpu.dma_semaphore, #tpu.memory_space<semaphore_mem>>)
      %dma_wait3A_417 = tpu.memref_slice %arg2[%mul3A_325] : memref<163840xi32, #tpu.memory_space<hbm>> -> memref<320xi32, #tpu.memory_space<hbm>>
      %dma_wait3A_418 = tpu.memref_slice %arg2[%mul3A_325] : memref<163840xi32, #tpu.memory_space<hbm>> -> memref<320xi32, #tpu.memory_space<hbm>>
      tpu.wait_dma2 semaphore(%run_scoped3A : memref<!tpu.dma_semaphore, #tpu.memory_space<semaphore_mem>>) src(%dma_wait3A_418 : memref<320xi32, #tpu.memory_space<hbm>>) dst(%arg6 : memref<320xi32, #tpu.memory_space<vmem>>)
      tpu.yield
    }) : () -> ()
    %dma_start3A_326 = arith.constant 0 : i32
    %dma_start3A_327 = arith.constant 0 : i32
    %dma_start3A_328 = tpu.memref_slice %arg3[%dma_start3A_326, %dma_start3A_327] : memref<102400x128xf32, #tpu.memory_space<hbm>> -> memref<102400x128xf32, #tpu.memory_space<hbm>>
    tpu.enqueue_indirect_dma source(%dma_start3A_328 : memref<102400x128xf32, #tpu.memory_space<hbm>>) target(%arg8 : memref<320x128xf32, #tpu.memory_space<vmem>>) offsets(%arg6 : memref<320xi32, #tpu.memory_space<vmem>>) semaphore(%arg10 : memref<!tpu.dma_semaphore, #tpu.memory_space<semaphore_mem>>)
    %dma_wait3A_329 = arith.constant 0 : i32
    %dma_wait3A_330 = arith.constant 0 : i32
    %dma_wait3A_331 = tpu.memref_slice %arg3[%dma_wait3A_329, %dma_wait3A_330] : memref<102400x128xf32, #tpu.memory_space<hbm>> -> memref<102400x128xf32, #tpu.memory_space<hbm>>
    tpu.wait_indirect_dma semaphore(%arg9 : memref<!tpu.dma_semaphore, #tpu.memory_space<semaphore_mem>>) src(%dma_wait3A_331 : memref<102400x128xf32, #tpu.memory_space<hbm>>) dst(%arg7 : memref<320x128xf32, #tpu.memory_space<vmem>>)
    %mul3A_332 = arith.constant 128 : i32
    %mul3A_333 = arith.muli %add3A, %mul3A_332 : i32
    %add3A_334 = arith.constant 96 : i32
    %add3A_335 = arith.addi %mul3A_333, %add3A_334 : i32
    %mul3A_336 = arith.constant 40 : i32
    %mul3A_337 = arith.muli %add3A_335, %mul3A_336 : i32
    %dma_start3A_338 = arith.constant 0 : i32
    %dma_start3A_339 = tpu.memref_slice %arg4[%mul3A_337, %dma_start3A_338] : memref<163840x128xf32, #tpu.memory_space<hbm>> -> memref<320x128xf32, #tpu.memory_space<hbm>>
    %dma_start3A_340 = arith.constant 0 : i32
    %dma_start3A_341 = tpu.memref_slice %arg4[%mul3A_337, %dma_start3A_340] : memref<163840x128xf32, #tpu.memory_space<hbm>> -> memref<320x128xf32, #tpu.memory_space<hbm>>
    tpu.enqueue_dma source(%arg7 : memref<320x128xf32, #tpu.memory_space<vmem>>) target(%dma_start3A_341 : memref<320x128xf32, #tpu.memory_space<hbm>>) target_semaphore(%arg11 : memref<!tpu.dma_semaphore, #tpu.memory_space<semaphore_mem>>)
    %dma_wait3A_342 = arith.constant 0 : i32
    %dma_wait3A_343 = tpu.memref_slice %arg4[%mul3A_337, %dma_wait3A_342] : memref<163840x128xf32, #tpu.memory_space<hbm>> -> memref<320x128xf32, #tpu.memory_space<hbm>>
    %dma_wait3A_344 = arith.constant 0 : i32
    %dma_wait3A_345 = tpu.memref_slice %arg4[%mul3A_337, %dma_wait3A_344] : memref<163840x128xf32, #tpu.memory_space<hbm>> -> memref<320x128xf32, #tpu.memory_space<hbm>>
    tpu.wait_dma2 semaphore(%arg11 : memref<!tpu.dma_semaphore, #tpu.memory_space<semaphore_mem>>) src(%arg7 : memref<320x128xf32, #tpu.memory_space<vmem>>) dst(%dma_wait3A_345 : memref<320x128xf32, #tpu.memory_space<hbm>>)
    %mul3A_346 = arith.constant 128 : i32
    %mul3A_347 = arith.muli %add3A, %mul3A_346 : i32
    %add3A_348 = arith.constant 112 : i32
    %add3A_349 = arith.addi %mul3A_347, %add3A_348 : i32
    %mul3A_350 = arith.constant 40 : i32
    %mul3A_351 = arith.muli %add3A_349, %mul3A_350 : i32
    "tpu.region"() ({
      %run_scoped3A = tpu.sem_alloc : memref<!tpu.dma_semaphore, #tpu.memory_space<semaphore_mem>>
      %dma_start3A_415 = tpu.memref_slice %arg2[%mul3A_351] : memref<163840xi32, #tpu.memory_space<hbm>> -> memref<320xi32, #tpu.memory_space<hbm>>
      %dma_start3A_416 = tpu.memref_slice %arg2[%mul3A_351] : memref<163840xi32, #tpu.memory_space<hbm>> -> memref<320xi32, #tpu.memory_space<hbm>>
      tpu.enqueue_dma source(%dma_start3A_416 : memref<320xi32, #tpu.memory_space<hbm>>) target(%arg5 : memref<320xi32, #tpu.memory_space<vmem>>) target_semaphore(%run_scoped3A : memref<!tpu.dma_semaphore, #tpu.memory_space<semaphore_mem>>)
      %dma_wait3A_417 = tpu.memref_slice %arg2[%mul3A_351] : memref<163840xi32, #tpu.memory_space<hbm>> -> memref<320xi32, #tpu.memory_space<hbm>>
      %dma_wait3A_418 = tpu.memref_slice %arg2[%mul3A_351] : memref<163840xi32, #tpu.memory_space<hbm>> -> memref<320xi32, #tpu.memory_space<hbm>>
      tpu.wait_dma2 semaphore(%run_scoped3A : memref<!tpu.dma_semaphore, #tpu.memory_space<semaphore_mem>>) src(%dma_wait3A_418 : memref<320xi32, #tpu.memory_space<hbm>>) dst(%arg5 : memref<320xi32, #tpu.memory_space<vmem>>)
      tpu.yield
    }) : () -> ()
    %dma_start3A_352 = arith.constant 0 : i32
    %dma_start3A_353 = arith.constant 0 : i32
    %dma_start3A_354 = tpu.memref_slice %arg3[%dma_start3A_352, %dma_start3A_353] : memref<102400x128xf32, #tpu.memory_space<hbm>> -> memref<102400x128xf32, #tpu.memory_space<hbm>>
    tpu.enqueue_indirect_dma source(%dma_start3A_354 : memref<102400x128xf32, #tpu.memory_space<hbm>>) target(%arg7 : memref<320x128xf32, #tpu.memory_space<vmem>>) offsets(%arg5 : memref<320xi32, #tpu.memory_space<vmem>>) semaphore(%arg9 : memref<!tpu.dma_semaphore, #tpu.memory_space<semaphore_mem>>)
    %dma_wait3A_355 = arith.constant 0 : i32
    %dma_wait3A_356 = arith.constant 0 : i32
    %dma_wait3A_357 = tpu.memref_slice %arg3[%dma_wait3A_355, %dma_wait3A_356] : memref<102400x128xf32, #tpu.memory_space<hbm>> -> memref<102400x128xf32, #tpu.memory_space<hbm>>
    tpu.wait_indirect_dma semaphore(%arg10 : memref<!tpu.dma_semaphore, #tpu.memory_space<semaphore_mem>>) src(%dma_wait3A_357 : memref<102400x128xf32, #tpu.memory_space<hbm>>) dst(%arg8 : memref<320x128xf32, #tpu.memory_space<vmem>>)
    %mul3A_358 = arith.constant 128 : i32
    %mul3A_359 = arith.muli %add3A, %mul3A_358 : i32
    %add3A_360 = arith.constant 104 : i32
    %add3A_361 = arith.addi %mul3A_359, %add3A_360 : i32
    %mul3A_362 = arith.constant 40 : i32
    %mul3A_363 = arith.muli %add3A_361, %mul3A_362 : i32
    %dma_start3A_364 = arith.constant 0 : i32
    %dma_start3A_365 = tpu.memref_slice %arg4[%mul3A_363, %dma_start3A_364] : memref<163840x128xf32, #tpu.memory_space<hbm>> -> memref<320x128xf32, #tpu.memory_space<hbm>>
    %dma_start3A_366 = arith.constant 0 : i32
    %dma_start3A_367 = tpu.memref_slice %arg4[%mul3A_363, %dma_start3A_366] : memref<163840x128xf32, #tpu.memory_space<hbm>> -> memref<320x128xf32, #tpu.memory_space<hbm>>
    tpu.enqueue_dma source(%arg8 : memref<320x128xf32, #tpu.memory_space<vmem>>) target(%dma_start3A_367 : memref<320x128xf32, #tpu.memory_space<hbm>>) target_semaphore(%arg12 : memref<!tpu.dma_semaphore, #tpu.memory_space<semaphore_mem>>)
    %dma_wait3A_368 = arith.constant 0 : i32
    %dma_wait3A_369 = tpu.memref_slice %arg4[%mul3A_363, %dma_wait3A_368] : memref<163840x128xf32, #tpu.memory_space<hbm>> -> memref<320x128xf32, #tpu.memory_space<hbm>>
    %dma_wait3A_370 = arith.constant 0 : i32
    %dma_wait3A_371 = tpu.memref_slice %arg4[%mul3A_363, %dma_wait3A_370] : memref<163840x128xf32, #tpu.memory_space<hbm>> -> memref<320x128xf32, #tpu.memory_space<hbm>>
    tpu.wait_dma2 semaphore(%arg12 : memref<!tpu.dma_semaphore, #tpu.memory_space<semaphore_mem>>) src(%arg8 : memref<320x128xf32, #tpu.memory_space<vmem>>) dst(%dma_wait3A_371 : memref<320x128xf32, #tpu.memory_space<hbm>>)
    %mul3A_372 = arith.constant 128 : i32
    %mul3A_373 = arith.muli %add3A, %mul3A_372 : i32
    %add3A_374 = arith.constant 120 : i32
    %add3A_375 = arith.addi %mul3A_373, %add3A_374 : i32
    %mul3A_376 = arith.constant 40 : i32
    %mul3A_377 = arith.muli %add3A_375, %mul3A_376 : i32
    "tpu.region"() ({
      %run_scoped3A = tpu.sem_alloc : memref<!tpu.dma_semaphore, #tpu.memory_space<semaphore_mem>>
      %dma_start3A_415 = tpu.memref_slice %arg2[%mul3A_377] : memref<163840xi32, #tpu.memory_space<hbm>> -> memref<320xi32, #tpu.memory_space<hbm>>
      %dma_start3A_416 = tpu.memref_slice %arg2[%mul3A_377] : memref<163840xi32, #tpu.memory_space<hbm>> -> memref<320xi32, #tpu.memory_space<hbm>>
      tpu.enqueue_dma source(%dma_start3A_416 : memref<320xi32, #tpu.memory_space<hbm>>) target(%arg6 : memref<320xi32, #tpu.memory_space<vmem>>) target_semaphore(%run_scoped3A : memref<!tpu.dma_semaphore, #tpu.memory_space<semaphore_mem>>)
      %dma_wait3A_417 = tpu.memref_slice %arg2[%mul3A_377] : memref<163840xi32, #tpu.memory_space<hbm>> -> memref<320xi32, #tpu.memory_space<hbm>>
      %dma_wait3A_418 = tpu.memref_slice %arg2[%mul3A_377] : memref<163840xi32, #tpu.memory_space<hbm>> -> memref<320xi32, #tpu.memory_space<hbm>>
      tpu.wait_dma2 semaphore(%run_scoped3A : memref<!tpu.dma_semaphore, #tpu.memory_space<semaphore_mem>>) src(%dma_wait3A_418 : memref<320xi32, #tpu.memory_space<hbm>>) dst(%arg6 : memref<320xi32, #tpu.memory_space<vmem>>)
      tpu.yield
    }) : () -> ()
    %dma_start3A_378 = arith.constant 0 : i32
    %dma_start3A_379 = arith.constant 0 : i32
    %dma_start3A_380 = tpu.memref_slice %arg3[%dma_start3A_378, %dma_start3A_379] : memref<102400x128xf32, #tpu.memory_space<hbm>> -> memref<102400x128xf32, #tpu.memory_space<hbm>>
    tpu.enqueue_indirect_dma source(%dma_start3A_380 : memref<102400x128xf32, #tpu.memory_space<hbm>>) target(%arg8 : memref<320x128xf32, #tpu.memory_space<vmem>>) offsets(%arg6 : memref<320xi32, #tpu.memory_space<vmem>>) semaphore(%arg10 : memref<!tpu.dma_semaphore, #tpu.memory_space<semaphore_mem>>)
    %dma_wait3A_381 = arith.constant 0 : i32
    %dma_wait3A_382 = arith.constant 0 : i32
    %dma_wait3A_383 = tpu.memref_slice %arg3[%dma_wait3A_381, %dma_wait3A_382] : memref<102400x128xf32, #tpu.memory_space<hbm>> -> memref<102400x128xf32, #tpu.memory_space<hbm>>
    tpu.wait_indirect_dma semaphore(%arg9 : memref<!tpu.dma_semaphore, #tpu.memory_space<semaphore_mem>>) src(%dma_wait3A_383 : memref<102400x128xf32, #tpu.memory_space<hbm>>) dst(%arg7 : memref<320x128xf32, #tpu.memory_space<vmem>>)
    %mul3A_384 = arith.constant 128 : i32
    %mul3A_385 = arith.muli %add3A, %mul3A_384 : i32
    %add3A_386 = arith.constant 112 : i32
    %add3A_387 = arith.addi %mul3A_385, %add3A_386 : i32
    %mul3A_388 = arith.constant 40 : i32
    %mul3A_389 = arith.muli %add3A_387, %mul3A_388 : i32
    %dma_start3A_390 = arith.constant 0 : i32
    %dma_start3A_391 = tpu.memref_slice %arg4[%mul3A_389, %dma_start3A_390] : memref<163840x128xf32, #tpu.memory_space<hbm>> -> memref<320x128xf32, #tpu.memory_space<hbm>>
    %dma_start3A_392 = arith.constant 0 : i32
    %dma_start3A_393 = tpu.memref_slice %arg4[%mul3A_389, %dma_start3A_392] : memref<163840x128xf32, #tpu.memory_space<hbm>> -> memref<320x128xf32, #tpu.memory_space<hbm>>
    tpu.enqueue_dma source(%arg7 : memref<320x128xf32, #tpu.memory_space<vmem>>) target(%dma_start3A_393 : memref<320x128xf32, #tpu.memory_space<hbm>>) target_semaphore(%arg11 : memref<!tpu.dma_semaphore, #tpu.memory_space<semaphore_mem>>)
    %dma_wait3A_394 = arith.constant 0 : i32
    %dma_wait3A_395 = arith.constant 0 : i32
    %dma_wait3A_396 = tpu.memref_slice %arg3[%dma_wait3A_394, %dma_wait3A_395] : memref<102400x128xf32, #tpu.memory_space<hbm>> -> memref<102400x128xf32, #tpu.memory_space<hbm>>
    tpu.wait_indirect_dma semaphore(%arg10 : memref<!tpu.dma_semaphore, #tpu.memory_space<semaphore_mem>>) src(%dma_wait3A_396 : memref<102400x128xf32, #tpu.memory_space<hbm>>) dst(%arg8 : memref<320x128xf32, #tpu.memory_space<vmem>>)
    %mul3A_397 = arith.constant 128 : i32
    %mul3A_398 = arith.muli %add3A, %mul3A_397 : i32
    %add3A_399 = arith.constant 120 : i32
    %add3A_400 = arith.addi %mul3A_398, %add3A_399 : i32
    %mul3A_401 = arith.constant 40 : i32
    %mul3A_402 = arith.muli %add3A_400, %mul3A_401 : i32
    %dma_start3A_403 = arith.constant 0 : i32
    %dma_start3A_404 = tpu.memref_slice %arg4[%mul3A_402, %dma_start3A_403] : memref<163840x128xf32, #tpu.memory_space<hbm>> -> memref<320x128xf32, #tpu.memory_space<hbm>>
    %dma_start3A_405 = arith.constant 0 : i32
    %dma_start3A_406 = tpu.memref_slice %arg4[%mul3A_402, %dma_start3A_405] : memref<163840x128xf32, #tpu.memory_space<hbm>> -> memref<320x128xf32, #tpu.memory_space<hbm>>
    tpu.enqueue_dma source(%arg8 : memref<320x128xf32, #tpu.memory_space<vmem>>) target(%dma_start3A_406 : memref<320x128xf32, #tpu.memory_space<hbm>>) target_semaphore(%arg12 : memref<!tpu.dma_semaphore, #tpu.memory_space<semaphore_mem>>)
    %dma_wait3A_407 = arith.constant 0 : i32
    %dma_wait3A_408 = tpu.memref_slice %arg4[%mul3A_389, %dma_wait3A_407] : memref<163840x128xf32, #tpu.memory_space<hbm>> -> memref<320x128xf32, #tpu.memory_space<hbm>>
    %dma_wait3A_409 = arith.constant 0 : i32
    %dma_wait3A_410 = tpu.memref_slice %arg4[%mul3A_389, %dma_wait3A_409] : memref<163840x128xf32, #tpu.memory_space<hbm>> -> memref<320x128xf32, #tpu.memory_space<hbm>>
    tpu.wait_dma2 semaphore(%arg11 : memref<!tpu.dma_semaphore, #tpu.memory_space<semaphore_mem>>) src(%arg7 : memref<320x128xf32, #tpu.memory_space<vmem>>) dst(%dma_wait3A_410 : memref<320x128xf32, #tpu.memory_space<hbm>>)
    %dma_wait3A_411 = arith.constant 0 : i32
    %dma_wait3A_412 = tpu.memref_slice %arg4[%mul3A_402, %dma_wait3A_411] : memref<163840x128xf32, #tpu.memory_space<hbm>> -> memref<320x128xf32, #tpu.memory_space<hbm>>
    %dma_wait3A_413 = arith.constant 0 : i32
    %dma_wait3A_414 = tpu.memref_slice %arg4[%mul3A_402, %dma_wait3A_413] : memref<163840x128xf32, #tpu.memory_space<hbm>> -> memref<320x128xf32, #tpu.memory_space<hbm>>
    tpu.wait_dma2 semaphore(%arg12 : memref<!tpu.dma_semaphore, #tpu.memory_space<semaphore_mem>>) src(%arg8 : memref<320x128xf32, #tpu.memory_space<vmem>>) dst(%dma_wait3A_414 : memref<320x128xf32, #tpu.memory_space<hbm>>)
    return
  }
}

#map = affine_map<(d0, d1) -> (0)>
#map1 = affine_map<(d0, d1) -> (0, 0)>
module attributes {stable_mosaic.version = 14 : i64} {
  func.func @sc2(%arg0: i32, %arg1: i32, %arg2: memref<20480xi32, #tpu.memory_space<hbm>>, %arg3: memref<100000x128xf32, #tpu.memory_space<hbm>>, %arg4: memref<4096x128xf32, #tpu.memory_space<hbm>>, %arg5: memref<640xi32, #tpu.memory_space<vmem>>, %arg6: memref<640x128xf32, #tpu.memory_space<vmem>>, %arg7: memref<128x128xf32, #tpu.memory_space<vmem>>, %arg8: memref<!tpu.dma_semaphore, #tpu.memory_space<semaphore_mem>>) attributes {dimension_semantics = [#tpu.dimension_semantics<core_parallel>, #tpu.dimension_semantics<subcore_parallel>], iteration_bounds = array<i64: 2, 16>, scalar_prefetch = 0 : i64, scratch_operands = 4 : i64, tpu.core_type = #tpu.core_type<sc_vector_subcore>, window_params = [{transform_indices = #map}, {transform_indices = #map1}, {transform_indices = #map1}]} {
    %mul3A = arith.constant 2 : i32
    %mul3A_0 = arith.muli %arg1, %mul3A : i32
    %add3A = arith.addi %mul3A_0, %arg0 : i32
    %mul3A_1 = arith.constant 640 : i32
    %mul3A_2 = arith.muli %add3A, %mul3A_1 : i32
    "tpu.region"() ({
      %run_scoped3A = tpu.sem_alloc : memref<!tpu.dma_semaphore, #tpu.memory_space<semaphore_mem>>
      %dma_start3A_15 = tpu.memref_slice %arg2[%mul3A_2] : memref<20480xi32, #tpu.memory_space<hbm>> -> memref<640xi32, #tpu.memory_space<hbm>>
      %dma_start3A_16 = tpu.memref_slice %arg2[%mul3A_2] : memref<20480xi32, #tpu.memory_space<hbm>> -> memref<640xi32, #tpu.memory_space<hbm>>
      tpu.enqueue_dma source(%dma_start3A_16 : memref<640xi32, #tpu.memory_space<hbm>>) target(%arg5 : memref<640xi32, #tpu.memory_space<vmem>>) target_semaphore(%run_scoped3A : memref<!tpu.dma_semaphore, #tpu.memory_space<semaphore_mem>>)
      %dma_wait3A_17 = tpu.memref_slice %arg2[%mul3A_2] : memref<20480xi32, #tpu.memory_space<hbm>> -> memref<640xi32, #tpu.memory_space<hbm>>
      %dma_wait3A_18 = tpu.memref_slice %arg2[%mul3A_2] : memref<20480xi32, #tpu.memory_space<hbm>> -> memref<640xi32, #tpu.memory_space<hbm>>
      tpu.wait_dma2 semaphore(%run_scoped3A : memref<!tpu.dma_semaphore, #tpu.memory_space<semaphore_mem>>) src(%dma_wait3A_18 : memref<640xi32, #tpu.memory_space<hbm>>) dst(%arg5 : memref<640xi32, #tpu.memory_space<vmem>>)
      tpu.yield
    }) : () -> ()
    %dma_start3A = arith.constant 0 : i32
    %dma_start3A_3 = arith.constant 0 : i32
    %dma_start3A_4 = tpu.memref_slice %arg3[%dma_start3A, %dma_start3A_3] : memref<100000x128xf32, #tpu.memory_space<hbm>> -> memref<100000x128xf32, #tpu.memory_space<hbm>>
    tpu.enqueue_indirect_dma source(%dma_start3A_4 : memref<100000x128xf32, #tpu.memory_space<hbm>>) target(%arg6 : memref<640x128xf32, #tpu.memory_space<vmem>>) offsets(%arg5 : memref<640xi32, #tpu.memory_space<vmem>>) semaphore(%arg8 : memref<!tpu.dma_semaphore, #tpu.memory_space<semaphore_mem>>)
    %dma_wait3A = arith.constant 0 : i32
    %dma_wait3A_5 = arith.constant 0 : i32
    %dma_wait3A_6 = tpu.memref_slice %arg3[%dma_wait3A, %dma_wait3A_5] : memref<100000x128xf32, #tpu.memory_space<hbm>> -> memref<100000x128xf32, #tpu.memory_space<hbm>>
    tpu.wait_indirect_dma semaphore(%arg8 : memref<!tpu.dma_semaphore, #tpu.memory_space<semaphore_mem>>) src(%dma_wait3A_6 : memref<100000x128xf32, #tpu.memory_space<hbm>>) dst(%arg6 : memref<640x128xf32, #tpu.memory_space<vmem>>)
    %scan3A = arith.constant 0 : i32
    %scan3A_7 = arith.constant 0 : i32
    %scan3A_8 = arith.constant 128 : i32
    %scan3A_9 = arith.addi %scan3A_7, %scan3A_8 : i32
    %scan3A_10 = arith.constant 1 : i32
    %scan3A_11 = scf.for %scan3A_15 = %scan3A_7 to %scan3A_9 step %scan3A_10 iter_args(%scan3A_16 = %scan3A) -> (i32)  : i32 {
      %mul3A_17 = arith.constant 5 : i32
      %mul3A_18 = arith.muli %scan3A_15, %mul3A_17 : i32
      %add3A_19 = arith.constant 0 : i32
      %add3A_20 = arith.addi %mul3A_18, %add3A_19 : i32
      %get3A = arith.index_cast %add3A_20 : i32 to index
      %get3A_21 = arith.constant 0 : index
      %get3A_22 = tpu.vector_load %arg6[%get3A, %get3A_21] {strides = array<i32>} : memref<640x128xf32, #tpu.memory_space<vmem>>, vector<1x16xf32>,
      %get3A_23 = vector.shape_cast %get3A_22 : vector<1x16xf32> to vector<16xf32>
      %mul3A_24 = arith.constant 5 : i32
      %mul3A_25 = arith.muli %scan3A_15, %mul3A_24 : i32
      %add3A_26 = arith.constant 1 : i32
      %add3A_27 = arith.addi %mul3A_25, %add3A_26 : i32
      %get3A_28 = arith.index_cast %add3A_27 : i32 to index
      %get3A_29 = arith.constant 0 : index
      %get3A_30 = tpu.vector_load %arg6[%get3A_28, %get3A_29] {strides = array<i32>} : memref<640x128xf32, #tpu.memory_space<vmem>>, vector<1x16xf32>,
      %get3A_31 = vector.shape_cast %get3A_30 : vector<1x16xf32> to vector<16xf32>
      %add3A_32 = arith.addf %get3A_23, %get3A_31 : vector<16xf32>
      %mul3A_33 = arith.constant 5 : i32
      %mul3A_34 = arith.muli %scan3A_15, %mul3A_33 : i32
      %add3A_35 = arith.constant 2 : i32
      %add3A_36 = arith.addi %mul3A_34, %add3A_35 : i32
      %get3A_37 = arith.index_cast %add3A_36 : i32 to index
      %get3A_38 = arith.constant 0 : index
      %get3A_39 = tpu.vector_load %arg6[%get3A_37, %get3A_38] {strides = array<i32>} : memref<640x128xf32, #tpu.memory_space<vmem>>, vector<1x16xf32>,
      %get3A_40 = vector.shape_cast %get3A_39 : vector<1x16xf32> to vector<16xf32>
      %add3A_41 = arith.addf %add3A_32, %get3A_40 : vector<16xf32>
      %mul3A_42 = arith.constant 5 : i32
      %mul3A_43 = arith.muli %scan3A_15, %mul3A_42 : i32
      %add3A_44 = arith.constant 3 : i32
      %add3A_45 = arith.addi %mul3A_43, %add3A_44 : i32
      %get3A_46 = arith.index_cast %add3A_45 : i32 to index
      %get3A_47 = arith.constant 0 : index
      %get3A_48 = tpu.vector_load %arg6[%get3A_46, %get3A_47] {strides = array<i32>} : memref<640x128xf32, #tpu.memory_space<vmem>>, vector<1x16xf32>,
      %get3A_49 = vector.shape_cast %get3A_48 : vector<1x16xf32> to vector<16xf32>
      %add3A_50 = arith.addf %add3A_41, %get3A_49 : vector<16xf32>
      %mul3A_51 = arith.constant 5 : i32
      %mul3A_52 = arith.muli %scan3A_15, %mul3A_51 : i32
      %add3A_53 = arith.constant 4 : i32
      %add3A_54 = arith.addi %mul3A_52, %add3A_53 : i32
      %get3A_55 = arith.index_cast %add3A_54 : i32 to index
      %get3A_56 = arith.constant 0 : index
      %get3A_57 = tpu.vector_load %arg6[%get3A_55, %get3A_56] {strides = array<i32>} : memref<640x128xf32, #tpu.memory_space<vmem>>, vector<1x16xf32>,
      %get3A_58 = vector.shape_cast %get3A_57 : vector<1x16xf32> to vector<16xf32>
      %add3A_59 = arith.addf %add3A_50, %get3A_58 : vector<16xf32>
      %mul3A_60 = arith.constant 2.000000e-01 : f32
      %mul3A_61 = vector.broadcast %mul3A_60 : f32 to vector<16xf32>
      %mul3A_62 = arith.mulf %add3A_59, %mul3A_61 : vector<16xf32>
      %swap3A = arith.index_cast %scan3A_15 : i32 to index
      %swap3A_63 = arith.constant 0 : index
      %swap3A_64 = tpu.vector_load %arg7[%swap3A, %swap3A_63] {strides = array<i32>} : memref<128x128xf32, #tpu.memory_space<vmem>>, vector<1x16xf32>,
      %swap3A_65 = vector.shape_cast %swap3A_64 : vector<1x16xf32> to vector<16xf32>
      %swap3A_66 = vector.shape_cast %mul3A_62 : vector<16xf32> to vector<1x16xf32>
      tpu.vector_store %arg7[%swap3A, %swap3A_63], %swap3A_66 {strides = array<i32>} : memref<128x128xf32, #tpu.memory_space<vmem>>, vector<1x16xf32>,
      %mul3A_67 = arith.constant 5 : i32
      %mul3A_68 = arith.muli %scan3A_15, %mul3A_67 : i32
      %add3A_69 = arith.constant 0 : i32
      %add3A_70 = arith.addi %mul3A_68, %add3A_69 : i32
      %get3A_71 = arith.index_cast %add3A_70 : i32 to index
      %get3A_72 = arith.constant 16 : index
      %get3A_73 = tpu.vector_load %arg6[%get3A_71, %get3A_72] {strides = array<i32>} : memref<640x128xf32, #tpu.memory_space<vmem>>, vector<1x16xf32>,
      %get3A_74 = vector.shape_cast %get3A_73 : vector<1x16xf32> to vector<16xf32>
      %mul3A_75 = arith.constant 5 : i32
      %mul3A_76 = arith.muli %scan3A_15, %mul3A_75 : i32
      %add3A_77 = arith.constant 1 : i32
      %add3A_78 = arith.addi %mul3A_76, %add3A_77 : i32
      %get3A_79 = arith.index_cast %add3A_78 : i32 to index
      %get3A_80 = arith.constant 16 : index
      %get3A_81 = tpu.vector_load %arg6[%get3A_79, %get3A_80] {strides = array<i32>} : memref<640x128xf32, #tpu.memory_space<vmem>>, vector<1x16xf32>,
      %get3A_82 = vector.shape_cast %get3A_81 : vector<1x16xf32> to vector<16xf32>
      %add3A_83 = arith.addf %get3A_74, %get3A_82 : vector<16xf32>
      %mul3A_84 = arith.constant 5 : i32
      %mul3A_85 = arith.muli %scan3A_15, %mul3A_84 : i32
      %add3A_86 = arith.constant 2 : i32
      %add3A_87 = arith.addi %mul3A_85, %add3A_86 : i32
      %get3A_88 = arith.index_cast %add3A_87 : i32 to index
      %get3A_89 = arith.constant 16 : index
      %get3A_90 = tpu.vector_load %arg6[%get3A_88, %get3A_89] {strides = array<i32>} : memref<640x128xf32, #tpu.memory_space<vmem>>, vector<1x16xf32>,
      %get3A_91 = vector.shape_cast %get3A_90 : vector<1x16xf32> to vector<16xf32>
      %add3A_92 = arith.addf %add3A_83, %get3A_91 : vector<16xf32>
      %mul3A_93 = arith.constant 5 : i32
      %mul3A_94 = arith.muli %scan3A_15, %mul3A_93 : i32
      %add3A_95 = arith.constant 3 : i32
      %add3A_96 = arith.addi %mul3A_94, %add3A_95 : i32
      %get3A_97 = arith.index_cast %add3A_96 : i32 to index
      %get3A_98 = arith.constant 16 : index
      %get3A_99 = tpu.vector_load %arg6[%get3A_97, %get3A_98] {strides = array<i32>} : memref<640x128xf32, #tpu.memory_space<vmem>>, vector<1x16xf32>,
      %get3A_100 = vector.shape_cast %get3A_99 : vector<1x16xf32> to vector<16xf32>
      %add3A_101 = arith.addf %add3A_92, %get3A_100 : vector<16xf32>
      %mul3A_102 = arith.constant 5 : i32
      %mul3A_103 = arith.muli %scan3A_15, %mul3A_102 : i32
      %add3A_104 = arith.constant 4 : i32
      %add3A_105 = arith.addi %mul3A_103, %add3A_104 : i32
      %get3A_106 = arith.index_cast %add3A_105 : i32 to index
      %get3A_107 = arith.constant 16 : index
      %get3A_108 = tpu.vector_load %arg6[%get3A_106, %get3A_107] {strides = array<i32>} : memref<640x128xf32, #tpu.memory_space<vmem>>, vector<1x16xf32>,
      %get3A_109 = vector.shape_cast %get3A_108 : vector<1x16xf32> to vector<16xf32>
      %add3A_110 = arith.addf %add3A_101, %get3A_109 : vector<16xf32>
      %mul3A_111 = arith.constant 2.000000e-01 : f32
      %mul3A_112 = vector.broadcast %mul3A_111 : f32 to vector<16xf32>
      %mul3A_113 = arith.mulf %add3A_110, %mul3A_112 : vector<16xf32>
      %swap3A_114 = arith.index_cast %scan3A_15 : i32 to index
      %swap3A_115 = arith.constant 16 : index
      %swap3A_116 = tpu.vector_load %arg7[%swap3A_114, %swap3A_115] {strides = array<i32>} : memref<128x128xf32, #tpu.memory_space<vmem>>, vector<1x16xf32>,
      %swap3A_117 = vector.shape_cast %swap3A_116 : vector<1x16xf32> to vector<16xf32>
      %swap3A_118 = vector.shape_cast %mul3A_113 : vector<16xf32> to vector<1x16xf32>
      tpu.vector_store %arg7[%swap3A_114, %swap3A_115], %swap3A_118 {strides = array<i32>} : memref<128x128xf32, #tpu.memory_space<vmem>>, vector<1x16xf32>,
      %mul3A_119 = arith.constant 5 : i32
      %mul3A_120 = arith.muli %scan3A_15, %mul3A_119 : i32
      %add3A_121 = arith.constant 0 : i32
      %add3A_122 = arith.addi %mul3A_120, %add3A_121 : i32
      %get3A_123 = arith.index_cast %add3A_122 : i32 to index
      %get3A_124 = arith.constant 32 : index
      %get3A_125 = tpu.vector_load %arg6[%get3A_123, %get3A_124] {strides = array<i32>} : memref<640x128xf32, #tpu.memory_space<vmem>>, vector<1x16xf32>,
      %get3A_126 = vector.shape_cast %get3A_125 : vector<1x16xf32> to vector<16xf32>
      %mul3A_127 = arith.constant 5 : i32
      %mul3A_128 = arith.muli %scan3A_15, %mul3A_127 : i32
      %add3A_129 = arith.constant 1 : i32
      %add3A_130 = arith.addi %mul3A_128, %add3A_129 : i32
      %get3A_131 = arith.index_cast %add3A_130 : i32 to index
      %get3A_132 = arith.constant 32 : index
      %get3A_133 = tpu.vector_load %arg6[%get3A_131, %get3A_132] {strides = array<i32>} : memref<640x128xf32, #tpu.memory_space<vmem>>, vector<1x16xf32>,
      %get3A_134 = vector.shape_cast %get3A_133 : vector<1x16xf32> to vector<16xf32>
      %add3A_135 = arith.addf %get3A_126, %get3A_134 : vector<16xf32>
      %mul3A_136 = arith.constant 5 : i32
      %mul3A_137 = arith.muli %scan3A_15, %mul3A_136 : i32
      %add3A_138 = arith.constant 2 : i32
      %add3A_139 = arith.addi %mul3A_137, %add3A_138 : i32
      %get3A_140 = arith.index_cast %add3A_139 : i32 to index
      %get3A_141 = arith.constant 32 : index
      %get3A_142 = tpu.vector_load %arg6[%get3A_140, %get3A_141] {strides = array<i32>} : memref<640x128xf32, #tpu.memory_space<vmem>>, vector<1x16xf32>,
      %get3A_143 = vector.shape_cast %get3A_142 : vector<1x16xf32> to vector<16xf32>
      %add3A_144 = arith.addf %add3A_135, %get3A_143 : vector<16xf32>
      %mul3A_145 = arith.constant 5 : i32
      %mul3A_146 = arith.muli %scan3A_15, %mul3A_145 : i32
      %add3A_147 = arith.constant 3 : i32
      %add3A_148 = arith.addi %mul3A_146, %add3A_147 : i32
      %get3A_149 = arith.index_cast %add3A_148 : i32 to index
      %get3A_150 = arith.constant 32 : index
      %get3A_151 = tpu.vector_load %arg6[%get3A_149, %get3A_150] {strides = array<i32>} : memref<640x128xf32, #tpu.memory_space<vmem>>, vector<1x16xf32>,
      %get3A_152 = vector.shape_cast %get3A_151 : vector<1x16xf32> to vector<16xf32>
      %add3A_153 = arith.addf %add3A_144, %get3A_152 : vector<16xf32>
      %mul3A_154 = arith.constant 5 : i32
      %mul3A_155 = arith.muli %scan3A_15, %mul3A_154 : i32
      %add3A_156 = arith.constant 4 : i32
      %add3A_157 = arith.addi %mul3A_155, %add3A_156 : i32
      %get3A_158 = arith.index_cast %add3A_157 : i32 to index
      %get3A_159 = arith.constant 32 : index
      %get3A_160 = tpu.vector_load %arg6[%get3A_158, %get3A_159] {strides = array<i32>} : memref<640x128xf32, #tpu.memory_space<vmem>>, vector<1x16xf32>,
      %get3A_161 = vector.shape_cast %get3A_160 : vector<1x16xf32> to vector<16xf32>
      %add3A_162 = arith.addf %add3A_153, %get3A_161 : vector<16xf32>
      %mul3A_163 = arith.constant 2.000000e-01 : f32
      %mul3A_164 = vector.broadcast %mul3A_163 : f32 to vector<16xf32>
      %mul3A_165 = arith.mulf %add3A_162, %mul3A_164 : vector<16xf32>
      %swap3A_166 = arith.index_cast %scan3A_15 : i32 to index
      %swap3A_167 = arith.constant 32 : index
      %swap3A_168 = tpu.vector_load %arg7[%swap3A_166, %swap3A_167] {strides = array<i32>} : memref<128x128xf32, #tpu.memory_space<vmem>>, vector<1x16xf32>,
      %swap3A_169 = vector.shape_cast %swap3A_168 : vector<1x16xf32> to vector<16xf32>
      %swap3A_170 = vector.shape_cast %mul3A_165 : vector<16xf32> to vector<1x16xf32>
      tpu.vector_store %arg7[%swap3A_166, %swap3A_167], %swap3A_170 {strides = array<i32>} : memref<128x128xf32, #tpu.memory_space<vmem>>, vector<1x16xf32>,
      %mul3A_171 = arith.constant 5 : i32
      %mul3A_172 = arith.muli %scan3A_15, %mul3A_171 : i32
      %add3A_173 = arith.constant 0 : i32
      %add3A_174 = arith.addi %mul3A_172, %add3A_173 : i32
      %get3A_175 = arith.index_cast %add3A_174 : i32 to index
      %get3A_176 = arith.constant 48 : index
      %get3A_177 = tpu.vector_load %arg6[%get3A_175, %get3A_176] {strides = array<i32>} : memref<640x128xf32, #tpu.memory_space<vmem>>, vector<1x16xf32>,
      %get3A_178 = vector.shape_cast %get3A_177 : vector<1x16xf32> to vector<16xf32>
      %mul3A_179 = arith.constant 5 : i32
      %mul3A_180 = arith.muli %scan3A_15, %mul3A_179 : i32
      %add3A_181 = arith.constant 1 : i32
      %add3A_182 = arith.addi %mul3A_180, %add3A_181 : i32
      %get3A_183 = arith.index_cast %add3A_182 : i32 to index
      %get3A_184 = arith.constant 48 : index
      %get3A_185 = tpu.vector_load %arg6[%get3A_183, %get3A_184] {strides = array<i32>} : memref<640x128xf32, #tpu.memory_space<vmem>>, vector<1x16xf32>,
      %get3A_186 = vector.shape_cast %get3A_185 : vector<1x16xf32> to vector<16xf32>
      %add3A_187 = arith.addf %get3A_178, %get3A_186 : vector<16xf32>
      %mul3A_188 = arith.constant 5 : i32
      %mul3A_189 = arith.muli %scan3A_15, %mul3A_188 : i32
      %add3A_190 = arith.constant 2 : i32
      %add3A_191 = arith.addi %mul3A_189, %add3A_190 : i32
      %get3A_192 = arith.index_cast %add3A_191 : i32 to index
      %get3A_193 = arith.constant 48 : index
      %get3A_194 = tpu.vector_load %arg6[%get3A_192, %get3A_193] {strides = array<i32>} : memref<640x128xf32, #tpu.memory_space<vmem>>, vector<1x16xf32>,
      %get3A_195 = vector.shape_cast %get3A_194 : vector<1x16xf32> to vector<16xf32>
      %add3A_196 = arith.addf %add3A_187, %get3A_195 : vector<16xf32>
      %mul3A_197 = arith.constant 5 : i32
      %mul3A_198 = arith.muli %scan3A_15, %mul3A_197 : i32
      %add3A_199 = arith.constant 3 : i32
      %add3A_200 = arith.addi %mul3A_198, %add3A_199 : i32
      %get3A_201 = arith.index_cast %add3A_200 : i32 to index
      %get3A_202 = arith.constant 48 : index
      %get3A_203 = tpu.vector_load %arg6[%get3A_201, %get3A_202] {strides = array<i32>} : memref<640x128xf32, #tpu.memory_space<vmem>>, vector<1x16xf32>,
      %get3A_204 = vector.shape_cast %get3A_203 : vector<1x16xf32> to vector<16xf32>
      %add3A_205 = arith.addf %add3A_196, %get3A_204 : vector<16xf32>
      %mul3A_206 = arith.constant 5 : i32
      %mul3A_207 = arith.muli %scan3A_15, %mul3A_206 : i32
      %add3A_208 = arith.constant 4 : i32
      %add3A_209 = arith.addi %mul3A_207, %add3A_208 : i32
      %get3A_210 = arith.index_cast %add3A_209 : i32 to index
      %get3A_211 = arith.constant 48 : index
      %get3A_212 = tpu.vector_load %arg6[%get3A_210, %get3A_211] {strides = array<i32>} : memref<640x128xf32, #tpu.memory_space<vmem>>, vector<1x16xf32>,
      %get3A_213 = vector.shape_cast %get3A_212 : vector<1x16xf32> to vector<16xf32>
      %add3A_214 = arith.addf %add3A_205, %get3A_213 : vector<16xf32>
      %mul3A_215 = arith.constant 2.000000e-01 : f32
      %mul3A_216 = vector.broadcast %mul3A_215 : f32 to vector<16xf32>
      %mul3A_217 = arith.mulf %add3A_214, %mul3A_216 : vector<16xf32>
      %swap3A_218 = arith.index_cast %scan3A_15 : i32 to index
      %swap3A_219 = arith.constant 48 : index
      %swap3A_220 = tpu.vector_load %arg7[%swap3A_218, %swap3A_219] {strides = array<i32>} : memref<128x128xf32, #tpu.memory_space<vmem>>, vector<1x16xf32>,
      %swap3A_221 = vector.shape_cast %swap3A_220 : vector<1x16xf32> to vector<16xf32>
      %swap3A_222 = vector.shape_cast %mul3A_217 : vector<16xf32> to vector<1x16xf32>
      tpu.vector_store %arg7[%swap3A_218, %swap3A_219], %swap3A_222 {strides = array<i32>} : memref<128x128xf32, #tpu.memory_space<vmem>>, vector<1x16xf32>,
      %mul3A_223 = arith.constant 5 : i32
      %mul3A_224 = arith.muli %scan3A_15, %mul3A_223 : i32
      %add3A_225 = arith.constant 0 : i32
      %add3A_226 = arith.addi %mul3A_224, %add3A_225 : i32
      %get3A_227 = arith.index_cast %add3A_226 : i32 to index
      %get3A_228 = arith.constant 64 : index
      %get3A_229 = tpu.vector_load %arg6[%get3A_227, %get3A_228] {strides = array<i32>} : memref<640x128xf32, #tpu.memory_space<vmem>>, vector<1x16xf32>,
      %get3A_230 = vector.shape_cast %get3A_229 : vector<1x16xf32> to vector<16xf32>
      %mul3A_231 = arith.constant 5 : i32
      %mul3A_232 = arith.muli %scan3A_15, %mul3A_231 : i32
      %add3A_233 = arith.constant 1 : i32
      %add3A_234 = arith.addi %mul3A_232, %add3A_233 : i32
      %get3A_235 = arith.index_cast %add3A_234 : i32 to index
      %get3A_236 = arith.constant 64 : index
      %get3A_237 = tpu.vector_load %arg6[%get3A_235, %get3A_236] {strides = array<i32>} : memref<640x128xf32, #tpu.memory_space<vmem>>, vector<1x16xf32>,
      %get3A_238 = vector.shape_cast %get3A_237 : vector<1x16xf32> to vector<16xf32>
      %add3A_239 = arith.addf %get3A_230, %get3A_238 : vector<16xf32>
      %mul3A_240 = arith.constant 5 : i32
      %mul3A_241 = arith.muli %scan3A_15, %mul3A_240 : i32
      %add3A_242 = arith.constant 2 : i32
      %add3A_243 = arith.addi %mul3A_241, %add3A_242 : i32
      %get3A_244 = arith.index_cast %add3A_243 : i32 to index
      %get3A_245 = arith.constant 64 : index
      %get3A_246 = tpu.vector_load %arg6[%get3A_244, %get3A_245] {strides = array<i32>} : memref<640x128xf32, #tpu.memory_space<vmem>>, vector<1x16xf32>,
      %get3A_247 = vector.shape_cast %get3A_246 : vector<1x16xf32> to vector<16xf32>
      %add3A_248 = arith.addf %add3A_239, %get3A_247 : vector<16xf32>
      %mul3A_249 = arith.constant 5 : i32
      %mul3A_250 = arith.muli %scan3A_15, %mul3A_249 : i32
      %add3A_251 = arith.constant 3 : i32
      %add3A_252 = arith.addi %mul3A_250, %add3A_251 : i32
      %get3A_253 = arith.index_cast %add3A_252 : i32 to index
      %get3A_254 = arith.constant 64 : index
      %get3A_255 = tpu.vector_load %arg6[%get3A_253, %get3A_254] {strides = array<i32>} : memref<640x128xf32, #tpu.memory_space<vmem>>, vector<1x16xf32>,
      %get3A_256 = vector.shape_cast %get3A_255 : vector<1x16xf32> to vector<16xf32>
      %add3A_257 = arith.addf %add3A_248, %get3A_256 : vector<16xf32>
      %mul3A_258 = arith.constant 5 : i32
      %mul3A_259 = arith.muli %scan3A_15, %mul3A_258 : i32
      %add3A_260 = arith.constant 4 : i32
      %add3A_261 = arith.addi %mul3A_259, %add3A_260 : i32
      %get3A_262 = arith.index_cast %add3A_261 : i32 to index
      %get3A_263 = arith.constant 64 : index
      %get3A_264 = tpu.vector_load %arg6[%get3A_262, %get3A_263] {strides = array<i32>} : memref<640x128xf32, #tpu.memory_space<vmem>>, vector<1x16xf32>,
      %get3A_265 = vector.shape_cast %get3A_264 : vector<1x16xf32> to vector<16xf32>
      %add3A_266 = arith.addf %add3A_257, %get3A_265 : vector<16xf32>
      %mul3A_267 = arith.constant 2.000000e-01 : f32
      %mul3A_268 = vector.broadcast %mul3A_267 : f32 to vector<16xf32>
      %mul3A_269 = arith.mulf %add3A_266, %mul3A_268 : vector<16xf32>
      %swap3A_270 = arith.index_cast %scan3A_15 : i32 to index
      %swap3A_271 = arith.constant 64 : index
      %swap3A_272 = tpu.vector_load %arg7[%swap3A_270, %swap3A_271] {strides = array<i32>} : memref<128x128xf32, #tpu.memory_space<vmem>>, vector<1x16xf32>,
      %swap3A_273 = vector.shape_cast %swap3A_272 : vector<1x16xf32> to vector<16xf32>
      %swap3A_274 = vector.shape_cast %mul3A_269 : vector<16xf32> to vector<1x16xf32>
      tpu.vector_store %arg7[%swap3A_270, %swap3A_271], %swap3A_274 {strides = array<i32>} : memref<128x128xf32, #tpu.memory_space<vmem>>, vector<1x16xf32>,
      %mul3A_275 = arith.constant 5 : i32
      %mul3A_276 = arith.muli %scan3A_15, %mul3A_275 : i32
      %add3A_277 = arith.constant 0 : i32
      %add3A_278 = arith.addi %mul3A_276, %add3A_277 : i32
      %get3A_279 = arith.index_cast %add3A_278 : i32 to index
      %get3A_280 = arith.constant 80 : index
      %get3A_281 = tpu.vector_load %arg6[%get3A_279, %get3A_280] {strides = array<i32>} : memref<640x128xf32, #tpu.memory_space<vmem>>, vector<1x16xf32>,
      %get3A_282 = vector.shape_cast %get3A_281 : vector<1x16xf32> to vector<16xf32>
      %mul3A_283 = arith.constant 5 : i32
      %mul3A_284 = arith.muli %scan3A_15, %mul3A_283 : i32
      %add3A_285 = arith.constant 1 : i32
      %add3A_286 = arith.addi %mul3A_284, %add3A_285 : i32
      %get3A_287 = arith.index_cast %add3A_286 : i32 to index
      %get3A_288 = arith.constant 80 : index
      %get3A_289 = tpu.vector_load %arg6[%get3A_287, %get3A_288] {strides = array<i32>} : memref<640x128xf32, #tpu.memory_space<vmem>>, vector<1x16xf32>,
      %get3A_290 = vector.shape_cast %get3A_289 : vector<1x16xf32> to vector<16xf32>
      %add3A_291 = arith.addf %get3A_282, %get3A_290 : vector<16xf32>
      %mul3A_292 = arith.constant 5 : i32
      %mul3A_293 = arith.muli %scan3A_15, %mul3A_292 : i32
      %add3A_294 = arith.constant 2 : i32
      %add3A_295 = arith.addi %mul3A_293, %add3A_294 : i32
      %get3A_296 = arith.index_cast %add3A_295 : i32 to index
      %get3A_297 = arith.constant 80 : index
      %get3A_298 = tpu.vector_load %arg6[%get3A_296, %get3A_297] {strides = array<i32>} : memref<640x128xf32, #tpu.memory_space<vmem>>, vector<1x16xf32>,
      %get3A_299 = vector.shape_cast %get3A_298 : vector<1x16xf32> to vector<16xf32>
      %add3A_300 = arith.addf %add3A_291, %get3A_299 : vector<16xf32>
      %mul3A_301 = arith.constant 5 : i32
      %mul3A_302 = arith.muli %scan3A_15, %mul3A_301 : i32
      %add3A_303 = arith.constant 3 : i32
      %add3A_304 = arith.addi %mul3A_302, %add3A_303 : i32
      %get3A_305 = arith.index_cast %add3A_304 : i32 to index
      %get3A_306 = arith.constant 80 : index
      %get3A_307 = tpu.vector_load %arg6[%get3A_305, %get3A_306] {strides = array<i32>} : memref<640x128xf32, #tpu.memory_space<vmem>>, vector<1x16xf32>,
      %get3A_308 = vector.shape_cast %get3A_307 : vector<1x16xf32> to vector<16xf32>
      %add3A_309 = arith.addf %add3A_300, %get3A_308 : vector<16xf32>
      %mul3A_310 = arith.constant 5 : i32
      %mul3A_311 = arith.muli %scan3A_15, %mul3A_310 : i32
      %add3A_312 = arith.constant 4 : i32
      %add3A_313 = arith.addi %mul3A_311, %add3A_312 : i32
      %get3A_314 = arith.index_cast %add3A_313 : i32 to index
      %get3A_315 = arith.constant 80 : index
      %get3A_316 = tpu.vector_load %arg6[%get3A_314, %get3A_315] {strides = array<i32>} : memref<640x128xf32, #tpu.memory_space<vmem>>, vector<1x16xf32>,
      %get3A_317 = vector.shape_cast %get3A_316 : vector<1x16xf32> to vector<16xf32>
      %add3A_318 = arith.addf %add3A_309, %get3A_317 : vector<16xf32>
      %mul3A_319 = arith.constant 2.000000e-01 : f32
      %mul3A_320 = vector.broadcast %mul3A_319 : f32 to vector<16xf32>
      %mul3A_321 = arith.mulf %add3A_318, %mul3A_320 : vector<16xf32>
      %swap3A_322 = arith.index_cast %scan3A_15 : i32 to index
      %swap3A_323 = arith.constant 80 : index
      %swap3A_324 = tpu.vector_load %arg7[%swap3A_322, %swap3A_323] {strides = array<i32>} : memref<128x128xf32, #tpu.memory_space<vmem>>, vector<1x16xf32>,
      %swap3A_325 = vector.shape_cast %swap3A_324 : vector<1x16xf32> to vector<16xf32>
      %swap3A_326 = vector.shape_cast %mul3A_321 : vector<16xf32> to vector<1x16xf32>
      tpu.vector_store %arg7[%swap3A_322, %swap3A_323], %swap3A_326 {strides = array<i32>} : memref<128x128xf32, #tpu.memory_space<vmem>>, vector<1x16xf32>,
      %mul3A_327 = arith.constant 5 : i32
      %mul3A_328 = arith.muli %scan3A_15, %mul3A_327 : i32
      %add3A_329 = arith.constant 0 : i32
      %add3A_330 = arith.addi %mul3A_328, %add3A_329 : i32
      %get3A_331 = arith.index_cast %add3A_330 : i32 to index
      %get3A_332 = arith.constant 96 : index
      %get3A_333 = tpu.vector_load %arg6[%get3A_331, %get3A_332] {strides = array<i32>} : memref<640x128xf32, #tpu.memory_space<vmem>>, vector<1x16xf32>,
      %get3A_334 = vector.shape_cast %get3A_333 : vector<1x16xf32> to vector<16xf32>
      %mul3A_335 = arith.constant 5 : i32
      %mul3A_336 = arith.muli %scan3A_15, %mul3A_335 : i32
      %add3A_337 = arith.constant 1 : i32
      %add3A_338 = arith.addi %mul3A_336, %add3A_337 : i32
      %get3A_339 = arith.index_cast %add3A_338 : i32 to index
      %get3A_340 = arith.constant 96 : index
      %get3A_341 = tpu.vector_load %arg6[%get3A_339, %get3A_340] {strides = array<i32>} : memref<640x128xf32, #tpu.memory_space<vmem>>, vector<1x16xf32>,
      %get3A_342 = vector.shape_cast %get3A_341 : vector<1x16xf32> to vector<16xf32>
      %add3A_343 = arith.addf %get3A_334, %get3A_342 : vector<16xf32>
      %mul3A_344 = arith.constant 5 : i32
      %mul3A_345 = arith.muli %scan3A_15, %mul3A_344 : i32
      %add3A_346 = arith.constant 2 : i32
      %add3A_347 = arith.addi %mul3A_345, %add3A_346 : i32
      %get3A_348 = arith.index_cast %add3A_347 : i32 to index
      %get3A_349 = arith.constant 96 : index
      %get3A_350 = tpu.vector_load %arg6[%get3A_348, %get3A_349] {strides = array<i32>} : memref<640x128xf32, #tpu.memory_space<vmem>>, vector<1x16xf32>,
      %get3A_351 = vector.shape_cast %get3A_350 : vector<1x16xf32> to vector<16xf32>
      %add3A_352 = arith.addf %add3A_343, %get3A_351 : vector<16xf32>
      %mul3A_353 = arith.constant 5 : i32
      %mul3A_354 = arith.muli %scan3A_15, %mul3A_353 : i32
      %add3A_355 = arith.constant 3 : i32
      %add3A_356 = arith.addi %mul3A_354, %add3A_355 : i32
      %get3A_357 = arith.index_cast %add3A_356 : i32 to index
      %get3A_358 = arith.constant 96 : index
      %get3A_359 = tpu.vector_load %arg6[%get3A_357, %get3A_358] {strides = array<i32>} : memref<640x128xf32, #tpu.memory_space<vmem>>, vector<1x16xf32>,
      %get3A_360 = vector.shape_cast %get3A_359 : vector<1x16xf32> to vector<16xf32>
      %add3A_361 = arith.addf %add3A_352, %get3A_360 : vector<16xf32>
      %mul3A_362 = arith.constant 5 : i32
      %mul3A_363 = arith.muli %scan3A_15, %mul3A_362 : i32
      %add3A_364 = arith.constant 4 : i32
      %add3A_365 = arith.addi %mul3A_363, %add3A_364 : i32
      %get3A_366 = arith.index_cast %add3A_365 : i32 to index
      %get3A_367 = arith.constant 96 : index
      %get3A_368 = tpu.vector_load %arg6[%get3A_366, %get3A_367] {strides = array<i32>} : memref<640x128xf32, #tpu.memory_space<vmem>>, vector<1x16xf32>,
      %get3A_369 = vector.shape_cast %get3A_368 : vector<1x16xf32> to vector<16xf32>
      %add3A_370 = arith.addf %add3A_361, %get3A_369 : vector<16xf32>
      %mul3A_371 = arith.constant 2.000000e-01 : f32
      %mul3A_372 = vector.broadcast %mul3A_371 : f32 to vector<16xf32>
      %mul3A_373 = arith.mulf %add3A_370, %mul3A_372 : vector<16xf32>
      %swap3A_374 = arith.index_cast %scan3A_15 : i32 to index
      %swap3A_375 = arith.constant 96 : index
      %swap3A_376 = tpu.vector_load %arg7[%swap3A_374, %swap3A_375] {strides = array<i32>} : memref<128x128xf32, #tpu.memory_space<vmem>>, vector<1x16xf32>,
      %swap3A_377 = vector.shape_cast %swap3A_376 : vector<1x16xf32> to vector<16xf32>
      %swap3A_378 = vector.shape_cast %mul3A_373 : vector<16xf32> to vector<1x16xf32>
      tpu.vector_store %arg7[%swap3A_374, %swap3A_375], %swap3A_378 {strides = array<i32>} : memref<128x128xf32, #tpu.memory_space<vmem>>, vector<1x16xf32>,
      %mul3A_379 = arith.constant 5 : i32
      %mul3A_380 = arith.muli %scan3A_15, %mul3A_379 : i32
      %add3A_381 = arith.constant 0 : i32
      %add3A_382 = arith.addi %mul3A_380, %add3A_381 : i32
      %get3A_383 = arith.index_cast %add3A_382 : i32 to index
      %get3A_384 = arith.constant 112 : index
      %get3A_385 = tpu.vector_load %arg6[%get3A_383, %get3A_384] {strides = array<i32>} : memref<640x128xf32, #tpu.memory_space<vmem>>, vector<1x16xf32>,
      %get3A_386 = vector.shape_cast %get3A_385 : vector<1x16xf32> to vector<16xf32>
      %mul3A_387 = arith.constant 5 : i32
      %mul3A_388 = arith.muli %scan3A_15, %mul3A_387 : i32
      %add3A_389 = arith.constant 1 : i32
      %add3A_390 = arith.addi %mul3A_388, %add3A_389 : i32
      %get3A_391 = arith.index_cast %add3A_390 : i32 to index
      %get3A_392 = arith.constant 112 : index
      %get3A_393 = tpu.vector_load %arg6[%get3A_391, %get3A_392] {strides = array<i32>} : memref<640x128xf32, #tpu.memory_space<vmem>>, vector<1x16xf32>,
      %get3A_394 = vector.shape_cast %get3A_393 : vector<1x16xf32> to vector<16xf32>
      %add3A_395 = arith.addf %get3A_386, %get3A_394 : vector<16xf32>
      %mul3A_396 = arith.constant 5 : i32
      %mul3A_397 = arith.muli %scan3A_15, %mul3A_396 : i32
      %add3A_398 = arith.constant 2 : i32
      %add3A_399 = arith.addi %mul3A_397, %add3A_398 : i32
      %get3A_400 = arith.index_cast %add3A_399 : i32 to index
      %get3A_401 = arith.constant 112 : index
      %get3A_402 = tpu.vector_load %arg6[%get3A_400, %get3A_401] {strides = array<i32>} : memref<640x128xf32, #tpu.memory_space<vmem>>, vector<1x16xf32>,
      %get3A_403 = vector.shape_cast %get3A_402 : vector<1x16xf32> to vector<16xf32>
      %add3A_404 = arith.addf %add3A_395, %get3A_403 : vector<16xf32>
      %mul3A_405 = arith.constant 5 : i32
      %mul3A_406 = arith.muli %scan3A_15, %mul3A_405 : i32
      %add3A_407 = arith.constant 3 : i32
      %add3A_408 = arith.addi %mul3A_406, %add3A_407 : i32
      %get3A_409 = arith.index_cast %add3A_408 : i32 to index
      %get3A_410 = arith.constant 112 : index
      %get3A_411 = tpu.vector_load %arg6[%get3A_409, %get3A_410] {strides = array<i32>} : memref<640x128xf32, #tpu.memory_space<vmem>>, vector<1x16xf32>,
      %get3A_412 = vector.shape_cast %get3A_411 : vector<1x16xf32> to vector<16xf32>
      %add3A_413 = arith.addf %add3A_404, %get3A_412 : vector<16xf32>
      %mul3A_414 = arith.constant 5 : i32
      %mul3A_415 = arith.muli %scan3A_15, %mul3A_414 : i32
      %add3A_416 = arith.constant 4 : i32
      %add3A_417 = arith.addi %mul3A_415, %add3A_416 : i32
      %get3A_418 = arith.index_cast %add3A_417 : i32 to index
      %get3A_419 = arith.constant 112 : index
      %get3A_420 = tpu.vector_load %arg6[%get3A_418, %get3A_419] {strides = array<i32>} : memref<640x128xf32, #tpu.memory_space<vmem>>, vector<1x16xf32>,
      %get3A_421 = vector.shape_cast %get3A_420 : vector<1x16xf32> to vector<16xf32>
      %add3A_422 = arith.addf %add3A_413, %get3A_421 : vector<16xf32>
      %mul3A_423 = arith.constant 2.000000e-01 : f32
      %mul3A_424 = vector.broadcast %mul3A_423 : f32 to vector<16xf32>
      %mul3A_425 = arith.mulf %add3A_422, %mul3A_424 : vector<16xf32>
      %swap3A_426 = arith.index_cast %scan3A_15 : i32 to index
      %swap3A_427 = arith.constant 112 : index
      %swap3A_428 = tpu.vector_load %arg7[%swap3A_426, %swap3A_427] {strides = array<i32>} : memref<128x128xf32, #tpu.memory_space<vmem>>, vector<1x16xf32>,
      %swap3A_429 = vector.shape_cast %swap3A_428 : vector<1x16xf32> to vector<16xf32>
      %swap3A_430 = vector.shape_cast %mul3A_425 : vector<16xf32> to vector<1x16xf32>
      tpu.vector_store %arg7[%swap3A_426, %swap3A_427], %swap3A_430 {strides = array<i32>} : memref<128x128xf32, #tpu.memory_space<vmem>>, vector<1x16xf32>,
      %scan3A_431 = arith.constant 0 : i32
      scf.yield %scan3A_431 : i32
    }
    %scan3A_12 = arith.constant 128 : i32
    %mul3A_13 = arith.constant 128 : i32
    %mul3A_14 = arith.muli %add3A, %mul3A_13 : i32
    "tpu.region"() ({
      %run_scoped3A = tpu.sem_alloc : memref<!tpu.dma_semaphore, #tpu.memory_space<semaphore_mem>>
      %dma_start3A_15 = arith.constant 0 : i32
      %dma_start3A_16 = tpu.memref_slice %arg4[%mul3A_14, %dma_start3A_15] : memref<4096x128xf32, #tpu.memory_space<hbm>> -> memref<128x128xf32, #tpu.memory_space<hbm>>
      %dma_start3A_17 = arith.constant 0 : i32
      %dma_start3A_18 = tpu.memref_slice %arg4[%mul3A_14, %dma_start3A_17] : memref<4096x128xf32, #tpu.memory_space<hbm>> -> memref<128x128xf32, #tpu.memory_space<hbm>>
      tpu.enqueue_dma source(%arg7 : memref<128x128xf32, #tpu.memory_space<vmem>>) target(%dma_start3A_18 : memref<128x128xf32, #tpu.memory_space<hbm>>) target_semaphore(%run_scoped3A : memref<!tpu.dma_semaphore, #tpu.memory_space<semaphore_mem>>)
      %dma_wait3A_19 = arith.constant 0 : i32
      %dma_wait3A_20 = tpu.memref_slice %arg4[%mul3A_14, %dma_wait3A_19] : memref<4096x128xf32, #tpu.memory_space<hbm>> -> memref<128x128xf32, #tpu.memory_space<hbm>>
      %dma_wait3A_21 = arith.constant 0 : i32
      %dma_wait3A_22 = tpu.memref_slice %arg4[%mul3A_14, %dma_wait3A_21] : memref<4096x128xf32, #tpu.memory_space<hbm>> -> memref<128x128xf32, #tpu.memory_space<hbm>>
      tpu.wait_dma2 semaphore(%run_scoped3A : memref<!tpu.dma_semaphore, #tpu.memory_space<semaphore_mem>>) src(%arg7 : memref<128x128xf32, #tpu.memory_space<vmem>>) dst(%dma_wait3A_22 : memref<128x128xf32, #tpu.memory_space<hbm>>)
      tpu.yield
    }) : () -> ()
    return
  }
}

module attributes {stable_mosaic.version = 14 : i64} {
  func.func @_phaseAB_body(%arg0: i32, %arg1: i32, %arg2: memref<2048x128xf32, #tpu.memory_space<vmem>>, %arg3: memref<512x128xf32, #tpu.memory_space<vmem>>, %arg4: memref<1x40x512xi32, #tpu.memory_space<vmem>>, %arg5: memref<12800x512xf32, #tpu.memory_space<vmem>>) attributes {dimension_semantics = [#tpu.dimension_semantics<arbitrary>, #tpu.dimension_semantics<arbitrary>], iteration_bounds = array<i64: 8, 50>, scalar_prefetch = 0 : i64, scratch_operands = 1 : i64, tpu.core_type = #tpu.core_type<tc>, window_params = [{transform_indices = @transform_0, window_bounds = array<i64: 2048, 128>}, {transform_indices = @transform_1, window_bounds = array<i64: 512, 128>}, {transform_indices = @transform_2, window_bounds = array<i64: 1, 40, 512>}]} {
    %get3A = arith.constant 0 : index
    %get3A_0 = arith.constant 0 : index
    %get3A_1 = vector.load %arg2[%get3A, %get3A_0] : memref<2048x128xf32, #tpu.memory_space<vmem>>, vector<2048x128xf32>
    %get3A_2 = arith.constant 0 : index
    %get3A_3 = arith.constant 0 : index
    %get3A_4 = vector.load %arg3[%get3A_2, %get3A_3] : memref<512x128xf32, #tpu.memory_space<vmem>>, vector<512x128xf32>
    %dot_general3A = arith.constant dense<0.000000e+00> : vector<2048x512xf32>
    %dot_general3A_5 = tpu.matmul %get3A_1, %get3A_4, %dot_general3A {dimension_numbers = #tpu.dot_dimension_numbers<[1], [1], [0], [0], [0, 0, 1, 0], [], []>, transpose_lhs_hint = false} : vector<2048x128xf32>, vector<512x128xf32>, vector<2048x512xf32> -> vector<2048x512xf32>
    %slice3A = vector.extract_strided_slice %dot_general3A_5 {offsets = [0, 0], sizes = [256, 512], strides = [1, 1]} : vector<2048x512xf32> to vector<256x512xf32>
    %slice3A_6 = vector.extract_strided_slice %dot_general3A_5 {offsets = [256, 0], sizes = [256, 512], strides = [1, 1]} : vector<2048x512xf32> to vector<256x512xf32>
    %max3A = arith.maximumf %slice3A, %slice3A_6 : vector<256x512xf32>
    %slice3A_7 = vector.extract_strided_slice %dot_general3A_5 {offsets = [512, 0], sizes = [256, 512], strides = [1, 1]} : vector<2048x512xf32> to vector<256x512xf32>
    %max3A_8 = arith.maximumf %max3A, %slice3A_7 : vector<256x512xf32>
    %slice3A_9 = vector.extract_strided_slice %dot_general3A_5 {offsets = [768, 0], sizes = [256, 512], strides = [1, 1]} : vector<2048x512xf32> to vector<256x512xf32>
    %max3A_10 = arith.maximumf %max3A_8, %slice3A_9 : vector<256x512xf32>
    %slice3A_11 = vector.extract_strided_slice %dot_general3A_5 {offsets = [1024, 0], sizes = [256, 512], strides = [1, 1]} : vector<2048x512xf32> to vector<256x512xf32>
    %max3A_12 = arith.maximumf %max3A_10, %slice3A_11 : vector<256x512xf32>
    %slice3A_13 = vector.extract_strided_slice %dot_general3A_5 {offsets = [1280, 0], sizes = [256, 512], strides = [1, 1]} : vector<2048x512xf32> to vector<256x512xf32>
    %max3A_14 = arith.maximumf %max3A_12, %slice3A_13 : vector<256x512xf32>
    %slice3A_15 = vector.extract_strided_slice %dot_general3A_5 {offsets = [1536, 0], sizes = [256, 512], strides = [1, 1]} : vector<2048x512xf32> to vector<256x512xf32>
    %max3A_16 = arith.maximumf %max3A_14, %slice3A_15 : vector<256x512xf32>
    %slice3A_17 = vector.extract_strided_slice %dot_general3A_5 {offsets = [1792, 0], sizes = [256, 512], strides = [1, 1]} : vector<2048x512xf32> to vector<256x512xf32>
    %max3A_18 = arith.maximumf %max3A_16, %slice3A_17 : vector<256x512xf32>
    %mul3A = arith.constant 256 : i32
    %mul3A_19 = arith.muli %arg1, %mul3A : i32
    %iota3A = tpu.iota {dimensions = array<i32: 0>} : vector<256x512xi32>
    %add3A = vector.broadcast %mul3A_19 : i32 to vector<256x512xi32>
    %add3A_20 = arith.addi %add3A, %iota3A : vector<256x512xi32>
    %lt3A = arith.constant 12500 : i32
    %lt3A_21 = vector.broadcast %lt3A : i32 to vector<256x512xi32>
    %lt3A_22 = arith.cmpi slt, %add3A_20, %lt3A_21 : vector<256x512xi32>
    %jit3A = arith.constant 0xFF800000 : f32
    %broadcast_in_dim3A = vector.broadcast %jit3A : f32 to vector<256x512xf32>
    %select_n3A = arith.select %lt3A_22, %max3A_18, %broadcast_in_dim3A : vector<256x512xi1>, vector<256x512xf32>
    %mul3A_23 = arith.constant 256 : i32
    %mul3A_24 = arith.muli %arg1, %mul3A_23 : i32
    %swap3A = arith.index_cast %mul3A_24 : i32 to index
    %swap3A_25 = arith.constant 0 : index
    %swap3A_26 = vector.load %arg5[%swap3A, %swap3A_25] : memref<12800x512xf32, #tpu.memory_space<vmem>>, vector<256x512xf32>
    tpu.vector_store %arg5[%swap3A, %swap3A_25], %select_n3A {strides = array<i32>} : memref<12800x512xf32, #tpu.memory_space<vmem>>, vector<256x512xf32>,
    %eq3A = arith.constant 49 : i32
    %eq3A_27 = arith.cmpi eq, %arg1, %eq3A : i32
    %convert_element_type3A = arith.extui %eq3A_27 : i1 to i32
    %cond3A = arith.constant 0 : i32
    %cond3A_28 = arith.cmpi ne, %convert_element_type3A, %cond3A : i32
    scf.if %cond3A_28 {
      %iota3A_29 = tpu.iota {dimensions = array<i32: 0>} : vector<12800x512xi32>
      %get3A_30 = arith.constant 0 : index
      %get3A_31 = arith.constant 0 : index
      %get3A_32 = vector.load %arg5[%get3A_30, %get3A_31] : memref<12800x512xf32, #tpu.memory_space<vmem>>, vector<12800x512xf32>
      %argmax3A = tpu.reduce_index %get3A_32 {axis = 0 : i32, kind = #tpu.reduction_kind<arg_max>} : vector<12800x512xf32> -> vector<512xi32>
      %shift_right_logical3A = arith.constant 8 : i32
      %shift_right_logical3A_33 = vector.broadcast %shift_right_logical3A : i32 to vector<512xi32>
      %shift_right_logical3A_34 = arith.shrui %argmax3A, %shift_right_logical3A_33 : vector<512xi32>
      %mul3A_35 = arith.constant 2048 : i32
      %mul3A_36 = vector.broadcast %mul3A_35 : i32 to vector<512xi32>
      %mul3A_37 = arith.muli %shift_right_logical3A_34, %mul3A_36 : vector<512xi32>
      %and3A = arith.constant 255 : i32
      %and3A_38 = vector.broadcast %and3A : i32 to vector<512xi32>
      %and3A_39 = arith.andi %argmax3A, %and3A_38 : vector<512xi32>
      %add3A_40 = arith.addi %mul3A_37, %and3A_39 : vector<512xi32>
      %add3A_41 = arith.constant 0 : i32
      %add3A_42 = vector.broadcast %add3A_41 : i32 to vector<512xi32>
      %add3A_43 = arith.addi %add3A_40, %add3A_42 : vector<512xi32>
      %swap3A_44 = arith.constant 0 : index
      %swap3A_45 = arith.constant 0 : index
      %swap3A_46 = arith.constant 0 : index
      %swap3A_47 = vector.load %arg4[%swap3A_44, %swap3A_45, %swap3A_46] : memref<1x40x512xi32, #tpu.memory_space<vmem>>, vector<1x1x512xi32>
      %swap3A_48 = vector.shape_cast %swap3A_47 : vector<1x1x512xi32> to vector<512xi32>
      %swap3A_49 = vector.shape_cast %add3A_43 : vector<512xi32> to vector<1x1x512xi32>
      tpu.vector_store %arg4[%swap3A_44, %swap3A_45, %swap3A_46], %swap3A_49 {strides = array<i32>} : memref<1x40x512xi32, #tpu.memory_space<vmem>>, vector<1x1x512xi32>,
      %add3A_50 = arith.constant 256 : i32
      %add3A_51 = vector.broadcast %add3A_50 : i32 to vector<512xi32>
      %add3A_52 = arith.addi %add3A_40, %add3A_51 : vector<512xi32>
      %swap3A_53 = arith.constant 0 : index
      %swap3A_54 = arith.constant 1 : index
      %swap3A_55 = arith.constant 0 : index
      %swap3A_56 = vector.load %arg4[%swap3A_53, %swap3A_54, %swap3A_55] : memref<1x40x512xi32, #tpu.memory_space<vmem>>, vector<1x1x512xi32>
      %swap3A_57 = vector.shape_cast %swap3A_56 : vector<1x1x512xi32> to vector<512xi32>
      %swap3A_58 = vector.shape_cast %add3A_52 : vector<512xi32> to vector<1x1x512xi32>
      tpu.vector_store %arg4[%swap3A_53, %swap3A_54, %swap3A_55], %swap3A_58 {strides = array<i32>} : memref<1x40x512xi32, #tpu.memory_space<vmem>>, vector<1x1x512xi32>,
      %add3A_59 = arith.constant 512 : i32
      %add3A_60 = vector.broadcast %add3A_59 : i32 to vector<512xi32>
      %add3A_61 = arith.addi %add3A_40, %add3A_60 : vector<512xi32>
      %swap3A_62 = arith.constant 0 : index
      %swap3A_63 = arith.constant 2 : index
      %swap3A_64 = arith.constant 0 : index
      %swap3A_65 = vector.load %arg4[%swap3A_62, %swap3A_63, %swap3A_64] : memref<1x40x512xi32, #tpu.memory_space<vmem>>, vector<1x1x512xi32>
      %swap3A_66 = vector.shape_cast %swap3A_65 : vector<1x1x512xi32> to vector<512xi32>
      %swap3A_67 = vector.shape_cast %add3A_61 : vector<512xi32> to vector<1x1x512xi32>
      tpu.vector_store %arg4[%swap3A_62, %swap3A_63, %swap3A_64], %swap3A_67 {strides = array<i32>} : memref<1x40x512xi32, #tpu.memory_space<vmem>>, vector<1x1x512xi32>,
      %add3A_68 = arith.constant 768 : i32
      %add3A_69 = vector.broadcast %add3A_68 : i32 to vector<512xi32>
      %add3A_70 = arith.addi %add3A_40, %add3A_69 : vector<512xi32>
      %swap3A_71 = arith.constant 0 : index
      %swap3A_72 = arith.constant 3 : index
      %swap3A_73 = arith.constant 0 : index
      %swap3A_74 = vector.load %arg4[%swap3A_71, %swap3A_72, %swap3A_73] : memref<1x40x512xi32, #tpu.memory_space<vmem>>, vector<1x1x512xi32>
      %swap3A_75 = vector.shape_cast %swap3A_74 : vector<1x1x512xi32> to vector<512xi32>
      %swap3A_76 = vector.shape_cast %add3A_70 : vector<512xi32> to vector<1x1x512xi32>
      tpu.vector_store %arg4[%swap3A_71, %swap3A_72, %swap3A_73], %swap3A_76 {strides = array<i32>} : memref<1x40x512xi32, #tpu.memory_space<vmem>>, vector<1x1x512xi32>,
      %add3A_77 = arith.constant 1024 : i32
      %add3A_78 = vector.broadcast %add3A_77 : i32 to vector<512xi32>
      %add3A_79 = arith.addi %add3A_40, %add3A_78 : vector<512xi32>
      %swap3A_80 = arith.constant 0 : index
      %swap3A_81 = arith.constant 4 : index
      %swap3A_82 = arith.constant 0 : index
      %swap3A_83 = vector.load %arg4[%swap3A_80, %swap3A_81, %swap3A_82] : memref<1x40x512xi32, #tpu.memory_space<vmem>>, vector<1x1x512xi32>
      %swap3A_84 = vector.shape_cast %swap3A_83 : vector<1x1x512xi32> to vector<512xi32>
      %swap3A_85 = vector.shape_cast %add3A_79 : vector<512xi32> to vector<1x1x512xi32>
      tpu.vector_store %arg4[%swap3A_80, %swap3A_81, %swap3A_82], %swap3A_85 {strides = array<i32>} : memref<1x40x512xi32, #tpu.memory_space<vmem>>, vector<1x1x512xi32>,
      %add3A_86 = arith.constant 1280 : i32
      %add3A_87 = vector.broadcast %add3A_86 : i32 to vector<512xi32>
      %add3A_88 = arith.addi %add3A_40, %add3A_87 : vector<512xi32>
      %swap3A_89 = arith.constant 0 : index
      %swap3A_90 = arith.constant 5 : index
      %swap3A_91 = arith.constant 0 : index
      %swap3A_92 = vector.load %arg4[%swap3A_89, %swap3A_90, %swap3A_91] : memref<1x40x512xi32, #tpu.memory_space<vmem>>, vector<1x1x512xi32>
      %swap3A_93 = vector.shape_cast %swap3A_92 : vector<1x1x512xi32> to vector<512xi32>
      %swap3A_94 = vector.shape_cast %add3A_88 : vector<512xi32> to vector<1x1x512xi32>
      tpu.vector_store %arg4[%swap3A_89, %swap3A_90, %swap3A_91], %swap3A_94 {strides = array<i32>} : memref<1x40x512xi32, #tpu.memory_space<vmem>>, vector<1x1x512xi32>,
      %add3A_95 = arith.constant 1536 : i32
      %add3A_96 = vector.broadcast %add3A_95 : i32 to vector<512xi32>
      %add3A_97 = arith.addi %add3A_40, %add3A_96 : vector<512xi32>
      %swap3A_98 = arith.constant 0 : index
      %swap3A_99 = arith.constant 6 : index
      %swap3A_100 = arith.constant 0 : index
      %swap3A_101 = vector.load %arg4[%swap3A_98, %swap3A_99, %swap3A_100] : memref<1x40x512xi32, #tpu.memory_space<vmem>>, vector<1x1x512xi32>
      %swap3A_102 = vector.shape_cast %swap3A_101 : vector<1x1x512xi32> to vector<512xi32>
      %swap3A_103 = vector.shape_cast %add3A_97 : vector<512xi32> to vector<1x1x512xi32>
      tpu.vector_store %arg4[%swap3A_98, %swap3A_99, %swap3A_100], %swap3A_103 {strides = array<i32>} : memref<1x40x512xi32, #tpu.memory_space<vmem>>, vector<1x1x512xi32>,
      %add3A_104 = arith.constant 1792 : i32
      %add3A_105 = vector.broadcast %add3A_104 : i32 to vector<512xi32>
      %add3A_106 = arith.addi %add3A_40, %add3A_105 : vector<512xi32>
      %swap3A_107 = arith.constant 0 : index
      %swap3A_108 = arith.constant 7 : index
      %swap3A_109 = arith.constant 0 : index
      %swap3A_110 = vector.load %arg4[%swap3A_107, %swap3A_108, %swap3A_109] : memref<1x40x512xi32, #tpu.memory_space<vmem>>, vector<1x1x512xi32>
      %swap3A_111 = vector.shape_cast %swap3A_110 : vector<1x1x512xi32> to vector<512xi32>
      %swap3A_112 = vector.shape_cast %add3A_106 : vector<512xi32> to vector<1x1x512xi32>
      tpu.vector_store %arg4[%swap3A_107, %swap3A_108, %swap3A_109], %swap3A_112 {strides = array<i32>} : memref<1x40x512xi32, #tpu.memory_space<vmem>>, vector<1x1x512xi32>,
      %broadcast_in_dim3A_113 = vector.shape_cast %argmax3A : vector<512xi32> to vector<1x512xi32>
      %eq3A_114 = vector.broadcast %broadcast_in_dim3A_113 : vector<1x512xi32> to vector<12800x512xi32>
      %eq3A_115 = arith.cmpi eq, %iota3A_29, %eq3A_114 : vector<12800x512xi32>
      %jit3A_116 = arith.constant 0xFF800000 : f32
      %broadcast_in_dim3A_117 = vector.broadcast %jit3A_116 : f32 to vector<12800x512xf32>
      %select_n3A_118 = arith.select %eq3A_115, %broadcast_in_dim3A_117, %get3A_32 : vector<12800x512xi1>, vector<12800x512xf32>
      %swap3A_119 = arith.constant 0 : index
      %swap3A_120 = arith.constant 0 : index
      %swap3A_121 = vector.load %arg5[%swap3A_119, %swap3A_120] : memref<12800x512xf32, #tpu.memory_space<vmem>>, vector<12800x512xf32>
      tpu.vector_store %arg5[%swap3A_119, %swap3A_120], %select_n3A_118 {strides = array<i32>} : memref<12800x512xf32, #tpu.memory_space<vmem>>, vector<12800x512xf32>,
      %get3A_122 = arith.constant 0 : index
      %get3A_123 = arith.constant 0 : index
      %get3A_124 = vector.load %arg5[%get3A_122, %get3A_123] : memref<12800x512xf32, #tpu.memory_space<vmem>>, vector<12800x512xf32>
      %argmax3A_125 = tpu.reduce_index %get3A_124 {axis = 0 : i32, kind = #tpu.reduction_kind<arg_max>} : vector<12800x512xf32> -> vector<512xi32>
      %shift_right_logical3A_126 = arith.constant 8 : i32
      %shift_right_logical3A_127 = vector.broadcast %shift_right_logical3A_126 : i32 to vector<512xi32>
      %shift_right_logical3A_128 = arith.shrui %argmax3A_125, %shift_right_logical3A_127 : vector<512xi32>
      %mul3A_129 = arith.constant 2048 : i32
      %mul3A_130 = vector.broadcast %mul3A_129 : i32 to vector<512xi32>
      %mul3A_131 = arith.muli %shift_right_logical3A_128, %mul3A_130 : vector<512xi32>
      %and3A_132 = arith.constant 255 : i32
      %and3A_133 = vector.broadcast %and3A_132 : i32 to vector<512xi32>
      %and3A_134 = arith.andi %argmax3A_125, %and3A_133 : vector<512xi32>
      %add3A_135 = arith.addi %mul3A_131, %and3A_134 : vector<512xi32>
      %add3A_136 = arith.constant 0 : i32
      %add3A_137 = vector.broadcast %add3A_136 : i32 to vector<512xi32>
      %add3A_138 = arith.addi %add3A_135, %add3A_137 : vector<512xi32>
      %swap3A_139 = arith.constant 0 : index
      %swap3A_140 = arith.constant 8 : index
      %swap3A_141 = arith.constant 0 : index
      %swap3A_142 = vector.load %arg4[%swap3A_139, %swap3A_140, %swap3A_141] : memref<1x40x512xi32, #tpu.memory_space<vmem>>, vector<1x1x512xi32>
      %swap3A_143 = vector.shape_cast %swap3A_142 : vector<1x1x512xi32> to vector<512xi32>
      %swap3A_144 = vector.shape_cast %add3A_138 : vector<512xi32> to vector<1x1x512xi32>
      tpu.vector_store %arg4[%swap3A_139, %swap3A_140, %swap3A_141], %swap3A_144 {strides = array<i32>} : memref<1x40x512xi32, #tpu.memory_space<vmem>>, vector<1x1x512xi32>,
      %add3A_145 = arith.constant 256 : i32
      %add3A_146 = vector.broadcast %add3A_145 : i32 to vector<512xi32>
      %add3A_147 = arith.addi %add3A_135, %add3A_146 : vector<512xi32>
      %swap3A_148 = arith.constant 0 : index
      %swap3A_149 = arith.constant 9 : index
      %swap3A_150 = arith.constant 0 : index
      %swap3A_151 = vector.load %arg4[%swap3A_148, %swap3A_149, %swap3A_150] : memref<1x40x512xi32, #tpu.memory_space<vmem>>, vector<1x1x512xi32>
      %swap3A_152 = vector.shape_cast %swap3A_151 : vector<1x1x512xi32> to vector<512xi32>
      %swap3A_153 = vector.shape_cast %add3A_147 : vector<512xi32> to vector<1x1x512xi32>
      tpu.vector_store %arg4[%swap3A_148, %swap3A_149, %swap3A_150], %swap3A_153 {strides = array<i32>} : memref<1x40x512xi32, #tpu.memory_space<vmem>>, vector<1x1x512xi32>,
      %add3A_154 = arith.constant 512 : i32
      %add3A_155 = vector.broadcast %add3A_154 : i32 to vector<512xi32>
      %add3A_156 = arith.addi %add3A_135, %add3A_155 : vector<512xi32>
      %swap3A_157 = arith.constant 0 : index
      %swap3A_158 = arith.constant 10 : index
      %swap3A_159 = arith.constant 0 : index
      %swap3A_160 = vector.load %arg4[%swap3A_157, %swap3A_158, %swap3A_159] : memref<1x40x512xi32, #tpu.memory_space<vmem>>, vector<1x1x512xi32>
      %swap3A_161 = vector.shape_cast %swap3A_160 : vector<1x1x512xi32> to vector<512xi32>
      %swap3A_162 = vector.shape_cast %add3A_156 : vector<512xi32> to vector<1x1x512xi32>
      tpu.vector_store %arg4[%swap3A_157, %swap3A_158, %swap3A_159], %swap3A_162 {strides = array<i32>} : memref<1x40x512xi32, #tpu.memory_space<vmem>>, vector<1x1x512xi32>,
      %add3A_163 = arith.constant 768 : i32
      %add3A_164 = vector.broadcast %add3A_163 : i32 to vector<512xi32>
      %add3A_165 = arith.addi %add3A_135, %add3A_164 : vector<512xi32>
      %swap3A_166 = arith.constant 0 : index
      %swap3A_167 = arith.constant 11 : index
      %swap3A_168 = arith.constant 0 : index
      %swap3A_169 = vector.load %arg4[%swap3A_166, %swap3A_167, %swap3A_168] : memref<1x40x512xi32, #tpu.memory_space<vmem>>, vector<1x1x512xi32>
      %swap3A_170 = vector.shape_cast %swap3A_169 : vector<1x1x512xi32> to vector<512xi32>
      %swap3A_171 = vector.shape_cast %add3A_165 : vector<512xi32> to vector<1x1x512xi32>
      tpu.vector_store %arg4[%swap3A_166, %swap3A_167, %swap3A_168], %swap3A_171 {strides = array<i32>} : memref<1x40x512xi32, #tpu.memory_space<vmem>>, vector<1x1x512xi32>,
      %add3A_172 = arith.constant 1024 : i32
      %add3A_173 = vector.broadcast %add3A_172 : i32 to vector<512xi32>
      %add3A_174 = arith.addi %add3A_135, %add3A_173 : vector<512xi32>
      %swap3A_175 = arith.constant 0 : index
      %swap3A_176 = arith.constant 12 : index
      %swap3A_177 = arith.constant 0 : index
      %swap3A_178 = vector.load %arg4[%swap3A_175, %swap3A_176, %swap3A_177] : memref<1x40x512xi32, #tpu.memory_space<vmem>>, vector<1x1x512xi32>
      %swap3A_179 = vector.shape_cast %swap3A_178 : vector<1x1x512xi32> to vector<512xi32>
      %swap3A_180 = vector.shape_cast %add3A_174 : vector<512xi32> to vector<1x1x512xi32>
      tpu.vector_store %arg4[%swap3A_175, %swap3A_176, %swap3A_177], %swap3A_180 {strides = array<i32>} : memref<1x40x512xi32, #tpu.memory_space<vmem>>, vector<1x1x512xi32>,
      %add3A_181 = arith.constant 1280 : i32
      %add3A_182 = vector.broadcast %add3A_181 : i32 to vector<512xi32>
      %add3A_183 = arith.addi %add3A_135, %add3A_182 : vector<512xi32>
      %swap3A_184 = arith.constant 0 : index
      %swap3A_185 = arith.constant 13 : index
      %swap3A_186 = arith.constant 0 : index
      %swap3A_187 = vector.load %arg4[%swap3A_184, %swap3A_185, %swap3A_186] : memref<1x40x512xi32, #tpu.memory_space<vmem>>, vector<1x1x512xi32>
      %swap3A_188 = vector.shape_cast %swap3A_187 : vector<1x1x512xi32> to vector<512xi32>
      %swap3A_189 = vector.shape_cast %add3A_183 : vector<512xi32> to vector<1x1x512xi32>
      tpu.vector_store %arg4[%swap3A_184, %swap3A_185, %swap3A_186], %swap3A_189 {strides = array<i32>} : memref<1x40x512xi32, #tpu.memory_space<vmem>>, vector<1x1x512xi32>,
      %add3A_190 = arith.constant 1536 : i32
      %add3A_191 = vector.broadcast %add3A_190 : i32 to vector<512xi32>
      %add3A_192 = arith.addi %add3A_135, %add3A_191 : vector<512xi32>
      %swap3A_193 = arith.constant 0 : index
      %swap3A_194 = arith.constant 14 : index
      %swap3A_195 = arith.constant 0 : index
      %swap3A_196 = vector.load %arg4[%swap3A_193, %swap3A_194, %swap3A_195] : memref<1x40x512xi32, #tpu.memory_space<vmem>>, vector<1x1x512xi32>
      %swap3A_197 = vector.shape_cast %swap3A_196 : vector<1x1x512xi32> to vector<512xi32>
      %swap3A_198 = vector.shape_cast %add3A_192 : vector<512xi32> to vector<1x1x512xi32>
      tpu.vector_store %arg4[%swap3A_193, %swap3A_194, %swap3A_195], %swap3A_198 {strides = array<i32>} : memref<1x40x512xi32, #tpu.memory_space<vmem>>, vector<1x1x512xi32>,
      %add3A_199 = arith.constant 1792 : i32
      %add3A_200 = vector.broadcast %add3A_199 : i32 to vector<512xi32>
      %add3A_201 = arith.addi %add3A_135, %add3A_200 : vector<512xi32>
      %swap3A_202 = arith.constant 0 : index
      %swap3A_203 = arith.constant 15 : index
      %swap3A_204 = arith.constant 0 : index
      %swap3A_205 = vector.load %arg4[%swap3A_202, %swap3A_203, %swap3A_204] : memref<1x40x512xi32, #tpu.memory_space<vmem>>, vector<1x1x512xi32>
      %swap3A_206 = vector.shape_cast %swap3A_205 : vector<1x1x512xi32> to vector<512xi32>
      %swap3A_207 = vector.shape_cast %add3A_201 : vector<512xi32> to vector<1x1x512xi32>
      tpu.vector_store %arg4[%swap3A_202, %swap3A_203, %swap3A_204], %swap3A_207 {strides = array<i32>} : memref<1x40x512xi32, #tpu.memory_space<vmem>>, vector<1x1x512xi32>,
      %broadcast_in_dim3A_208 = vector.shape_cast %argmax3A_125 : vector<512xi32> to vector<1x512xi32>
      %eq3A_209 = vector.broadcast %broadcast_in_dim3A_208 : vector<1x512xi32> to vector<12800x512xi32>
      %eq3A_210 = arith.cmpi eq, %iota3A_29, %eq3A_209 : vector<12800x512xi32>
      %jit3A_211 = arith.constant 0xFF800000 : f32
      %broadcast_in_dim3A_212 = vector.broadcast %jit3A_211 : f32 to vector<12800x512xf32>
      %select_n3A_213 = arith.select %eq3A_210, %broadcast_in_dim3A_212, %get3A_124 : vector<12800x512xi1>, vector<12800x512xf32>
      %swap3A_214 = arith.constant 0 : index
      %swap3A_215 = arith.constant 0 : index
      %swap3A_216 = vector.load %arg5[%swap3A_214, %swap3A_215] : memref<12800x512xf32, #tpu.memory_space<vmem>>, vector<12800x512xf32>
      tpu.vector_store %arg5[%swap3A_214, %swap3A_215], %select_n3A_213 {strides = array<i32>} : memref<12800x512xf32, #tpu.memory_space<vmem>>, vector<12800x512xf32>,
      %get3A_217 = arith.constant 0 : index
      %get3A_218 = arith.constant 0 : index
      %get3A_219 = vector.load %arg5[%get3A_217, %get3A_218] : memref<12800x512xf32, #tpu.memory_space<vmem>>, vector<12800x512xf32>
      %argmax3A_220 = tpu.reduce_index %get3A_219 {axis = 0 : i32, kind = #tpu.reduction_kind<arg_max>} : vector<12800x512xf32> -> vector<512xi32>
      %shift_right_logical3A_221 = arith.constant 8 : i32
      %shift_right_logical3A_222 = vector.broadcast %shift_right_logical3A_221 : i32 to vector<512xi32>
      %shift_right_logical3A_223 = arith.shrui %argmax3A_220, %shift_right_logical3A_222 : vector<512xi32>
      %mul3A_224 = arith.constant 2048 : i32
      %mul3A_225 = vector.broadcast %mul3A_224 : i32 to vector<512xi32>
      %mul3A_226 = arith.muli %shift_right_logical3A_223, %mul3A_225 : vector<512xi32>
      %and3A_227 = arith.constant 255 : i32
      %and3A_228 = vector.broadcast %and3A_227 : i32 to vector<512xi32>
      %and3A_229 = arith.andi %argmax3A_220, %and3A_228 : vector<512xi32>
      %add3A_230 = arith.addi %mul3A_226, %and3A_229 : vector<512xi32>
      %add3A_231 = arith.constant 0 : i32
      %add3A_232 = vector.broadcast %add3A_231 : i32 to vector<512xi32>
      %add3A_233 = arith.addi %add3A_230, %add3A_232 : vector<512xi32>
      %swap3A_234 = arith.constant 0 : index
      %swap3A_235 = arith.constant 16 : index
      %swap3A_236 = arith.constant 0 : index
      %swap3A_237 = vector.load %arg4[%swap3A_234, %swap3A_235, %swap3A_236] : memref<1x40x512xi32, #tpu.memory_space<vmem>>, vector<1x1x512xi32>
      %swap3A_238 = vector.shape_cast %swap3A_237 : vector<1x1x512xi32> to vector<512xi32>
      %swap3A_239 = vector.shape_cast %add3A_233 : vector<512xi32> to vector<1x1x512xi32>
      tpu.vector_store %arg4[%swap3A_234, %swap3A_235, %swap3A_236], %swap3A_239 {strides = array<i32>} : memref<1x40x512xi32, #tpu.memory_space<vmem>>, vector<1x1x512xi32>,
      %add3A_240 = arith.constant 256 : i32
      %add3A_241 = vector.broadcast %add3A_240 : i32 to vector<512xi32>
      %add3A_242 = arith.addi %add3A_230, %add3A_241 : vector<512xi32>
      %swap3A_243 = arith.constant 0 : index
      %swap3A_244 = arith.constant 17 : index
      %swap3A_245 = arith.constant 0 : index
      %swap3A_246 = vector.load %arg4[%swap3A_243, %swap3A_244, %swap3A_245] : memref<1x40x512xi32, #tpu.memory_space<vmem>>, vector<1x1x512xi32>
      %swap3A_247 = vector.shape_cast %swap3A_246 : vector<1x1x512xi32> to vector<512xi32>
      %swap3A_248 = vector.shape_cast %add3A_242 : vector<512xi32> to vector<1x1x512xi32>
      tpu.vector_store %arg4[%swap3A_243, %swap3A_244, %swap3A_245], %swap3A_248 {strides = array<i32>} : memref<1x40x512xi32, #tpu.memory_space<vmem>>, vector<1x1x512xi32>,
      %add3A_249 = arith.constant 512 : i32
      %add3A_250 = vector.broadcast %add3A_249 : i32 to vector<512xi32>
      %add3A_251 = arith.addi %add3A_230, %add3A_250 : vector<512xi32>
      %swap3A_252 = arith.constant 0 : index
      %swap3A_253 = arith.constant 18 : index
      %swap3A_254 = arith.constant 0 : index
      %swap3A_255 = vector.load %arg4[%swap3A_252, %swap3A_253, %swap3A_254] : memref<1x40x512xi32, #tpu.memory_space<vmem>>, vector<1x1x512xi32>
      %swap3A_256 = vector.shape_cast %swap3A_255 : vector<1x1x512xi32> to vector<512xi32>
      %swap3A_257 = vector.shape_cast %add3A_251 : vector<512xi32> to vector<1x1x512xi32>
      tpu.vector_store %arg4[%swap3A_252, %swap3A_253, %swap3A_254], %swap3A_257 {strides = array<i32>} : memref<1x40x512xi32, #tpu.memory_space<vmem>>, vector<1x1x512xi32>,
      %add3A_258 = arith.constant 768 : i32
      %add3A_259 = vector.broadcast %add3A_258 : i32 to vector<512xi32>
      %add3A_260 = arith.addi %add3A_230, %add3A_259 : vector<512xi32>
      %swap3A_261 = arith.constant 0 : index
      %swap3A_262 = arith.constant 19 : index
      %swap3A_263 = arith.constant 0 : index
      %swap3A_264 = vector.load %arg4[%swap3A_261, %swap3A_262, %swap3A_263] : memref<1x40x512xi32, #tpu.memory_space<vmem>>, vector<1x1x512xi32>
      %swap3A_265 = vector.shape_cast %swap3A_264 : vector<1x1x512xi32> to vector<512xi32>
      %swap3A_266 = vector.shape_cast %add3A_260 : vector<512xi32> to vector<1x1x512xi32>
      tpu.vector_store %arg4[%swap3A_261, %swap3A_262, %swap3A_263], %swap3A_266 {strides = array<i32>} : memref<1x40x512xi32, #tpu.memory_space<vmem>>, vector<1x1x512xi32>,
      %add3A_267 = arith.constant 1024 : i32
      %add3A_268 = vector.broadcast %add3A_267 : i32 to vector<512xi32>
      %add3A_269 = arith.addi %add3A_230, %add3A_268 : vector<512xi32>
      %swap3A_270 = arith.constant 0 : index
      %swap3A_271 = arith.constant 20 : index
      %swap3A_272 = arith.constant 0 : index
      %swap3A_273 = vector.load %arg4[%swap3A_270, %swap3A_271, %swap3A_272] : memref<1x40x512xi32, #tpu.memory_space<vmem>>, vector<1x1x512xi32>
      %swap3A_274 = vector.shape_cast %swap3A_273 : vector<1x1x512xi32> to vector<512xi32>
      %swap3A_275 = vector.shape_cast %add3A_269 : vector<512xi32> to vector<1x1x512xi32>
      tpu.vector_store %arg4[%swap3A_270, %swap3A_271, %swap3A_272], %swap3A_275 {strides = array<i32>} : memref<1x40x512xi32, #tpu.memory_space<vmem>>, vector<1x1x512xi32>,
      %add3A_276 = arith.constant 1280 : i32
      %add3A_277 = vector.broadcast %add3A_276 : i32 to vector<512xi32>
      %add3A_278 = arith.addi %add3A_230, %add3A_277 : vector<512xi32>
      %swap3A_279 = arith.constant 0 : index
      %swap3A_280 = arith.constant 21 : index
      %swap3A_281 = arith.constant 0 : index
      %swap3A_282 = vector.load %arg4[%swap3A_279, %swap3A_280, %swap3A_281] : memref<1x40x512xi32, #tpu.memory_space<vmem>>, vector<1x1x512xi32>
      %swap3A_283 = vector.shape_cast %swap3A_282 : vector<1x1x512xi32> to vector<512xi32>
      %swap3A_284 = vector.shape_cast %add3A_278 : vector<512xi32> to vector<1x1x512xi32>
      tpu.vector_store %arg4[%swap3A_279, %swap3A_280, %swap3A_281], %swap3A_284 {strides = array<i32>} : memref<1x40x512xi32, #tpu.memory_space<vmem>>, vector<1x1x512xi32>,
      %add3A_285 = arith.constant 1536 : i32
      %add3A_286 = vector.broadcast %add3A_285 : i32 to vector<512xi32>
      %add3A_287 = arith.addi %add3A_230, %add3A_286 : vector<512xi32>
      %swap3A_288 = arith.constant 0 : index
      %swap3A_289 = arith.constant 22 : index
      %swap3A_290 = arith.constant 0 : index
      %swap3A_291 = vector.load %arg4[%swap3A_288, %swap3A_289, %swap3A_290] : memref<1x40x512xi32, #tpu.memory_space<vmem>>, vector<1x1x512xi32>
      %swap3A_292 = vector.shape_cast %swap3A_291 : vector<1x1x512xi32> to vector<512xi32>
      %swap3A_293 = vector.shape_cast %add3A_287 : vector<512xi32> to vector<1x1x512xi32>
      tpu.vector_store %arg4[%swap3A_288, %swap3A_289, %swap3A_290], %swap3A_293 {strides = array<i32>} : memref<1x40x512xi32, #tpu.memory_space<vmem>>, vector<1x1x512xi32>,
      %add3A_294 = arith.constant 1792 : i32
      %add3A_295 = vector.broadcast %add3A_294 : i32 to vector<512xi32>
      %add3A_296 = arith.addi %add3A_230, %add3A_295 : vector<512xi32>
      %swap3A_297 = arith.constant 0 : index
      %swap3A_298 = arith.constant 23 : index
      %swap3A_299 = arith.constant 0 : index
      %swap3A_300 = vector.load %arg4[%swap3A_297, %swap3A_298, %swap3A_299] : memref<1x40x512xi32, #tpu.memory_space<vmem>>, vector<1x1x512xi32>
      %swap3A_301 = vector.shape_cast %swap3A_300 : vector<1x1x512xi32> to vector<512xi32>
      %swap3A_302 = vector.shape_cast %add3A_296 : vector<512xi32> to vector<1x1x512xi32>
      tpu.vector_store %arg4[%swap3A_297, %swap3A_298, %swap3A_299], %swap3A_302 {strides = array<i32>} : memref<1x40x512xi32, #tpu.memory_space<vmem>>, vector<1x1x512xi32>,
      %broadcast_in_dim3A_303 = vector.shape_cast %argmax3A_220 : vector<512xi32> to vector<1x512xi32>
      %eq3A_304 = vector.broadcast %broadcast_in_dim3A_303 : vector<1x512xi32> to vector<12800x512xi32>
      %eq3A_305 = arith.cmpi eq, %iota3A_29, %eq3A_304 : vector<12800x512xi32>
      %jit3A_306 = arith.constant 0xFF800000 : f32
      %broadcast_in_dim3A_307 = vector.broadcast %jit3A_306 : f32 to vector<12800x512xf32>
      %select_n3A_308 = arith.select %eq3A_305, %broadcast_in_dim3A_307, %get3A_219 : vector<12800x512xi1>, vector<12800x512xf32>
      %swap3A_309 = arith.constant 0 : index
      %swap3A_310 = arith.constant 0 : index
      %swap3A_311 = vector.load %arg5[%swap3A_309, %swap3A_310] : memref<12800x512xf32, #tpu.memory_space<vmem>>, vector<12800x512xf32>
      tpu.vector_store %arg5[%swap3A_309, %swap3A_310], %select_n3A_308 {strides = array<i32>} : memref<12800x512xf32, #tpu.memory_space<vmem>>, vector<12800x512xf32>,
      %get3A_312 = arith.constant 0 : index
      %get3A_313 = arith.constant 0 : index
      %get3A_314 = vector.load %arg5[%get3A_312, %get3A_313] : memref<12800x512xf32, #tpu.memory_space<vmem>>, vector<12800x512xf32>
      %argmax3A_315 = tpu.reduce_index %get3A_314 {axis = 0 : i32, kind = #tpu.reduction_kind<arg_max>} : vector<12800x512xf32> -> vector<512xi32>
      %shift_right_logical3A_316 = arith.constant 8 : i32
      %shift_right_logical3A_317 = vector.broadcast %shift_right_logical3A_316 : i32 to vector<512xi32>
      %shift_right_logical3A_318 = arith.shrui %argmax3A_315, %shift_right_logical3A_317 : vector<512xi32>
      %mul3A_319 = arith.constant 2048 : i32
      %mul3A_320 = vector.broadcast %mul3A_319 : i32 to vector<512xi32>
      %mul3A_321 = arith.muli %shift_right_logical3A_318, %mul3A_320 : vector<512xi32>
      %and3A_322 = arith.constant 255 : i32
      %and3A_323 = vector.broadcast %and3A_322 : i32 to vector<512xi32>
      %and3A_324 = arith.andi %argmax3A_315, %and3A_323 : vector<512xi32>
      %add3A_325 = arith.addi %mul3A_321, %and3A_324 : vector<512xi32>
      %add3A_326 = arith.constant 0 : i32
      %add3A_327 = vector.broadcast %add3A_326 : i32 to vector<512xi32>
      %add3A_328 = arith.addi %add3A_325, %add3A_327 : vector<512xi32>
      %swap3A_329 = arith.constant 0 : index
      %swap3A_330 = arith.constant 24 : index
      %swap3A_331 = arith.constant 0 : index
      %swap3A_332 = vector.load %arg4[%swap3A_329, %swap3A_330, %swap3A_331] : memref<1x40x512xi32, #tpu.memory_space<vmem>>, vector<1x1x512xi32>
      %swap3A_333 = vector.shape_cast %swap3A_332 : vector<1x1x512xi32> to vector<512xi32>
      %swap3A_334 = vector.shape_cast %add3A_328 : vector<512xi32> to vector<1x1x512xi32>
      tpu.vector_store %arg4[%swap3A_329, %swap3A_330, %swap3A_331], %swap3A_334 {strides = array<i32>} : memref<1x40x512xi32, #tpu.memory_space<vmem>>, vector<1x1x512xi32>,
      %add3A_335 = arith.constant 256 : i32
      %add3A_336 = vector.broadcast %add3A_335 : i32 to vector<512xi32>
      %add3A_337 = arith.addi %add3A_325, %add3A_336 : vector<512xi32>
      %swap3A_338 = arith.constant 0 : index
      %swap3A_339 = arith.constant 25 : index
      %swap3A_340 = arith.constant 0 : index
      %swap3A_341 = vector.load %arg4[%swap3A_338, %swap3A_339, %swap3A_340] : memref<1x40x512xi32, #tpu.memory_space<vmem>>, vector<1x1x512xi32>
      %swap3A_342 = vector.shape_cast %swap3A_341 : vector<1x1x512xi32> to vector<512xi32>
      %swap3A_343 = vector.shape_cast %add3A_337 : vector<512xi32> to vector<1x1x512xi32>
      tpu.vector_store %arg4[%swap3A_338, %swap3A_339, %swap3A_340], %swap3A_343 {strides = array<i32>} : memref<1x40x512xi32, #tpu.memory_space<vmem>>, vector<1x1x512xi32>,
      %add3A_344 = arith.constant 512 : i32
      %add3A_345 = vector.broadcast %add3A_344 : i32 to vector<512xi32>
      %add3A_346 = arith.addi %add3A_325, %add3A_345 : vector<512xi32>
      %swap3A_347 = arith.constant 0 : index
      %swap3A_348 = arith.constant 26 : index
      %swap3A_349 = arith.constant 0 : index
      %swap3A_350 = vector.load %arg4[%swap3A_347, %swap3A_348, %swap3A_349] : memref<1x40x512xi32, #tpu.memory_space<vmem>>, vector<1x1x512xi32>
      %swap3A_351 = vector.shape_cast %swap3A_350 : vector<1x1x512xi32> to vector<512xi32>
      %swap3A_352 = vector.shape_cast %add3A_346 : vector<512xi32> to vector<1x1x512xi32>
      tpu.vector_store %arg4[%swap3A_347, %swap3A_348, %swap3A_349], %swap3A_352 {strides = array<i32>} : memref<1x40x512xi32, #tpu.memory_space<vmem>>, vector<1x1x512xi32>,
      %add3A_353 = arith.constant 768 : i32
      %add3A_354 = vector.broadcast %add3A_353 : i32 to vector<512xi32>
      %add3A_355 = arith.addi %add3A_325, %add3A_354 : vector<512xi32>
      %swap3A_356 = arith.constant 0 : index
      %swap3A_357 = arith.constant 27 : index
      %swap3A_358 = arith.constant 0 : index
      %swap3A_359 = vector.load %arg4[%swap3A_356, %swap3A_357, %swap3A_358] : memref<1x40x512xi32, #tpu.memory_space<vmem>>, vector<1x1x512xi32>
      %swap3A_360 = vector.shape_cast %swap3A_359 : vector<1x1x512xi32> to vector<512xi32>
      %swap3A_361 = vector.shape_cast %add3A_355 : vector<512xi32> to vector<1x1x512xi32>
      tpu.vector_store %arg4[%swap3A_356, %swap3A_357, %swap3A_358], %swap3A_361 {strides = array<i32>} : memref<1x40x512xi32, #tpu.memory_space<vmem>>, vector<1x1x512xi32>,
      %add3A_362 = arith.constant 1024 : i32
      %add3A_363 = vector.broadcast %add3A_362 : i32 to vector<512xi32>
      %add3A_364 = arith.addi %add3A_325, %add3A_363 : vector<512xi32>
      %swap3A_365 = arith.constant 0 : index
      %swap3A_366 = arith.constant 28 : index
      %swap3A_367 = arith.constant 0 : index
      %swap3A_368 = vector.load %arg4[%swap3A_365, %swap3A_366, %swap3A_367] : memref<1x40x512xi32, #tpu.memory_space<vmem>>, vector<1x1x512xi32>
      %swap3A_369 = vector.shape_cast %swap3A_368 : vector<1x1x512xi32> to vector<512xi32>
      %swap3A_370 = vector.shape_cast %add3A_364 : vector<512xi32> to vector<1x1x512xi32>
      tpu.vector_store %arg4[%swap3A_365, %swap3A_366, %swap3A_367], %swap3A_370 {strides = array<i32>} : memref<1x40x512xi32, #tpu.memory_space<vmem>>, vector<1x1x512xi32>,
      %add3A_371 = arith.constant 1280 : i32
      %add3A_372 = vector.broadcast %add3A_371 : i32 to vector<512xi32>
      %add3A_373 = arith.addi %add3A_325, %add3A_372 : vector<512xi32>
      %swap3A_374 = arith.constant 0 : index
      %swap3A_375 = arith.constant 29 : index
      %swap3A_376 = arith.constant 0 : index
      %swap3A_377 = vector.load %arg4[%swap3A_374, %swap3A_375, %swap3A_376] : memref<1x40x512xi32, #tpu.memory_space<vmem>>, vector<1x1x512xi32>
      %swap3A_378 = vector.shape_cast %swap3A_377 : vector<1x1x512xi32> to vector<512xi32>
      %swap3A_379 = vector.shape_cast %add3A_373 : vector<512xi32> to vector<1x1x512xi32>
      tpu.vector_store %arg4[%swap3A_374, %swap3A_375, %swap3A_376], %swap3A_379 {strides = array<i32>} : memref<1x40x512xi32, #tpu.memory_space<vmem>>, vector<1x1x512xi32>,
      %add3A_380 = arith.constant 1536 : i32
      %add3A_381 = vector.broadcast %add3A_380 : i32 to vector<512xi32>
      %add3A_382 = arith.addi %add3A_325, %add3A_381 : vector<512xi32>
      %swap3A_383 = arith.constant 0 : index
      %swap3A_384 = arith.constant 30 : index
      %swap3A_385 = arith.constant 0 : index
      %swap3A_386 = vector.load %arg4[%swap3A_383, %swap3A_384, %swap3A_385] : memref<1x40x512xi32, #tpu.memory_space<vmem>>, vector<1x1x512xi32>
      %swap3A_387 = vector.shape_cast %swap3A_386 : vector<1x1x512xi32> to vector<512xi32>
      %swap3A_388 = vector.shape_cast %add3A_382 : vector<512xi32> to vector<1x1x512xi32>
      tpu.vector_store %arg4[%swap3A_383, %swap3A_384, %swap3A_385], %swap3A_388 {strides = array<i32>} : memref<1x40x512xi32, #tpu.memory_space<vmem>>, vector<1x1x512xi32>,
      %add3A_389 = arith.constant 1792 : i32
      %add3A_390 = vector.broadcast %add3A_389 : i32 to vector<512xi32>
      %add3A_391 = arith.addi %add3A_325, %add3A_390 : vector<512xi32>
      %swap3A_392 = arith.constant 0 : index
      %swap3A_393 = arith.constant 31 : index
      %swap3A_394 = arith.constant 0 : index
      %swap3A_395 = vector.load %arg4[%swap3A_392, %swap3A_393, %swap3A_394] : memref<1x40x512xi32, #tpu.memory_space<vmem>>, vector<1x1x512xi32>
      %swap3A_396 = vector.shape_cast %swap3A_395 : vector<1x1x512xi32> to vector<512xi32>
      %swap3A_397 = vector.shape_cast %add3A_391 : vector<512xi32> to vector<1x1x512xi32>
      tpu.vector_store %arg4[%swap3A_392, %swap3A_393, %swap3A_394], %swap3A_397 {strides = array<i32>} : memref<1x40x512xi32, #tpu.memory_space<vmem>>, vector<1x1x512xi32>,
      %broadcast_in_dim3A_398 = vector.shape_cast %argmax3A_315 : vector<512xi32> to vector<1x512xi32>
      %eq3A_399 = vector.broadcast %broadcast_in_dim3A_398 : vector<1x512xi32> to vector<12800x512xi32>
      %eq3A_400 = arith.cmpi eq, %iota3A_29, %eq3A_399 : vector<12800x512xi32>
      %jit3A_401 = arith.constant 0xFF800000 : f32
      %broadcast_in_dim3A_402 = vector.broadcast %jit3A_401 : f32 to vector<12800x512xf32>
      %select_n3A_403 = arith.select %eq3A_400, %broadcast_in_dim3A_402, %get3A_314 : vector<12800x512xi1>, vector<12800x512xf32>
      %swap3A_404 = arith.constant 0 : index
      %swap3A_405 = arith.constant 0 : index
      %swap3A_406 = vector.load %arg5[%swap3A_404, %swap3A_405] : memref<12800x512xf32, #tpu.memory_space<vmem>>, vector<12800x512xf32>
      tpu.vector_store %arg5[%swap3A_404, %swap3A_405], %select_n3A_403 {strides = array<i32>} : memref<12800x512xf32, #tpu.memory_space<vmem>>, vector<12800x512xf32>,
      %get3A_407 = arith.constant 0 : index
      %get3A_408 = arith.constant 0 : index
      %get3A_409 = vector.load %arg5[%get3A_407, %get3A_408] : memref<12800x512xf32, #tpu.memory_space<vmem>>, vector<12800x512xf32>
      %argmax3A_410 = tpu.reduce_index %get3A_409 {axis = 0 : i32, kind = #tpu.reduction_kind<arg_max>} : vector<12800x512xf32> -> vector<512xi32>
      %shift_right_logical3A_411 = arith.constant 8 : i32
      %shift_right_logical3A_412 = vector.broadcast %shift_right_logical3A_411 : i32 to vector<512xi32>
      %shift_right_logical3A_413 = arith.shrui %argmax3A_410, %shift_right_logical3A_412 : vector<512xi32>
      %mul3A_414 = arith.constant 2048 : i32
      %mul3A_415 = vector.broadcast %mul3A_414 : i32 to vector<512xi32>
      %mul3A_416 = arith.muli %shift_right_logical3A_413, %mul3A_415 : vector<512xi32>
      %and3A_417 = arith.constant 255 : i32
      %and3A_418 = vector.broadcast %and3A_417 : i32 to vector<512xi32>
      %and3A_419 = arith.andi %argmax3A_410, %and3A_418 : vector<512xi32>
      %add3A_420 = arith.addi %mul3A_416, %and3A_419 : vector<512xi32>
      %add3A_421 = arith.constant 0 : i32
      %add3A_422 = vector.broadcast %add3A_421 : i32 to vector<512xi32>
      %add3A_423 = arith.addi %add3A_420, %add3A_422 : vector<512xi32>
      %swap3A_424 = arith.constant 0 : index
      %swap3A_425 = arith.constant 32 : index
      %swap3A_426 = arith.constant 0 : index
      %swap3A_427 = vector.load %arg4[%swap3A_424, %swap3A_425, %swap3A_426] : memref<1x40x512xi32, #tpu.memory_space<vmem>>, vector<1x1x512xi32>
      %swap3A_428 = vector.shape_cast %swap3A_427 : vector<1x1x512xi32> to vector<512xi32>
      %swap3A_429 = vector.shape_cast %add3A_423 : vector<512xi32> to vector<1x1x512xi32>
      tpu.vector_store %arg4[%swap3A_424, %swap3A_425, %swap3A_426], %swap3A_429 {strides = array<i32>} : memref<1x40x512xi32, #tpu.memory_space<vmem>>, vector<1x1x512xi32>,
      %add3A_430 = arith.constant 256 : i32
      %add3A_431 = vector.broadcast %add3A_430 : i32 to vector<512xi32>
      %add3A_432 = arith.addi %add3A_420, %add3A_431 : vector<512xi32>
      %swap3A_433 = arith.constant 0 : index
      %swap3A_434 = arith.constant 33 : index
      %swap3A_435 = arith.constant 0 : index
      %swap3A_436 = vector.load %arg4[%swap3A_433, %swap3A_434, %swap3A_435] : memref<1x40x512xi32, #tpu.memory_space<vmem>>, vector<1x1x512xi32>
      %swap3A_437 = vector.shape_cast %swap3A_436 : vector<1x1x512xi32> to vector<512xi32>
      %swap3A_438 = vector.shape_cast %add3A_432 : vector<512xi32> to vector<1x1x512xi32>
      tpu.vector_store %arg4[%swap3A_433, %swap3A_434, %swap3A_435], %swap3A_438 {strides = array<i32>} : memref<1x40x512xi32, #tpu.memory_space<vmem>>, vector<1x1x512xi32>,
      %add3A_439 = arith.constant 512 : i32
      %add3A_440 = vector.broadcast %add3A_439 : i32 to vector<512xi32>
      %add3A_441 = arith.addi %add3A_420, %add3A_440 : vector<512xi32>
      %swap3A_442 = arith.constant 0 : index
      %swap3A_443 = arith.constant 34 : index
      %swap3A_444 = arith.constant 0 : index
      %swap3A_445 = vector.load %arg4[%swap3A_442, %swap3A_443, %swap3A_444] : memref<1x40x512xi32, #tpu.memory_space<vmem>>, vector<1x1x512xi32>
      %swap3A_446 = vector.shape_cast %swap3A_445 : vector<1x1x512xi32> to vector<512xi32>
      %swap3A_447 = vector.shape_cast %add3A_441 : vector<512xi32> to vector<1x1x512xi32>
      tpu.vector_store %arg4[%swap3A_442, %swap3A_443, %swap3A_444], %swap3A_447 {strides = array<i32>} : memref<1x40x512xi32, #tpu.memory_space<vmem>>, vector<1x1x512xi32>,
      %add3A_448 = arith.constant 768 : i32
      %add3A_449 = vector.broadcast %add3A_448 : i32 to vector<512xi32>
      %add3A_450 = arith.addi %add3A_420, %add3A_449 : vector<512xi32>
      %swap3A_451 = arith.constant 0 : index
      %swap3A_452 = arith.constant 35 : index
      %swap3A_453 = arith.constant 0 : index
      %swap3A_454 = vector.load %arg4[%swap3A_451, %swap3A_452, %swap3A_453] : memref<1x40x512xi32, #tpu.memory_space<vmem>>, vector<1x1x512xi32>
      %swap3A_455 = vector.shape_cast %swap3A_454 : vector<1x1x512xi32> to vector<512xi32>
      %swap3A_456 = vector.shape_cast %add3A_450 : vector<512xi32> to vector<1x1x512xi32>
      tpu.vector_store %arg4[%swap3A_451, %swap3A_452, %swap3A_453], %swap3A_456 {strides = array<i32>} : memref<1x40x512xi32, #tpu.memory_space<vmem>>, vector<1x1x512xi32>,
      %add3A_457 = arith.constant 1024 : i32
      %add3A_458 = vector.broadcast %add3A_457 : i32 to vector<512xi32>
      %add3A_459 = arith.addi %add3A_420, %add3A_458 : vector<512xi32>
      %swap3A_460 = arith.constant 0 : index
      %swap3A_461 = arith.constant 36 : index
      %swap3A_462 = arith.constant 0 : index
      %swap3A_463 = vector.load %arg4[%swap3A_460, %swap3A_461, %swap3A_462] : memref<1x40x512xi32, #tpu.memory_space<vmem>>, vector<1x1x512xi32>
      %swap3A_464 = vector.shape_cast %swap3A_463 : vector<1x1x512xi32> to vector<512xi32>
      %swap3A_465 = vector.shape_cast %add3A_459 : vector<512xi32> to vector<1x1x512xi32>
      tpu.vector_store %arg4[%swap3A_460, %swap3A_461, %swap3A_462], %swap3A_465 {strides = array<i32>} : memref<1x40x512xi32, #tpu.memory_space<vmem>>, vector<1x1x512xi32>,
      %add3A_466 = arith.constant 1280 : i32
      %add3A_467 = vector.broadcast %add3A_466 : i32 to vector<512xi32>
      %add3A_468 = arith.addi %add3A_420, %add3A_467 : vector<512xi32>
      %swap3A_469 = arith.constant 0 : index
      %swap3A_470 = arith.constant 37 : index
      %swap3A_471 = arith.constant 0 : index
      %swap3A_472 = vector.load %arg4[%swap3A_469, %swap3A_470, %swap3A_471] : memref<1x40x512xi32, #tpu.memory_space<vmem>>, vector<1x1x512xi32>
      %swap3A_473 = vector.shape_cast %swap3A_472 : vector<1x1x512xi32> to vector<512xi32>
      %swap3A_474 = vector.shape_cast %add3A_468 : vector<512xi32> to vector<1x1x512xi32>
      tpu.vector_store %arg4[%swap3A_469, %swap3A_470, %swap3A_471], %swap3A_474 {strides = array<i32>} : memref<1x40x512xi32, #tpu.memory_space<vmem>>, vector<1x1x512xi32>,
      %add3A_475 = arith.constant 1536 : i32
      %add3A_476 = vector.broadcast %add3A_475 : i32 to vector<512xi32>
      %add3A_477 = arith.addi %add3A_420, %add3A_476 : vector<512xi32>
      %swap3A_478 = arith.constant 0 : index
      %swap3A_479 = arith.constant 38 : index
      %swap3A_480 = arith.constant 0 : index
      %swap3A_481 = vector.load %arg4[%swap3A_478, %swap3A_479, %swap3A_480] : memref<1x40x512xi32, #tpu.memory_space<vmem>>, vector<1x1x512xi32>
      %swap3A_482 = vector.shape_cast %swap3A_481 : vector<1x1x512xi32> to vector<512xi32>
      %swap3A_483 = vector.shape_cast %add3A_477 : vector<512xi32> to vector<1x1x512xi32>
      tpu.vector_store %arg4[%swap3A_478, %swap3A_479, %swap3A_480], %swap3A_483 {strides = array<i32>} : memref<1x40x512xi32, #tpu.memory_space<vmem>>, vector<1x1x512xi32>,
      %add3A_484 = arith.constant 1792 : i32
      %add3A_485 = vector.broadcast %add3A_484 : i32 to vector<512xi32>
      %add3A_486 = arith.addi %add3A_420, %add3A_485 : vector<512xi32>
      %swap3A_487 = arith.constant 0 : index
      %swap3A_488 = arith.constant 39 : index
      %swap3A_489 = arith.constant 0 : index
      %swap3A_490 = vector.load %arg4[%swap3A_487, %swap3A_488, %swap3A_489] : memref<1x40x512xi32, #tpu.memory_space<vmem>>, vector<1x1x512xi32>
      %swap3A_491 = vector.shape_cast %swap3A_490 : vector<1x1x512xi32> to vector<512xi32>
      %swap3A_492 = vector.shape_cast %add3A_486 : vector<512xi32> to vector<1x1x512xi32>
      tpu.vector_store %arg4[%swap3A_487, %swap3A_488, %swap3A_489], %swap3A_492 {strides = array<i32>} : memref<1x40x512xi32, #tpu.memory_space<vmem>>, vector<1x1x512xi32>,
    } else {
    }
    return
  }
  func.func @transform_0(%arg0: i32, %arg1: i32) -> (i32, i32) {
    %c0_i32 = arith.constant 0 : i32
    %c0_i32_0 = arith.constant 0 : i32
    return %arg1, %c0_i32 : i32, i32
  }
  func.func @transform_1(%arg0: i32, %arg1: i32) -> (i32, i32) {
    %c0_i32 = arith.constant 0 : i32
    %c0_i32_0 = arith.constant 0 : i32
    return %arg0, %c0_i32 : i32, i32
  }
  func.func @transform_2(%arg0: i32, %arg1: i32) -> (i32, i32, i32) {
    %c0_i32 = arith.constant 0 : i32
    %c0_i32_0 = arith.constant 0 : i32
    %c0_i32_1 = arith.constant 0 : i32
    return %arg0, %c0_i32, %c0_i32_0 : i32, i32, i32
  }
}

module attributes {stable_mosaic.version = 14 : i64} {
  func.func @_pb2_body(%arg0: i32, %arg1: memref<64x128xf32, #tpu.memory_space<vmem>>, %arg2: memref<2560x128xf32, #tpu.memory_space<vmem>>, %arg3: memref<64x40xi32, #tpu.memory_space<vmem>>, %arg4: memref<64x5xi32, #tpu.memory_space<vmem>>) attributes {dimension_semantics = [#tpu.dimension_semantics<arbitrary>], iteration_bounds = array<i64: 64>, scalar_prefetch = 0 : i64, scratch_operands = 0 : i64, tpu.core_type = #tpu.core_type<tc>, window_params = [{transform_indices = @transform_0, window_bounds = array<i64: 64, 128>}, {transform_indices = @transform_1, window_bounds = array<i64: 2560, 128>}, {transform_indices = @transform_2, window_bounds = array<i64: 64, 40>}, {transform_indices = @transform_3, window_bounds = array<i64: 64, 5>}]} {
    %get3A = arith.constant 0 : index
    %get3A_0 = arith.constant 0 : index
    %get3A_1 = vector.load %arg1[%get3A, %get3A_0] : memref<64x128xf32, #tpu.memory_space<vmem>>, vector<64x128xf32>
    %get3A_2 = arith.constant 0 : index
    %get3A_3 = arith.constant 0 : index
    %get3A_4 = vector.load %arg2[%get3A_2, %get3A_3] : memref<2560x128xf32, #tpu.memory_space<vmem>>, vector<2560x128xf32>
    %dot_general3A = arith.constant dense<0.000000e+00> : vector<64x2560xf32>
    %dot_general3A_5 = tpu.matmul %get3A_1, %get3A_4, %dot_general3A {dimension_numbers = #tpu.dot_dimension_numbers<[1], [1], [0], [0], [0, 0, 1, 0], [], []>, transpose_lhs_hint = false} : vector<64x128xf32>, vector<2560x128xf32>, vector<64x2560xf32> -> vector<64x2560xf32>
    %iota3A = tpu.iota {dimensions = array<i32: 0>} : vector<64x40xi32>
    %broadcast_in_dim3A = arith.constant 0.000000e+00 : f32
    %broadcast_in_dim3A_6 = vector.broadcast %broadcast_in_dim3A : f32 to vector<64x40xf32>
    %slice3A = vector.extract_strided_slice %dot_general3A_5 {offsets = [0, 0], sizes = [64, 40], strides = [1, 1]} : vector<64x2560xf32> to vector<64x40xf32>
    %eq3A = arith.constant 0 : i32
    %eq3A_7 = vector.broadcast %eq3A : i32 to vector<64x40xi32>
    %eq3A_8 = arith.cmpi eq, %iota3A, %eq3A_7 : vector<64x40xi32>
    %jit3A = arith.constant 0.000000e+00 : f32
    %broadcast_in_dim3A_9 = vector.broadcast %jit3A : f32 to vector<64x40xf32>
    %select_n3A = arith.select %eq3A_8, %slice3A, %broadcast_in_dim3A_9 : vector<64x40xi1>, vector<64x40xf32>
    %add3A = arith.addf %broadcast_in_dim3A_6, %select_n3A : vector<64x40xf32>
    %slice3A_10 = vector.extract_strided_slice %dot_general3A_5 {offsets = [0, 40], sizes = [64, 40], strides = [1, 1]} : vector<64x2560xf32> to vector<64x40xf32>
    %eq3A_11 = arith.constant 1 : i32
    %eq3A_12 = vector.broadcast %eq3A_11 : i32 to vector<64x40xi32>
    %eq3A_13 = arith.cmpi eq, %iota3A, %eq3A_12 : vector<64x40xi32>
    %jit3A_14 = arith.constant 0.000000e+00 : f32
    %broadcast_in_dim3A_15 = vector.broadcast %jit3A_14 : f32 to vector<64x40xf32>
    %select_n3A_16 = arith.select %eq3A_13, %slice3A_10, %broadcast_in_dim3A_15 : vector<64x40xi1>, vector<64x40xf32>
    %add3A_17 = arith.addf %add3A, %select_n3A_16 : vector<64x40xf32>
    %slice3A_18 = vector.extract_strided_slice %dot_general3A_5 {offsets = [0, 80], sizes = [64, 40], strides = [1, 1]} : vector<64x2560xf32> to vector<64x40xf32>
    %eq3A_19 = arith.constant 2 : i32
    %eq3A_20 = vector.broadcast %eq3A_19 : i32 to vector<64x40xi32>
    %eq3A_21 = arith.cmpi eq, %iota3A, %eq3A_20 : vector<64x40xi32>
    %jit3A_22 = arith.constant 0.000000e+00 : f32
    %broadcast_in_dim3A_23 = vector.broadcast %jit3A_22 : f32 to vector<64x40xf32>
    %select_n3A_24 = arith.select %eq3A_21, %slice3A_18, %broadcast_in_dim3A_23 : vector<64x40xi1>, vector<64x40xf32>
    %add3A_25 = arith.addf %add3A_17, %select_n3A_24 : vector<64x40xf32>
    %slice3A_26 = vector.extract_strided_slice %dot_general3A_5 {offsets = [0, 120], sizes = [64, 40], strides = [1, 1]} : vector<64x2560xf32> to vector<64x40xf32>
    %eq3A_27 = arith.constant 3 : i32
    %eq3A_28 = vector.broadcast %eq3A_27 : i32 to vector<64x40xi32>
    %eq3A_29 = arith.cmpi eq, %iota3A, %eq3A_28 : vector<64x40xi32>
    %jit3A_30 = arith.constant 0.000000e+00 : f32
    %broadcast_in_dim3A_31 = vector.broadcast %jit3A_30 : f32 to vector<64x40xf32>
    %select_n3A_32 = arith.select %eq3A_29, %slice3A_26, %broadcast_in_dim3A_31 : vector<64x40xi1>, vector<64x40xf32>
    %add3A_33 = arith.addf %add3A_25, %select_n3A_32 : vector<64x40xf32>
    %slice3A_34 = vector.extract_strided_slice %dot_general3A_5 {offsets = [0, 160], sizes = [64, 40], strides = [1, 1]} : vector<64x2560xf32> to vector<64x40xf32>
    %eq3A_35 = arith.constant 4 : i32
    %eq3A_36 = vector.broadcast %eq3A_35 : i32 to vector<64x40xi32>
    %eq3A_37 = arith.cmpi eq, %iota3A, %eq3A_36 : vector<64x40xi32>
    %jit3A_38 = arith.constant 0.000000e+00 : f32
    %broadcast_in_dim3A_39 = vector.broadcast %jit3A_38 : f32 to vector<64x40xf32>
    %select_n3A_40 = arith.select %eq3A_37, %slice3A_34, %broadcast_in_dim3A_39 : vector<64x40xi1>, vector<64x40xf32>
    %add3A_41 = arith.addf %add3A_33, %select_n3A_40 : vector<64x40xf32>
    %slice3A_42 = vector.extract_strided_slice %dot_general3A_5 {offsets = [0, 200], sizes = [64, 40], strides = [1, 1]} : vector<64x2560xf32> to vector<64x40xf32>
    %eq3A_43 = arith.constant 5 : i32
    %eq3A_44 = vector.broadcast %eq3A_43 : i32 to vector<64x40xi32>
    %eq3A_45 = arith.cmpi eq, %iota3A, %eq3A_44 : vector<64x40xi32>
    %jit3A_46 = arith.constant 0.000000e+00 : f32
    %broadcast_in_dim3A_47 = vector.broadcast %jit3A_46 : f32 to vector<64x40xf32>
    %select_n3A_48 = arith.select %eq3A_45, %slice3A_42, %broadcast_in_dim3A_47 : vector<64x40xi1>, vector<64x40xf32>
    %add3A_49 = arith.addf %add3A_41, %select_n3A_48 : vector<64x40xf32>
    %slice3A_50 = vector.extract_strided_slice %dot_general3A_5 {offsets = [0, 240], sizes = [64, 40], strides = [1, 1]} : vector<64x2560xf32> to vector<64x40xf32>
    %eq3A_51 = arith.constant 6 : i32
    %eq3A_52 = vector.broadcast %eq3A_51 : i32 to vector<64x40xi32>
    %eq3A_53 = arith.cmpi eq, %iota3A, %eq3A_52 : vector<64x40xi32>
    %jit3A_54 = arith.constant 0.000000e+00 : f32
    %broadcast_in_dim3A_55 = vector.broadcast %jit3A_54 : f32 to vector<64x40xf32>
    %select_n3A_56 = arith.select %eq3A_53, %slice3A_50, %broadcast_in_dim3A_55 : vector<64x40xi1>, vector<64x40xf32>
    %add3A_57 = arith.addf %add3A_49, %select_n3A_56 : vector<64x40xf32>
    %slice3A_58 = vector.extract_strided_slice %dot_general3A_5 {offsets = [0, 280], sizes = [64, 40], strides = [1, 1]} : vector<64x2560xf32> to vector<64x40xf32>
    %eq3A_59 = arith.constant 7 : i32
    %eq3A_60 = vector.broadcast %eq3A_59 : i32 to vector<64x40xi32>
    %eq3A_61 = arith.cmpi eq, %iota3A, %eq3A_60 : vector<64x40xi32>
    %jit3A_62 = arith.constant 0.000000e+00 : f32
    %broadcast_in_dim3A_63 = vector.broadcast %jit3A_62 : f32 to vector<64x40xf32>
    %select_n3A_64 = arith.select %eq3A_61, %slice3A_58, %broadcast_in_dim3A_63 : vector<64x40xi1>, vector<64x40xf32>
    %add3A_65 = arith.addf %add3A_57, %select_n3A_64 : vector<64x40xf32>
    %slice3A_66 = vector.extract_strided_slice %dot_general3A_5 {offsets = [0, 320], sizes = [64, 40], strides = [1, 1]} : vector<64x2560xf32> to vector<64x40xf32>
    %eq3A_67 = arith.constant 8 : i32
    %eq3A_68 = vector.broadcast %eq3A_67 : i32 to vector<64x40xi32>
    %eq3A_69 = arith.cmpi eq, %iota3A, %eq3A_68 : vector<64x40xi32>
    %jit3A_70 = arith.constant 0.000000e+00 : f32
    %broadcast_in_dim3A_71 = vector.broadcast %jit3A_70 : f32 to vector<64x40xf32>
    %select_n3A_72 = arith.select %eq3A_69, %slice3A_66, %broadcast_in_dim3A_71 : vector<64x40xi1>, vector<64x40xf32>
    %add3A_73 = arith.addf %add3A_65, %select_n3A_72 : vector<64x40xf32>
    %slice3A_74 = vector.extract_strided_slice %dot_general3A_5 {offsets = [0, 360], sizes = [64, 40], strides = [1, 1]} : vector<64x2560xf32> to vector<64x40xf32>
    %eq3A_75 = arith.constant 9 : i32
    %eq3A_76 = vector.broadcast %eq3A_75 : i32 to vector<64x40xi32>
    %eq3A_77 = arith.cmpi eq, %iota3A, %eq3A_76 : vector<64x40xi32>
    %jit3A_78 = arith.constant 0.000000e+00 : f32
    %broadcast_in_dim3A_79 = vector.broadcast %jit3A_78 : f32 to vector<64x40xf32>
    %select_n3A_80 = arith.select %eq3A_77, %slice3A_74, %broadcast_in_dim3A_79 : vector<64x40xi1>, vector<64x40xf32>
    %add3A_81 = arith.addf %add3A_73, %select_n3A_80 : vector<64x40xf32>
    %slice3A_82 = vector.extract_strided_slice %dot_general3A_5 {offsets = [0, 400], sizes = [64, 40], strides = [1, 1]} : vector<64x2560xf32> to vector<64x40xf32>
    %eq3A_83 = arith.constant 10 : i32
    %eq3A_84 = vector.broadcast %eq3A_83 : i32 to vector<64x40xi32>
    %eq3A_85 = arith.cmpi eq, %iota3A, %eq3A_84 : vector<64x40xi32>
    %jit3A_86 = arith.constant 0.000000e+00 : f32
    %broadcast_in_dim3A_87 = vector.broadcast %jit3A_86 : f32 to vector<64x40xf32>
    %select_n3A_88 = arith.select %eq3A_85, %slice3A_82, %broadcast_in_dim3A_87 : vector<64x40xi1>, vector<64x40xf32>
    %add3A_89 = arith.addf %add3A_81, %select_n3A_88 : vector<64x40xf32>
    %slice3A_90 = vector.extract_strided_slice %dot_general3A_5 {offsets = [0, 440], sizes = [64, 40], strides = [1, 1]} : vector<64x2560xf32> to vector<64x40xf32>
    %eq3A_91 = arith.constant 11 : i32
    %eq3A_92 = vector.broadcast %eq3A_91 : i32 to vector<64x40xi32>
    %eq3A_93 = arith.cmpi eq, %iota3A, %eq3A_92 : vector<64x40xi32>
    %jit3A_94 = arith.constant 0.000000e+00 : f32
    %broadcast_in_dim3A_95 = vector.broadcast %jit3A_94 : f32 to vector<64x40xf32>
    %select_n3A_96 = arith.select %eq3A_93, %slice3A_90, %broadcast_in_dim3A_95 : vector<64x40xi1>, vector<64x40xf32>
    %add3A_97 = arith.addf %add3A_89, %select_n3A_96 : vector<64x40xf32>
    %slice3A_98 = vector.extract_strided_slice %dot_general3A_5 {offsets = [0, 480], sizes = [64, 40], strides = [1, 1]} : vector<64x2560xf32> to vector<64x40xf32>
    %eq3A_99 = arith.constant 12 : i32
    %eq3A_100 = vector.broadcast %eq3A_99 : i32 to vector<64x40xi32>
    %eq3A_101 = arith.cmpi eq, %iota3A, %eq3A_100 : vector<64x40xi32>
    %jit3A_102 = arith.constant 0.000000e+00 : f32
    %broadcast_in_dim3A_103 = vector.broadcast %jit3A_102 : f32 to vector<64x40xf32>
    %select_n3A_104 = arith.select %eq3A_101, %slice3A_98, %broadcast_in_dim3A_103 : vector<64x40xi1>, vector<64x40xf32>
    %add3A_105 = arith.addf %add3A_97, %select_n3A_104 : vector<64x40xf32>
    %slice3A_106 = vector.extract_strided_slice %dot_general3A_5 {offsets = [0, 520], sizes = [64, 40], strides = [1, 1]} : vector<64x2560xf32> to vector<64x40xf32>
    %eq3A_107 = arith.constant 13 : i32
    %eq3A_108 = vector.broadcast %eq3A_107 : i32 to vector<64x40xi32>
    %eq3A_109 = arith.cmpi eq, %iota3A, %eq3A_108 : vector<64x40xi32>
    %jit3A_110 = arith.constant 0.000000e+00 : f32
    %broadcast_in_dim3A_111 = vector.broadcast %jit3A_110 : f32 to vector<64x40xf32>
    %select_n3A_112 = arith.select %eq3A_109, %slice3A_106, %broadcast_in_dim3A_111 : vector<64x40xi1>, vector<64x40xf32>
    %add3A_113 = arith.addf %add3A_105, %select_n3A_112 : vector<64x40xf32>
    %slice3A_114 = vector.extract_strided_slice %dot_general3A_5 {offsets = [0, 560], sizes = [64, 40], strides = [1, 1]} : vector<64x2560xf32> to vector<64x40xf32>
    %eq3A_115 = arith.constant 14 : i32
    %eq3A_116 = vector.broadcast %eq3A_115 : i32 to vector<64x40xi32>
    %eq3A_117 = arith.cmpi eq, %iota3A, %eq3A_116 : vector<64x40xi32>
    %jit3A_118 = arith.constant 0.000000e+00 : f32
    %broadcast_in_dim3A_119 = vector.broadcast %jit3A_118 : f32 to vector<64x40xf32>
    %select_n3A_120 = arith.select %eq3A_117, %slice3A_114, %broadcast_in_dim3A_119 : vector<64x40xi1>, vector<64x40xf32>
    %add3A_121 = arith.addf %add3A_113, %select_n3A_120 : vector<64x40xf32>
    %slice3A_122 = vector.extract_strided_slice %dot_general3A_5 {offsets = [0, 600], sizes = [64, 40], strides = [1, 1]} : vector<64x2560xf32> to vector<64x40xf32>
    %eq3A_123 = arith.constant 15 : i32
    %eq3A_124 = vector.broadcast %eq3A_123 : i32 to vector<64x40xi32>
    %eq3A_125 = arith.cmpi eq, %iota3A, %eq3A_124 : vector<64x40xi32>
    %jit3A_126 = arith.constant 0.000000e+00 : f32
    %broadcast_in_dim3A_127 = vector.broadcast %jit3A_126 : f32 to vector<64x40xf32>
    %select_n3A_128 = arith.select %eq3A_125, %slice3A_122, %broadcast_in_dim3A_127 : vector<64x40xi1>, vector<64x40xf32>
    %add3A_129 = arith.addf %add3A_121, %select_n3A_128 : vector<64x40xf32>
    %slice3A_130 = vector.extract_strided_slice %dot_general3A_5 {offsets = [0, 640], sizes = [64, 40], strides = [1, 1]} : vector<64x2560xf32> to vector<64x40xf32>
    %eq3A_131 = arith.constant 16 : i32
    %eq3A_132 = vector.broadcast %eq3A_131 : i32 to vector<64x40xi32>
    %eq3A_133 = arith.cmpi eq, %iota3A, %eq3A_132 : vector<64x40xi32>
    %jit3A_134 = arith.constant 0.000000e+00 : f32
    %broadcast_in_dim3A_135 = vector.broadcast %jit3A_134 : f32 to vector<64x40xf32>
    %select_n3A_136 = arith.select %eq3A_133, %slice3A_130, %broadcast_in_dim3A_135 : vector<64x40xi1>, vector<64x40xf32>
    %add3A_137 = arith.addf %add3A_129, %select_n3A_136 : vector<64x40xf32>
    %slice3A_138 = vector.extract_strided_slice %dot_general3A_5 {offsets = [0, 680], sizes = [64, 40], strides = [1, 1]} : vector<64x2560xf32> to vector<64x40xf32>
    %eq3A_139 = arith.constant 17 : i32
    %eq3A_140 = vector.broadcast %eq3A_139 : i32 to vector<64x40xi32>
    %eq3A_141 = arith.cmpi eq, %iota3A, %eq3A_140 : vector<64x40xi32>
    %jit3A_142 = arith.constant 0.000000e+00 : f32
    %broadcast_in_dim3A_143 = vector.broadcast %jit3A_142 : f32 to vector<64x40xf32>
    %select_n3A_144 = arith.select %eq3A_141, %slice3A_138, %broadcast_in_dim3A_143 : vector<64x40xi1>, vector<64x40xf32>
    %add3A_145 = arith.addf %add3A_137, %select_n3A_144 : vector<64x40xf32>
    %slice3A_146 = vector.extract_strided_slice %dot_general3A_5 {offsets = [0, 720], sizes = [64, 40], strides = [1, 1]} : vector<64x2560xf32> to vector<64x40xf32>
    %eq3A_147 = arith.constant 18 : i32
    %eq3A_148 = vector.broadcast %eq3A_147 : i32 to vector<64x40xi32>
    %eq3A_149 = arith.cmpi eq, %iota3A, %eq3A_148 : vector<64x40xi32>
    %jit3A_150 = arith.constant 0.000000e+00 : f32
    %broadcast_in_dim3A_151 = vector.broadcast %jit3A_150 : f32 to vector<64x40xf32>
    %select_n3A_152 = arith.select %eq3A_149, %slice3A_146, %broadcast_in_dim3A_151 : vector<64x40xi1>, vector<64x40xf32>
    %add3A_153 = arith.addf %add3A_145, %select_n3A_152 : vector<64x40xf32>
    %slice3A_154 = vector.extract_strided_slice %dot_general3A_5 {offsets = [0, 760], sizes = [64, 40], strides = [1, 1]} : vector<64x2560xf32> to vector<64x40xf32>
    %eq3A_155 = arith.constant 19 : i32
    %eq3A_156 = vector.broadcast %eq3A_155 : i32 to vector<64x40xi32>
    %eq3A_157 = arith.cmpi eq, %iota3A, %eq3A_156 : vector<64x40xi32>
    %jit3A_158 = arith.constant 0.000000e+00 : f32
    %broadcast_in_dim3A_159 = vector.broadcast %jit3A_158 : f32 to vector<64x40xf32>
    %select_n3A_160 = arith.select %eq3A_157, %slice3A_154, %broadcast_in_dim3A_159 : vector<64x40xi1>, vector<64x40xf32>
    %add3A_161 = arith.addf %add3A_153, %select_n3A_160 : vector<64x40xf32>
    %slice3A_162 = vector.extract_strided_slice %dot_general3A_5 {offsets = [0, 800], sizes = [64, 40], strides = [1, 1]} : vector<64x2560xf32> to vector<64x40xf32>
    %eq3A_163 = arith.constant 20 : i32
    %eq3A_164 = vector.broadcast %eq3A_163 : i32 to vector<64x40xi32>
    %eq3A_165 = arith.cmpi eq, %iota3A, %eq3A_164 : vector<64x40xi32>
    %jit3A_166 = arith.constant 0.000000e+00 : f32
    %broadcast_in_dim3A_167 = vector.broadcast %jit3A_166 : f32 to vector<64x40xf32>
    %select_n3A_168 = arith.select %eq3A_165, %slice3A_162, %broadcast_in_dim3A_167 : vector<64x40xi1>, vector<64x40xf32>
    %add3A_169 = arith.addf %add3A_161, %select_n3A_168 : vector<64x40xf32>
    %slice3A_170 = vector.extract_strided_slice %dot_general3A_5 {offsets = [0, 840], sizes = [64, 40], strides = [1, 1]} : vector<64x2560xf32> to vector<64x40xf32>
    %eq3A_171 = arith.constant 21 : i32
    %eq3A_172 = vector.broadcast %eq3A_171 : i32 to vector<64x40xi32>
    %eq3A_173 = arith.cmpi eq, %iota3A, %eq3A_172 : vector<64x40xi32>
    %jit3A_174 = arith.constant 0.000000e+00 : f32
    %broadcast_in_dim3A_175 = vector.broadcast %jit3A_174 : f32 to vector<64x40xf32>
    %select_n3A_176 = arith.select %eq3A_173, %slice3A_170, %broadcast_in_dim3A_175 : vector<64x40xi1>, vector<64x40xf32>
    %add3A_177 = arith.addf %add3A_169, %select_n3A_176 : vector<64x40xf32>
    %slice3A_178 = vector.extract_strided_slice %dot_general3A_5 {offsets = [0, 880], sizes = [64, 40], strides = [1, 1]} : vector<64x2560xf32> to vector<64x40xf32>
    %eq3A_179 = arith.constant 22 : i32
    %eq3A_180 = vector.broadcast %eq3A_179 : i32 to vector<64x40xi32>
    %eq3A_181 = arith.cmpi eq, %iota3A, %eq3A_180 : vector<64x40xi32>
    %jit3A_182 = arith.constant 0.000000e+00 : f32
    %broadcast_in_dim3A_183 = vector.broadcast %jit3A_182 : f32 to vector<64x40xf32>
    %select_n3A_184 = arith.select %eq3A_181, %slice3A_178, %broadcast_in_dim3A_183 : vector<64x40xi1>, vector<64x40xf32>
    %add3A_185 = arith.addf %add3A_177, %select_n3A_184 : vector<64x40xf32>
    %slice3A_186 = vector.extract_strided_slice %dot_general3A_5 {offsets = [0, 920], sizes = [64, 40], strides = [1, 1]} : vector<64x2560xf32> to vector<64x40xf32>
    %eq3A_187 = arith.constant 23 : i32
    %eq3A_188 = vector.broadcast %eq3A_187 : i32 to vector<64x40xi32>
    %eq3A_189 = arith.cmpi eq, %iota3A, %eq3A_188 : vector<64x40xi32>
    %jit3A_190 = arith.constant 0.000000e+00 : f32
    %broadcast_in_dim3A_191 = vector.broadcast %jit3A_190 : f32 to vector<64x40xf32>
    %select_n3A_192 = arith.select %eq3A_189, %slice3A_186, %broadcast_in_dim3A_191 : vector<64x40xi1>, vector<64x40xf32>
    %add3A_193 = arith.addf %add3A_185, %select_n3A_192 : vector<64x40xf32>
    %slice3A_194 = vector.extract_strided_slice %dot_general3A_5 {offsets = [0, 960], sizes = [64, 40], strides = [1, 1]} : vector<64x2560xf32> to vector<64x40xf32>
    %eq3A_195 = arith.constant 24 : i32
    %eq3A_196 = vector.broadcast %eq3A_195 : i32 to vector<64x40xi32>
    %eq3A_197 = arith.cmpi eq, %iota3A, %eq3A_196 : vector<64x40xi32>
    %jit3A_198 = arith.constant 0.000000e+00 : f32
    %broadcast_in_dim3A_199 = vector.broadcast %jit3A_198 : f32 to vector<64x40xf32>
    %select_n3A_200 = arith.select %eq3A_197, %slice3A_194, %broadcast_in_dim3A_199 : vector<64x40xi1>, vector<64x40xf32>
    %add3A_201 = arith.addf %add3A_193, %select_n3A_200 : vector<64x40xf32>
    %slice3A_202 = vector.extract_strided_slice %dot_general3A_5 {offsets = [0, 1000], sizes = [64, 40], strides = [1, 1]} : vector<64x2560xf32> to vector<64x40xf32>
    %eq3A_203 = arith.constant 25 : i32
    %eq3A_204 = vector.broadcast %eq3A_203 : i32 to vector<64x40xi32>
    %eq3A_205 = arith.cmpi eq, %iota3A, %eq3A_204 : vector<64x40xi32>
    %jit3A_206 = arith.constant 0.000000e+00 : f32
    %broadcast_in_dim3A_207 = vector.broadcast %jit3A_206 : f32 to vector<64x40xf32>
    %select_n3A_208 = arith.select %eq3A_205, %slice3A_202, %broadcast_in_dim3A_207 : vector<64x40xi1>, vector<64x40xf32>
    %add3A_209 = arith.addf %add3A_201, %select_n3A_208 : vector<64x40xf32>
    %slice3A_210 = vector.extract_strided_slice %dot_general3A_5 {offsets = [0, 1040], sizes = [64, 40], strides = [1, 1]} : vector<64x2560xf32> to vector<64x40xf32>
    %eq3A_211 = arith.constant 26 : i32
    %eq3A_212 = vector.broadcast %eq3A_211 : i32 to vector<64x40xi32>
    %eq3A_213 = arith.cmpi eq, %iota3A, %eq3A_212 : vector<64x40xi32>
    %jit3A_214 = arith.constant 0.000000e+00 : f32
    %broadcast_in_dim3A_215 = vector.broadcast %jit3A_214 : f32 to vector<64x40xf32>
    %select_n3A_216 = arith.select %eq3A_213, %slice3A_210, %broadcast_in_dim3A_215 : vector<64x40xi1>, vector<64x40xf32>
    %add3A_217 = arith.addf %add3A_209, %select_n3A_216 : vector<64x40xf32>
    %slice3A_218 = vector.extract_strided_slice %dot_general3A_5 {offsets = [0, 1080], sizes = [64, 40], strides = [1, 1]} : vector<64x2560xf32> to vector<64x40xf32>
    %eq3A_219 = arith.constant 27 : i32
    %eq3A_220 = vector.broadcast %eq3A_219 : i32 to vector<64x40xi32>
    %eq3A_221 = arith.cmpi eq, %iota3A, %eq3A_220 : vector<64x40xi32>
    %jit3A_222 = arith.constant 0.000000e+00 : f32
    %broadcast_in_dim3A_223 = vector.broadcast %jit3A_222 : f32 to vector<64x40xf32>
    %select_n3A_224 = arith.select %eq3A_221, %slice3A_218, %broadcast_in_dim3A_223 : vector<64x40xi1>, vector<64x40xf32>
    %add3A_225 = arith.addf %add3A_217, %select_n3A_224 : vector<64x40xf32>
    %slice3A_226 = vector.extract_strided_slice %dot_general3A_5 {offsets = [0, 1120], sizes = [64, 40], strides = [1, 1]} : vector<64x2560xf32> to vector<64x40xf32>
    %eq3A_227 = arith.constant 28 : i32
    %eq3A_228 = vector.broadcast %eq3A_227 : i32 to vector<64x40xi32>
    %eq3A_229 = arith.cmpi eq, %iota3A, %eq3A_228 : vector<64x40xi32>
    %jit3A_230 = arith.constant 0.000000e+00 : f32
    %broadcast_in_dim3A_231 = vector.broadcast %jit3A_230 : f32 to vector<64x40xf32>
    %select_n3A_232 = arith.select %eq3A_229, %slice3A_226, %broadcast_in_dim3A_231 : vector<64x40xi1>, vector<64x40xf32>
    %add3A_233 = arith.addf %add3A_225, %select_n3A_232 : vector<64x40xf32>
    %slice3A_234 = vector.extract_strided_slice %dot_general3A_5 {offsets = [0, 1160], sizes = [64, 40], strides = [1, 1]} : vector<64x2560xf32> to vector<64x40xf32>
    %eq3A_235 = arith.constant 29 : i32
    %eq3A_236 = vector.broadcast %eq3A_235 : i32 to vector<64x40xi32>
    %eq3A_237 = arith.cmpi eq, %iota3A, %eq3A_236 : vector<64x40xi32>
    %jit3A_238 = arith.constant 0.000000e+00 : f32
    %broadcast_in_dim3A_239 = vector.broadcast %jit3A_238 : f32 to vector<64x40xf32>
    %select_n3A_240 = arith.select %eq3A_237, %slice3A_234, %broadcast_in_dim3A_239 : vector<64x40xi1>, vector<64x40xf32>
    %add3A_241 = arith.addf %add3A_233, %select_n3A_240 : vector<64x40xf32>
    %slice3A_242 = vector.extract_strided_slice %dot_general3A_5 {offsets = [0, 1200], sizes = [64, 40], strides = [1, 1]} : vector<64x2560xf32> to vector<64x40xf32>
    %eq3A_243 = arith.constant 30 : i32
    %eq3A_244 = vector.broadcast %eq3A_243 : i32 to vector<64x40xi32>
    %eq3A_245 = arith.cmpi eq, %iota3A, %eq3A_244 : vector<64x40xi32>
    %jit3A_246 = arith.constant 0.000000e+00 : f32
    %broadcast_in_dim3A_247 = vector.broadcast %jit3A_246 : f32 to vector<64x40xf32>
    %select_n3A_248 = arith.select %eq3A_245, %slice3A_242, %broadcast_in_dim3A_247 : vector<64x40xi1>, vector<64x40xf32>
    %add3A_249 = arith.addf %add3A_241, %select_n3A_248 : vector<64x40xf32>
    %slice3A_250 = vector.extract_strided_slice %dot_general3A_5 {offsets = [0, 1240], sizes = [64, 40], strides = [1, 1]} : vector<64x2560xf32> to vector<64x40xf32>
    %eq3A_251 = arith.constant 31 : i32
    %eq3A_252 = vector.broadcast %eq3A_251 : i32 to vector<64x40xi32>
    %eq3A_253 = arith.cmpi eq, %iota3A, %eq3A_252 : vector<64x40xi32>
    %jit3A_254 = arith.constant 0.000000e+00 : f32
    %broadcast_in_dim3A_255 = vector.broadcast %jit3A_254 : f32 to vector<64x40xf32>
    %select_n3A_256 = arith.select %eq3A_253, %slice3A_250, %broadcast_in_dim3A_255 : vector<64x40xi1>, vector<64x40xf32>
    %add3A_257 = arith.addf %add3A_249, %select_n3A_256 : vector<64x40xf32>
    %slice3A_258 = vector.extract_strided_slice %dot_general3A_5 {offsets = [0, 1280], sizes = [64, 40], strides = [1, 1]} : vector<64x2560xf32> to vector<64x40xf32>
    %eq3A_259 = arith.constant 32 : i32
    %eq3A_260 = vector.broadcast %eq3A_259 : i32 to vector<64x40xi32>
    %eq3A_261 = arith.cmpi eq, %iota3A, %eq3A_260 : vector<64x40xi32>
    %jit3A_262 = arith.constant 0.000000e+00 : f32
    %broadcast_in_dim3A_263 = vector.broadcast %jit3A_262 : f32 to vector<64x40xf32>
    %select_n3A_264 = arith.select %eq3A_261, %slice3A_258, %broadcast_in_dim3A_263 : vector<64x40xi1>, vector<64x40xf32>
    %add3A_265 = arith.addf %add3A_257, %select_n3A_264 : vector<64x40xf32>
    %slice3A_266 = vector.extract_strided_slice %dot_general3A_5 {offsets = [0, 1320], sizes = [64, 40], strides = [1, 1]} : vector<64x2560xf32> to vector<64x40xf32>
    %eq3A_267 = arith.constant 33 : i32
    %eq3A_268 = vector.broadcast %eq3A_267 : i32 to vector<64x40xi32>
    %eq3A_269 = arith.cmpi eq, %iota3A, %eq3A_268 : vector<64x40xi32>
    %jit3A_270 = arith.constant 0.000000e+00 : f32
    %broadcast_in_dim3A_271 = vector.broadcast %jit3A_270 : f32 to vector<64x40xf32>
    %select_n3A_272 = arith.select %eq3A_269, %slice3A_266, %broadcast_in_dim3A_271 : vector<64x40xi1>, vector<64x40xf32>
    %add3A_273 = arith.addf %add3A_265, %select_n3A_272 : vector<64x40xf32>
    %slice3A_274 = vector.extract_strided_slice %dot_general3A_5 {offsets = [0, 1360], sizes = [64, 40], strides = [1, 1]} : vector<64x2560xf32> to vector<64x40xf32>
    %eq3A_275 = arith.constant 34 : i32
    %eq3A_276 = vector.broadcast %eq3A_275 : i32 to vector<64x40xi32>
    %eq3A_277 = arith.cmpi eq, %iota3A, %eq3A_276 : vector<64x40xi32>
    %jit3A_278 = arith.constant 0.000000e+00 : f32
    %broadcast_in_dim3A_279 = vector.broadcast %jit3A_278 : f32 to vector<64x40xf32>
    %select_n3A_280 = arith.select %eq3A_277, %slice3A_274, %broadcast_in_dim3A_279 : vector<64x40xi1>, vector<64x40xf32>
    %add3A_281 = arith.addf %add3A_273, %select_n3A_280 : vector<64x40xf32>
    %slice3A_282 = vector.extract_strided_slice %dot_general3A_5 {offsets = [0, 1400], sizes = [64, 40], strides = [1, 1]} : vector<64x2560xf32> to vector<64x40xf32>
    %eq3A_283 = arith.constant 35 : i32
    %eq3A_284 = vector.broadcast %eq3A_283 : i32 to vector<64x40xi32>
    %eq3A_285 = arith.cmpi eq, %iota3A, %eq3A_284 : vector<64x40xi32>
    %jit3A_286 = arith.constant 0.000000e+00 : f32
    %broadcast_in_dim3A_287 = vector.broadcast %jit3A_286 : f32 to vector<64x40xf32>
    %select_n3A_288 = arith.select %eq3A_285, %slice3A_282, %broadcast_in_dim3A_287 : vector<64x40xi1>, vector<64x40xf32>
    %add3A_289 = arith.addf %add3A_281, %select_n3A_288 : vector<64x40xf32>
    %slice3A_290 = vector.extract_strided_slice %dot_general3A_5 {offsets = [0, 1440], sizes = [64, 40], strides = [1, 1]} : vector<64x2560xf32> to vector<64x40xf32>
    %eq3A_291 = arith.constant 36 : i32
    %eq3A_292 = vector.broadcast %eq3A_291 : i32 to vector<64x40xi32>
    %eq3A_293 = arith.cmpi eq, %iota3A, %eq3A_292 : vector<64x40xi32>
    %jit3A_294 = arith.constant 0.000000e+00 : f32
    %broadcast_in_dim3A_295 = vector.broadcast %jit3A_294 : f32 to vector<64x40xf32>
    %select_n3A_296 = arith.select %eq3A_293, %slice3A_290, %broadcast_in_dim3A_295 : vector<64x40xi1>, vector<64x40xf32>
    %add3A_297 = arith.addf %add3A_289, %select_n3A_296 : vector<64x40xf32>
    %slice3A_298 = vector.extract_strided_slice %dot_general3A_5 {offsets = [0, 1480], sizes = [64, 40], strides = [1, 1]} : vector<64x2560xf32> to vector<64x40xf32>
    %eq3A_299 = arith.constant 37 : i32
    %eq3A_300 = vector.broadcast %eq3A_299 : i32 to vector<64x40xi32>
    %eq3A_301 = arith.cmpi eq, %iota3A, %eq3A_300 : vector<64x40xi32>
    %jit3A_302 = arith.constant 0.000000e+00 : f32
    %broadcast_in_dim3A_303 = vector.broadcast %jit3A_302 : f32 to vector<64x40xf32>
    %select_n3A_304 = arith.select %eq3A_301, %slice3A_298, %broadcast_in_dim3A_303 : vector<64x40xi1>, vector<64x40xf32>
    %add3A_305 = arith.addf %add3A_297, %select_n3A_304 : vector<64x40xf32>
    %slice3A_306 = vector.extract_strided_slice %dot_general3A_5 {offsets = [0, 1520], sizes = [64, 40], strides = [1, 1]} : vector<64x2560xf32> to vector<64x40xf32>
    %eq3A_307 = arith.constant 38 : i32
    %eq3A_308 = vector.broadcast %eq3A_307 : i32 to vector<64x40xi32>
    %eq3A_309 = arith.cmpi eq, %iota3A, %eq3A_308 : vector<64x40xi32>
    %jit3A_310 = arith.constant 0.000000e+00 : f32
    %broadcast_in_dim3A_311 = vector.broadcast %jit3A_310 : f32 to vector<64x40xf32>
    %select_n3A_312 = arith.select %eq3A_309, %slice3A_306, %broadcast_in_dim3A_311 : vector<64x40xi1>, vector<64x40xf32>
    %add3A_313 = arith.addf %add3A_305, %select_n3A_312 : vector<64x40xf32>
    %slice3A_314 = vector.extract_strided_slice %dot_general3A_5 {offsets = [0, 1560], sizes = [64, 40], strides = [1, 1]} : vector<64x2560xf32> to vector<64x40xf32>
    %eq3A_315 = arith.constant 39 : i32
    %eq3A_316 = vector.broadcast %eq3A_315 : i32 to vector<64x40xi32>
    %eq3A_317 = arith.cmpi eq, %iota3A, %eq3A_316 : vector<64x40xi32>
    %jit3A_318 = arith.constant 0.000000e+00 : f32
    %broadcast_in_dim3A_319 = vector.broadcast %jit3A_318 : f32 to vector<64x40xf32>
    %select_n3A_320 = arith.select %eq3A_317, %slice3A_314, %broadcast_in_dim3A_319 : vector<64x40xi1>, vector<64x40xf32>
    %add3A_321 = arith.addf %add3A_313, %select_n3A_320 : vector<64x40xf32>
    %slice3A_322 = vector.extract_strided_slice %dot_general3A_5 {offsets = [0, 1600], sizes = [64, 40], strides = [1, 1]} : vector<64x2560xf32> to vector<64x40xf32>
    %eq3A_323 = arith.constant 40 : i32
    %eq3A_324 = vector.broadcast %eq3A_323 : i32 to vector<64x40xi32>
    %eq3A_325 = arith.cmpi eq, %iota3A, %eq3A_324 : vector<64x40xi32>
    %jit3A_326 = arith.constant 0.000000e+00 : f32
    %broadcast_in_dim3A_327 = vector.broadcast %jit3A_326 : f32 to vector<64x40xf32>
    %select_n3A_328 = arith.select %eq3A_325, %slice3A_322, %broadcast_in_dim3A_327 : vector<64x40xi1>, vector<64x40xf32>
    %add3A_329 = arith.addf %add3A_321, %select_n3A_328 : vector<64x40xf32>
    %slice3A_330 = vector.extract_strided_slice %dot_general3A_5 {offsets = [0, 1640], sizes = [64, 40], strides = [1, 1]} : vector<64x2560xf32> to vector<64x40xf32>
    %eq3A_331 = arith.constant 41 : i32
    %eq3A_332 = vector.broadcast %eq3A_331 : i32 to vector<64x40xi32>
    %eq3A_333 = arith.cmpi eq, %iota3A, %eq3A_332 : vector<64x40xi32>
    %jit3A_334 = arith.constant 0.000000e+00 : f32
    %broadcast_in_dim3A_335 = vector.broadcast %jit3A_334 : f32 to vector<64x40xf32>
    %select_n3A_336 = arith.select %eq3A_333, %slice3A_330, %broadcast_in_dim3A_335 : vector<64x40xi1>, vector<64x40xf32>
    %add3A_337 = arith.addf %add3A_329, %select_n3A_336 : vector<64x40xf32>
    %slice3A_338 = vector.extract_strided_slice %dot_general3A_5 {offsets = [0, 1680], sizes = [64, 40], strides = [1, 1]} : vector<64x2560xf32> to vector<64x40xf32>
    %eq3A_339 = arith.constant 42 : i32
    %eq3A_340 = vector.broadcast %eq3A_339 : i32 to vector<64x40xi32>
    %eq3A_341 = arith.cmpi eq, %iota3A, %eq3A_340 : vector<64x40xi32>
    %jit3A_342 = arith.constant 0.000000e+00 : f32
    %broadcast_in_dim3A_343 = vector.broadcast %jit3A_342 : f32 to vector<64x40xf32>
    %select_n3A_344 = arith.select %eq3A_341, %slice3A_338, %broadcast_in_dim3A_343 : vector<64x40xi1>, vector<64x40xf32>
    %add3A_345 = arith.addf %add3A_337, %select_n3A_344 : vector<64x40xf32>
    %slice3A_346 = vector.extract_strided_slice %dot_general3A_5 {offsets = [0, 1720], sizes = [64, 40], strides = [1, 1]} : vector<64x2560xf32> to vector<64x40xf32>
    %eq3A_347 = arith.constant 43 : i32
    %eq3A_348 = vector.broadcast %eq3A_347 : i32 to vector<64x40xi32>
    %eq3A_349 = arith.cmpi eq, %iota3A, %eq3A_348 : vector<64x40xi32>
    %jit3A_350 = arith.constant 0.000000e+00 : f32
    %broadcast_in_dim3A_351 = vector.broadcast %jit3A_350 : f32 to vector<64x40xf32>
    %select_n3A_352 = arith.select %eq3A_349, %slice3A_346, %broadcast_in_dim3A_351 : vector<64x40xi1>, vector<64x40xf32>
    %add3A_353 = arith.addf %add3A_345, %select_n3A_352 : vector<64x40xf32>
    %slice3A_354 = vector.extract_strided_slice %dot_general3A_5 {offsets = [0, 1760], sizes = [64, 40], strides = [1, 1]} : vector<64x2560xf32> to vector<64x40xf32>
    %eq3A_355 = arith.constant 44 : i32
    %eq3A_356 = vector.broadcast %eq3A_355 : i32 to vector<64x40xi32>
    %eq3A_357 = arith.cmpi eq, %iota3A, %eq3A_356 : vector<64x40xi32>
    %jit3A_358 = arith.constant 0.000000e+00 : f32
    %broadcast_in_dim3A_359 = vector.broadcast %jit3A_358 : f32 to vector<64x40xf32>
    %select_n3A_360 = arith.select %eq3A_357, %slice3A_354, %broadcast_in_dim3A_359 : vector<64x40xi1>, vector<64x40xf32>
    %add3A_361 = arith.addf %add3A_353, %select_n3A_360 : vector<64x40xf32>
    %slice3A_362 = vector.extract_strided_slice %dot_general3A_5 {offsets = [0, 1800], sizes = [64, 40], strides = [1, 1]} : vector<64x2560xf32> to vector<64x40xf32>
    %eq3A_363 = arith.constant 45 : i32
    %eq3A_364 = vector.broadcast %eq3A_363 : i32 to vector<64x40xi32>
    %eq3A_365 = arith.cmpi eq, %iota3A, %eq3A_364 : vector<64x40xi32>
    %jit3A_366 = arith.constant 0.000000e+00 : f32
    %broadcast_in_dim3A_367 = vector.broadcast %jit3A_366 : f32 to vector<64x40xf32>
    %select_n3A_368 = arith.select %eq3A_365, %slice3A_362, %broadcast_in_dim3A_367 : vector<64x40xi1>, vector<64x40xf32>
    %add3A_369 = arith.addf %add3A_361, %select_n3A_368 : vector<64x40xf32>
    %slice3A_370 = vector.extract_strided_slice %dot_general3A_5 {offsets = [0, 1840], sizes = [64, 40], strides = [1, 1]} : vector<64x2560xf32> to vector<64x40xf32>
    %eq3A_371 = arith.constant 46 : i32
    %eq3A_372 = vector.broadcast %eq3A_371 : i32 to vector<64x40xi32>
    %eq3A_373 = arith.cmpi eq, %iota3A, %eq3A_372 : vector<64x40xi32>
    %jit3A_374 = arith.constant 0.000000e+00 : f32
    %broadcast_in_dim3A_375 = vector.broadcast %jit3A_374 : f32 to vector<64x40xf32>
    %select_n3A_376 = arith.select %eq3A_373, %slice3A_370, %broadcast_in_dim3A_375 : vector<64x40xi1>, vector<64x40xf32>
    %add3A_377 = arith.addf %add3A_369, %select_n3A_376 : vector<64x40xf32>
    %slice3A_378 = vector.extract_strided_slice %dot_general3A_5 {offsets = [0, 1880], sizes = [64, 40], strides = [1, 1]} : vector<64x2560xf32> to vector<64x40xf32>
    %eq3A_379 = arith.constant 47 : i32
    %eq3A_380 = vector.broadcast %eq3A_379 : i32 to vector<64x40xi32>
    %eq3A_381 = arith.cmpi eq, %iota3A, %eq3A_380 : vector<64x40xi32>
    %jit3A_382 = arith.constant 0.000000e+00 : f32
    %broadcast_in_dim3A_383 = vector.broadcast %jit3A_382 : f32 to vector<64x40xf32>
    %select_n3A_384 = arith.select %eq3A_381, %slice3A_378, %broadcast_in_dim3A_383 : vector<64x40xi1>, vector<64x40xf32>
    %add3A_385 = arith.addf %add3A_377, %select_n3A_384 : vector<64x40xf32>
    %slice3A_386 = vector.extract_strided_slice %dot_general3A_5 {offsets = [0, 1920], sizes = [64, 40], strides = [1, 1]} : vector<64x2560xf32> to vector<64x40xf32>
    %eq3A_387 = arith.constant 48 : i32
    %eq3A_388 = vector.broadcast %eq3A_387 : i32 to vector<64x40xi32>
    %eq3A_389 = arith.cmpi eq, %iota3A, %eq3A_388 : vector<64x40xi32>
    %jit3A_390 = arith.constant 0.000000e+00 : f32
    %broadcast_in_dim3A_391 = vector.broadcast %jit3A_390 : f32 to vector<64x40xf32>
    %select_n3A_392 = arith.select %eq3A_389, %slice3A_386, %broadcast_in_dim3A_391 : vector<64x40xi1>, vector<64x40xf32>
    %add3A_393 = arith.addf %add3A_385, %select_n3A_392 : vector<64x40xf32>
    %slice3A_394 = vector.extract_strided_slice %dot_general3A_5 {offsets = [0, 1960], sizes = [64, 40], strides = [1, 1]} : vector<64x2560xf32> to vector<64x40xf32>
    %eq3A_395 = arith.constant 49 : i32
    %eq3A_396 = vector.broadcast %eq3A_395 : i32 to vector<64x40xi32>
    %eq3A_397 = arith.cmpi eq, %iota3A, %eq3A_396 : vector<64x40xi32>
    %jit3A_398 = arith.constant 0.000000e+00 : f32
    %broadcast_in_dim3A_399 = vector.broadcast %jit3A_398 : f32 to vector<64x40xf32>
    %select_n3A_400 = arith.select %eq3A_397, %slice3A_394, %broadcast_in_dim3A_399 : vector<64x40xi1>, vector<64x40xf32>
    %add3A_401 = arith.addf %add3A_393, %select_n3A_400 : vector<64x40xf32>
    %slice3A_402 = vector.extract_strided_slice %dot_general3A_5 {offsets = [0, 2000], sizes = [64, 40], strides = [1, 1]} : vector<64x2560xf32> to vector<64x40xf32>
    %eq3A_403 = arith.constant 50 : i32
    %eq3A_404 = vector.broadcast %eq3A_403 : i32 to vector<64x40xi32>
    %eq3A_405 = arith.cmpi eq, %iota3A, %eq3A_404 : vector<64x40xi32>
    %jit3A_406 = arith.constant 0.000000e+00 : f32
    %broadcast_in_dim3A_407 = vector.broadcast %jit3A_406 : f32 to vector<64x40xf32>
    %select_n3A_408 = arith.select %eq3A_405, %slice3A_402, %broadcast_in_dim3A_407 : vector<64x40xi1>, vector<64x40xf32>
    %add3A_409 = arith.addf %add3A_401, %select_n3A_408 : vector<64x40xf32>
    %slice3A_410 = vector.extract_strided_slice %dot_general3A_5 {offsets = [0, 2040], sizes = [64, 40], strides = [1, 1]} : vector<64x2560xf32> to vector<64x40xf32>
    %eq3A_411 = arith.constant 51 : i32
    %eq3A_412 = vector.broadcast %eq3A_411 : i32 to vector<64x40xi32>
    %eq3A_413 = arith.cmpi eq, %iota3A, %eq3A_412 : vector<64x40xi32>
    %jit3A_414 = arith.constant 0.000000e+00 : f32
    %broadcast_in_dim3A_415 = vector.broadcast %jit3A_414 : f32 to vector<64x40xf32>
    %select_n3A_416 = arith.select %eq3A_413, %slice3A_410, %broadcast_in_dim3A_415 : vector<64x40xi1>, vector<64x40xf32>
    %add3A_417 = arith.addf %add3A_409, %select_n3A_416 : vector<64x40xf32>
    %slice3A_418 = vector.extract_strided_slice %dot_general3A_5 {offsets = [0, 2080], sizes = [64, 40], strides = [1, 1]} : vector<64x2560xf32> to vector<64x40xf32>
    %eq3A_419 = arith.constant 52 : i32
    %eq3A_420 = vector.broadcast %eq3A_419 : i32 to vector<64x40xi32>
    %eq3A_421 = arith.cmpi eq, %iota3A, %eq3A_420 : vector<64x40xi32>
    %jit3A_422 = arith.constant 0.000000e+00 : f32
    %broadcast_in_dim3A_423 = vector.broadcast %jit3A_422 : f32 to vector<64x40xf32>
    %select_n3A_424 = arith.select %eq3A_421, %slice3A_418, %broadcast_in_dim3A_423 : vector<64x40xi1>, vector<64x40xf32>
    %add3A_425 = arith.addf %add3A_417, %select_n3A_424 : vector<64x40xf32>
    %slice3A_426 = vector.extract_strided_slice %dot_general3A_5 {offsets = [0, 2120], sizes = [64, 40], strides = [1, 1]} : vector<64x2560xf32> to vector<64x40xf32>
    %eq3A_427 = arith.constant 53 : i32
    %eq3A_428 = vector.broadcast %eq3A_427 : i32 to vector<64x40xi32>
    %eq3A_429 = arith.cmpi eq, %iota3A, %eq3A_428 : vector<64x40xi32>
    %jit3A_430 = arith.constant 0.000000e+00 : f32
    %broadcast_in_dim3A_431 = vector.broadcast %jit3A_430 : f32 to vector<64x40xf32>
    %select_n3A_432 = arith.select %eq3A_429, %slice3A_426, %broadcast_in_dim3A_431 : vector<64x40xi1>, vector<64x40xf32>
    %add3A_433 = arith.addf %add3A_425, %select_n3A_432 : vector<64x40xf32>
    %slice3A_434 = vector.extract_strided_slice %dot_general3A_5 {offsets = [0, 2160], sizes = [64, 40], strides = [1, 1]} : vector<64x2560xf32> to vector<64x40xf32>
    %eq3A_435 = arith.constant 54 : i32
    %eq3A_436 = vector.broadcast %eq3A_435 : i32 to vector<64x40xi32>
    %eq3A_437 = arith.cmpi eq, %iota3A, %eq3A_436 : vector<64x40xi32>
    %jit3A_438 = arith.constant 0.000000e+00 : f32
    %broadcast_in_dim3A_439 = vector.broadcast %jit3A_438 : f32 to vector<64x40xf32>
    %select_n3A_440 = arith.select %eq3A_437, %slice3A_434, %broadcast_in_dim3A_439 : vector<64x40xi1>, vector<64x40xf32>
    %add3A_441 = arith.addf %add3A_433, %select_n3A_440 : vector<64x40xf32>
    %slice3A_442 = vector.extract_strided_slice %dot_general3A_5 {offsets = [0, 2200], sizes = [64, 40], strides = [1, 1]} : vector<64x2560xf32> to vector<64x40xf32>
    %eq3A_443 = arith.constant 55 : i32
    %eq3A_444 = vector.broadcast %eq3A_443 : i32 to vector<64x40xi32>
    %eq3A_445 = arith.cmpi eq, %iota3A, %eq3A_444 : vector<64x40xi32>
    %jit3A_446 = arith.constant 0.000000e+00 : f32
    %broadcast_in_dim3A_447 = vector.broadcast %jit3A_446 : f32 to vector<64x40xf32>
    %select_n3A_448 = arith.select %eq3A_445, %slice3A_442, %broadcast_in_dim3A_447 : vector<64x40xi1>, vector<64x40xf32>
    %add3A_449 = arith.addf %add3A_441, %select_n3A_448 : vector<64x40xf32>
    %slice3A_450 = vector.extract_strided_slice %dot_general3A_5 {offsets = [0, 2240], sizes = [64, 40], strides = [1, 1]} : vector<64x2560xf32> to vector<64x40xf32>
    %eq3A_451 = arith.constant 56 : i32
    %eq3A_452 = vector.broadcast %eq3A_451 : i32 to vector<64x40xi32>
    %eq3A_453 = arith.cmpi eq, %iota3A, %eq3A_452 : vector<64x40xi32>
    %jit3A_454 = arith.constant 0.000000e+00 : f32
    %broadcast_in_dim3A_455 = vector.broadcast %jit3A_454 : f32 to vector<64x40xf32>
    %select_n3A_456 = arith.select %eq3A_453, %slice3A_450, %broadcast_in_dim3A_455 : vector<64x40xi1>, vector<64x40xf32>
    %add3A_457 = arith.addf %add3A_449, %select_n3A_456 : vector<64x40xf32>
    %slice3A_458 = vector.extract_strided_slice %dot_general3A_5 {offsets = [0, 2280], sizes = [64, 40], strides = [1, 1]} : vector<64x2560xf32> to vector<64x40xf32>
    %eq3A_459 = arith.constant 57 : i32
    %eq3A_460 = vector.broadcast %eq3A_459 : i32 to vector<64x40xi32>
    %eq3A_461 = arith.cmpi eq, %iota3A, %eq3A_460 : vector<64x40xi32>
    %jit3A_462 = arith.constant 0.000000e+00 : f32
    %broadcast_in_dim3A_463 = vector.broadcast %jit3A_462 : f32 to vector<64x40xf32>
    %select_n3A_464 = arith.select %eq3A_461, %slice3A_458, %broadcast_in_dim3A_463 : vector<64x40xi1>, vector<64x40xf32>
    %add3A_465 = arith.addf %add3A_457, %select_n3A_464 : vector<64x40xf32>
    %slice3A_466 = vector.extract_strided_slice %dot_general3A_5 {offsets = [0, 2320], sizes = [64, 40], strides = [1, 1]} : vector<64x2560xf32> to vector<64x40xf32>
    %eq3A_467 = arith.constant 58 : i32
    %eq3A_468 = vector.broadcast %eq3A_467 : i32 to vector<64x40xi32>
    %eq3A_469 = arith.cmpi eq, %iota3A, %eq3A_468 : vector<64x40xi32>
    %jit3A_470 = arith.constant 0.000000e+00 : f32
    %broadcast_in_dim3A_471 = vector.broadcast %jit3A_470 : f32 to vector<64x40xf32>
    %select_n3A_472 = arith.select %eq3A_469, %slice3A_466, %broadcast_in_dim3A_471 : vector<64x40xi1>, vector<64x40xf32>
    %add3A_473 = arith.addf %add3A_465, %select_n3A_472 : vector<64x40xf32>
    %slice3A_474 = vector.extract_strided_slice %dot_general3A_5 {offsets = [0, 2360], sizes = [64, 40], strides = [1, 1]} : vector<64x2560xf32> to vector<64x40xf32>
    %eq3A_475 = arith.constant 59 : i32
    %eq3A_476 = vector.broadcast %eq3A_475 : i32 to vector<64x40xi32>
    %eq3A_477 = arith.cmpi eq, %iota3A, %eq3A_476 : vector<64x40xi32>
    %jit3A_478 = arith.constant 0.000000e+00 : f32
    %broadcast_in_dim3A_479 = vector.broadcast %jit3A_478 : f32 to vector<64x40xf32>
    %select_n3A_480 = arith.select %eq3A_477, %slice3A_474, %broadcast_in_dim3A_479 : vector<64x40xi1>, vector<64x40xf32>
    %add3A_481 = arith.addf %add3A_473, %select_n3A_480 : vector<64x40xf32>
    %slice3A_482 = vector.extract_strided_slice %dot_general3A_5 {offsets = [0, 2400], sizes = [64, 40], strides = [1, 1]} : vector<64x2560xf32> to vector<64x40xf32>
    %eq3A_483 = arith.constant 60 : i32
    %eq3A_484 = vector.broadcast %eq3A_483 : i32 to vector<64x40xi32>
    %eq3A_485 = arith.cmpi eq, %iota3A, %eq3A_484 : vector<64x40xi32>
    %jit3A_486 = arith.constant 0.000000e+00 : f32
    %broadcast_in_dim3A_487 = vector.broadcast %jit3A_486 : f32 to vector<64x40xf32>
    %select_n3A_488 = arith.select %eq3A_485, %slice3A_482, %broadcast_in_dim3A_487 : vector<64x40xi1>, vector<64x40xf32>
    %add3A_489 = arith.addf %add3A_481, %select_n3A_488 : vector<64x40xf32>
    %slice3A_490 = vector.extract_strided_slice %dot_general3A_5 {offsets = [0, 2440], sizes = [64, 40], strides = [1, 1]} : vector<64x2560xf32> to vector<64x40xf32>
    %eq3A_491 = arith.constant 61 : i32
    %eq3A_492 = vector.broadcast %eq3A_491 : i32 to vector<64x40xi32>
    %eq3A_493 = arith.cmpi eq, %iota3A, %eq3A_492 : vector<64x40xi32>
    %jit3A_494 = arith.constant 0.000000e+00 : f32
    %broadcast_in_dim3A_495 = vector.broadcast %jit3A_494 : f32 to vector<64x40xf32>
    %select_n3A_496 = arith.select %eq3A_493, %slice3A_490, %broadcast_in_dim3A_495 : vector<64x40xi1>, vector<64x40xf32>
    %add3A_497 = arith.addf %add3A_489, %select_n3A_496 : vector<64x40xf32>
    %slice3A_498 = vector.extract_strided_slice %dot_general3A_5 {offsets = [0, 2480], sizes = [64, 40], strides = [1, 1]} : vector<64x2560xf32> to vector<64x40xf32>
    %eq3A_499 = arith.constant 62 : i32
    %eq3A_500 = vector.broadcast %eq3A_499 : i32 to vector<64x40xi32>
    %eq3A_501 = arith.cmpi eq, %iota3A, %eq3A_500 : vector<64x40xi32>
    %jit3A_502 = arith.constant 0.000000e+00 : f32
    %broadcast_in_dim3A_503 = vector.broadcast %jit3A_502 : f32 to vector<64x40xf32>
    %select_n3A_504 = arith.select %eq3A_501, %slice3A_498, %broadcast_in_dim3A_503 : vector<64x40xi1>, vector<64x40xf32>
    %add3A_505 = arith.addf %add3A_497, %select_n3A_504 : vector<64x40xf32>
    %slice3A_506 = vector.extract_strided_slice %dot_general3A_5 {offsets = [0, 2520], sizes = [64, 40], strides = [1, 1]} : vector<64x2560xf32> to vector<64x40xf32>
    %eq3A_507 = arith.constant 63 : i32
    %eq3A_508 = vector.broadcast %eq3A_507 : i32 to vector<64x40xi32>
    %eq3A_509 = arith.cmpi eq, %iota3A, %eq3A_508 : vector<64x40xi32>
    %jit3A_510 = arith.constant 0.000000e+00 : f32
    %broadcast_in_dim3A_511 = vector.broadcast %jit3A_510 : f32 to vector<64x40xf32>
    %select_n3A_512 = arith.select %eq3A_509, %slice3A_506, %broadcast_in_dim3A_511 : vector<64x40xi1>, vector<64x40xf32>
    %add3A_513 = arith.addf %add3A_505, %select_n3A_512 : vector<64x40xf32>
    %get3A_514 = arith.constant 0 : index
    %get3A_515 = arith.constant 0 : index
    %get3A_516 = vector.load %arg3[%get3A_514, %get3A_515] : memref<64x40xi32, #tpu.memory_space<vmem>>, vector<64x40xi32>
    %shift_right_logical3A = arith.constant 11 : i32
    %shift_right_logical3A_517 = vector.broadcast %shift_right_logical3A : i32 to vector<64x40xi32>
    %shift_right_logical3A_518 = arith.shrui %get3A_516, %shift_right_logical3A_517 : vector<64x40xi32>
    %mul3A = arith.constant 2048 : i32
    %mul3A_519 = vector.broadcast %mul3A : i32 to vector<64x40xi32>
    %mul3A_520 = arith.muli %shift_right_logical3A_518, %mul3A_519 : vector<64x40xi32>
    %and3A = arith.constant 255 : i32
    %and3A_521 = vector.broadcast %and3A : i32 to vector<64x40xi32>
    %and3A_522 = arith.andi %get3A_516, %and3A_521 : vector<64x40xi32>
    %shift_left3A = arith.constant 3 : i32
    %shift_left3A_523 = vector.broadcast %shift_left3A : i32 to vector<64x40xi32>
    %shift_left3A_524 = arith.shli %and3A_522, %shift_left3A_523 : vector<64x40xi32>
    %or3A = arith.ori %mul3A_520, %shift_left3A_524 : vector<64x40xi32>
    %shift_right_logical3A_525 = arith.constant 8 : i32
    %shift_right_logical3A_526 = vector.broadcast %shift_right_logical3A_525 : i32 to vector<64x40xi32>
    %shift_right_logical3A_527 = arith.shrui %get3A_516, %shift_right_logical3A_526 : vector<64x40xi32>
    %and3A_528 = arith.constant 7 : i32
    %and3A_529 = vector.broadcast %and3A_528 : i32 to vector<64x40xi32>
    %and3A_530 = arith.andi %shift_right_logical3A_527, %and3A_529 : vector<64x40xi32>
    %or3A_531 = arith.ori %or3A, %and3A_530 : vector<64x40xi32>
    %reduce_max3A = arith.constant dense<0xFF800000> : vector<64xf32>
    %reduce_max3A_532 = vector.multi_reduction <maximumf>, %add3A_513, %reduce_max3A [1] : vector<64x40xf32> to vector<64xf32>
    %broadcast_in_dim3A_533 = vector.shape_cast %reduce_max3A_532 : vector<64xf32> to vector<64x1xf32>
    %eq3A_534 = vector.broadcast %broadcast_in_dim3A_533 : vector<64x1xf32> to vector<64x40xf32>
    %eq3A_535 = arith.cmpf oeq, %add3A_513, %eq3A_534 : vector<64x40xf32>
    %jit3A_536 = arith.constant 2147483647 : i32
    %broadcast_in_dim3A_537 = vector.broadcast %jit3A_536 : i32 to vector<64x40xi32>
    %select_n3A_538 = arith.select %eq3A_535, %or3A_531, %broadcast_in_dim3A_537 : vector<64x40xi1>, vector<64x40xi32>
    %reduce_min3A = arith.constant dense<2147483647> : vector<64xi32>
    %reduce_min3A_539 = vector.multi_reduction <minsi>, %select_n3A_538, %reduce_min3A [1] : vector<64x40xi32> to vector<64xi32>
    %swap3A = arith.constant 0 : index
    %swap3A_540 = arith.constant 0 : index
    %swap3A_541 = vector.load %arg4[%swap3A, %swap3A_540] : memref<64x5xi32, #tpu.memory_space<vmem>>, vector<64x1xi32>
    %swap3A_542 = vector.shape_cast %swap3A_541 : vector<64x1xi32> to vector<64xi32>
    %swap3A_543 = vector.shape_cast %reduce_min3A_539 : vector<64xi32> to vector<64x1xi32>
    tpu.vector_store %arg4[%swap3A, %swap3A_540], %swap3A_543 {strides = array<i32>} : memref<64x5xi32, #tpu.memory_space<vmem>>, vector<64x1xi32>,
    %broadcast_in_dim3A_544 = vector.shape_cast %reduce_min3A_539 : vector<64xi32> to vector<64x1xi32>
    %eq3A_545 = vector.broadcast %broadcast_in_dim3A_544 : vector<64x1xi32> to vector<64x40xi32>
    %eq3A_546 = arith.cmpi eq, %select_n3A_538, %eq3A_545 : vector<64x40xi32>
    %jit3A_547 = arith.constant 0xFF800000 : f32
    %broadcast_in_dim3A_548 = vector.broadcast %jit3A_547 : f32 to vector<64x40xf32>
    %select_n3A_549 = arith.select %eq3A_546, %broadcast_in_dim3A_548, %add3A_513 : vector<64x40xi1>, vector<64x40xf32>
    %reduce_max3A_550 = arith.constant dense<0xFF800000> : vector<64xf32>
    %reduce_max3A_551 = vector.multi_reduction <maximumf>, %select_n3A_549, %reduce_max3A_550 [1] : vector<64x40xf32> to vector<64xf32>
    %broadcast_in_dim3A_552 = vector.shape_cast %reduce_max3A_551 : vector<64xf32> to vector<64x1xf32>
    %eq3A_553 = vector.broadcast %broadcast_in_dim3A_552 : vector<64x1xf32> to vector<64x40xf32>
    %eq3A_554 = arith.cmpf oeq, %select_n3A_549, %eq3A_553 : vector<64x40xf32>
    %jit3A_555 = arith.constant 2147483647 : i32
    %broadcast_in_dim3A_556 = vector.broadcast %jit3A_555 : i32 to vector<64x40xi32>
    %select_n3A_557 = arith.select %eq3A_554, %or3A_531, %broadcast_in_dim3A_556 : vector<64x40xi1>, vector<64x40xi32>
    %reduce_min3A_558 = arith.constant dense<2147483647> : vector<64xi32>
    %reduce_min3A_559 = vector.multi_reduction <minsi>, %select_n3A_557, %reduce_min3A_558 [1] : vector<64x40xi32> to vector<64xi32>
    %swap3A_560 = arith.constant 0 : index
    %swap3A_561 = arith.constant 1 : index
    %swap3A_562 = vector.load %arg4[%swap3A_560, %swap3A_561] : memref<64x5xi32, #tpu.memory_space<vmem>>, vector<64x1xi32>
    %swap3A_563 = vector.shape_cast %swap3A_562 : vector<64x1xi32> to vector<64xi32>
    %swap3A_564 = vector.shape_cast %reduce_min3A_559 : vector<64xi32> to vector<64x1xi32>
    tpu.vector_store %arg4[%swap3A_560, %swap3A_561], %swap3A_564 {strides = array<i32>} : memref<64x5xi32, #tpu.memory_space<vmem>>, vector<64x1xi32>,
    %broadcast_in_dim3A_565 = vector.shape_cast %reduce_min3A_559 : vector<64xi32> to vector<64x1xi32>
    %eq3A_566 = vector.broadcast %broadcast_in_dim3A_565 : vector<64x1xi32> to vector<64x40xi32>
    %eq3A_567 = arith.cmpi eq, %select_n3A_557, %eq3A_566 : vector<64x40xi32>
    %jit3A_568 = arith.constant 0xFF800000 : f32
    %broadcast_in_dim3A_569 = vector.broadcast %jit3A_568 : f32 to vector<64x40xf32>
    %select_n3A_570 = arith.select %eq3A_567, %broadcast_in_dim3A_569, %select_n3A_549 : vector<64x40xi1>, vector<64x40xf32>
    %reduce_max3A_571 = arith.constant dense<0xFF800000> : vector<64xf32>
    %reduce_max3A_572 = vector.multi_reduction <maximumf>, %select_n3A_570, %reduce_max3A_571 [1] : vector<64x40xf32> to vector<64xf32>
    %broadcast_in_dim3A_573 = vector.shape_cast %reduce_max3A_572 : vector<64xf32> to vector<64x1xf32>
    %eq3A_574 = vector.broadcast %broadcast_in_dim3A_573 : vector<64x1xf32> to vector<64x40xf32>
    %eq3A_575 = arith.cmpf oeq, %select_n3A_570, %eq3A_574 : vector<64x40xf32>
    %jit3A_576 = arith.constant 2147483647 : i32
    %broadcast_in_dim3A_577 = vector.broadcast %jit3A_576 : i32 to vector<64x40xi32>
    %select_n3A_578 = arith.select %eq3A_575, %or3A_531, %broadcast_in_dim3A_577 : vector<64x40xi1>, vector<64x40xi32>
    %reduce_min3A_579 = arith.constant dense<2147483647> : vector<64xi32>
    %reduce_min3A_580 = vector.multi_reduction <minsi>, %select_n3A_578, %reduce_min3A_579 [1] : vector<64x40xi32> to vector<64xi32>
    %swap3A_581 = arith.constant 0 : index
    %swap3A_582 = arith.constant 2 : index
    %swap3A_583 = vector.load %arg4[%swap3A_581, %swap3A_582] : memref<64x5xi32, #tpu.memory_space<vmem>>, vector<64x1xi32>
    %swap3A_584 = vector.shape_cast %swap3A_583 : vector<64x1xi32> to vector<64xi32>
    %swap3A_585 = vector.shape_cast %reduce_min3A_580 : vector<64xi32> to vector<64x1xi32>
    tpu.vector_store %arg4[%swap3A_581, %swap3A_582], %swap3A_585 {strides = array<i32>} : memref<64x5xi32, #tpu.memory_space<vmem>>, vector<64x1xi32>,
    %broadcast_in_dim3A_586 = vector.shape_cast %reduce_min3A_580 : vector<64xi32> to vector<64x1xi32>
    %eq3A_587 = vector.broadcast %broadcast_in_dim3A_586 : vector<64x1xi32> to vector<64x40xi32>
    %eq3A_588 = arith.cmpi eq, %select_n3A_578, %eq3A_587 : vector<64x40xi32>
    %jit3A_589 = arith.constant 0xFF800000 : f32
    %broadcast_in_dim3A_590 = vector.broadcast %jit3A_589 : f32 to vector<64x40xf32>
    %select_n3A_591 = arith.select %eq3A_588, %broadcast_in_dim3A_590, %select_n3A_570 : vector<64x40xi1>, vector<64x40xf32>
    %reduce_max3A_592 = arith.constant dense<0xFF800000> : vector<64xf32>
    %reduce_max3A_593 = vector.multi_reduction <maximumf>, %select_n3A_591, %reduce_max3A_592 [1] : vector<64x40xf32> to vector<64xf32>
    %broadcast_in_dim3A_594 = vector.shape_cast %reduce_max3A_593 : vector<64xf32> to vector<64x1xf32>
    %eq3A_595 = vector.broadcast %broadcast_in_dim3A_594 : vector<64x1xf32> to vector<64x40xf32>
    %eq3A_596 = arith.cmpf oeq, %select_n3A_591, %eq3A_595 : vector<64x40xf32>
    %jit3A_597 = arith.constant 2147483647 : i32
    %broadcast_in_dim3A_598 = vector.broadcast %jit3A_597 : i32 to vector<64x40xi32>
    %select_n3A_599 = arith.select %eq3A_596, %or3A_531, %broadcast_in_dim3A_598 : vector<64x40xi1>, vector<64x40xi32>
    %reduce_min3A_600 = arith.constant dense<2147483647> : vector<64xi32>
    %reduce_min3A_601 = vector.multi_reduction <minsi>, %select_n3A_599, %reduce_min3A_600 [1] : vector<64x40xi32> to vector<64xi32>
    %swap3A_602 = arith.constant 0 : index
    %swap3A_603 = arith.constant 3 : index
    %swap3A_604 = vector.load %arg4[%swap3A_602, %swap3A_603] : memref<64x5xi32, #tpu.memory_space<vmem>>, vector<64x1xi32>
    %swap3A_605 = vector.shape_cast %swap3A_604 : vector<64x1xi32> to vector<64xi32>
    %swap3A_606 = vector.shape_cast %reduce_min3A_601 : vector<64xi32> to vector<64x1xi32>
    tpu.vector_store %arg4[%swap3A_602, %swap3A_603], %swap3A_606 {strides = array<i32>} : memref<64x5xi32, #tpu.memory_space<vmem>>, vector<64x1xi32>,
    %broadcast_in_dim3A_607 = vector.shape_cast %reduce_min3A_601 : vector<64xi32> to vector<64x1xi32>
    %eq3A_608 = vector.broadcast %broadcast_in_dim3A_607 : vector<64x1xi32> to vector<64x40xi32>
    %eq3A_609 = arith.cmpi eq, %select_n3A_599, %eq3A_608 : vector<64x40xi32>
    %jit3A_610 = arith.constant 0xFF800000 : f32
    %broadcast_in_dim3A_611 = vector.broadcast %jit3A_610 : f32 to vector<64x40xf32>
    %select_n3A_612 = arith.select %eq3A_609, %broadcast_in_dim3A_611, %select_n3A_591 : vector<64x40xi1>, vector<64x40xf32>
    %reduce_max3A_613 = arith.constant dense<0xFF800000> : vector<64xf32>
    %reduce_max3A_614 = vector.multi_reduction <maximumf>, %select_n3A_612, %reduce_max3A_613 [1] : vector<64x40xf32> to vector<64xf32>
    %broadcast_in_dim3A_615 = vector.shape_cast %reduce_max3A_614 : vector<64xf32> to vector<64x1xf32>
    %eq3A_616 = vector.broadcast %broadcast_in_dim3A_615 : vector<64x1xf32> to vector<64x40xf32>
    %eq3A_617 = arith.cmpf oeq, %select_n3A_612, %eq3A_616 : vector<64x40xf32>
    %jit3A_618 = arith.constant 2147483647 : i32
    %broadcast_in_dim3A_619 = vector.broadcast %jit3A_618 : i32 to vector<64x40xi32>
    %select_n3A_620 = arith.select %eq3A_617, %or3A_531, %broadcast_in_dim3A_619 : vector<64x40xi1>, vector<64x40xi32>
    %reduce_min3A_621 = arith.constant dense<2147483647> : vector<64xi32>
    %reduce_min3A_622 = vector.multi_reduction <minsi>, %select_n3A_620, %reduce_min3A_621 [1] : vector<64x40xi32> to vector<64xi32>
    %swap3A_623 = arith.constant 0 : index
    %swap3A_624 = arith.constant 4 : index
    %swap3A_625 = vector.load %arg4[%swap3A_623, %swap3A_624] : memref<64x5xi32, #tpu.memory_space<vmem>>, vector<64x1xi32>
    %swap3A_626 = vector.shape_cast %swap3A_625 : vector<64x1xi32> to vector<64xi32>
    %swap3A_627 = vector.shape_cast %reduce_min3A_622 : vector<64xi32> to vector<64x1xi32>
    tpu.vector_store %arg4[%swap3A_623, %swap3A_624], %swap3A_627 {strides = array<i32>} : memref<64x5xi32, #tpu.memory_space<vmem>>, vector<64x1xi32>,
    return
  }
  func.func @transform_0(%arg0: i32) -> (i32, i32) {
    %c0_i32 = arith.constant 0 : i32
    %c0_i32_0 = arith.constant 0 : i32
    return %arg0, %c0_i32 : i32, i32
  }
  func.func @transform_1(%arg0: i32) -> (i32, i32) {
    %c0_i32 = arith.constant 0 : i32
    %c0_i32_0 = arith.constant 0 : i32
    return %arg0, %c0_i32 : i32, i32
  }
  func.func @transform_2(%arg0: i32) -> (i32, i32) {
    %c0_i32 = arith.constant 0 : i32
    %c0_i32_0 = arith.constant 0 : i32
    return %arg0, %c0_i32 : i32, i32
  }
  func.func @transform_3(%arg0: i32) -> (i32, i32) {
    %c0_i32 = arith.constant 0 : i32
    %c0_i32_0 = arith.constant 0 : i32
    return %arg0, %c0_i32 : i32, i32
  }
}

</mosaic_0001>

<sc_bundles>
// kernel: kernel.6.cloned.1.call-start
scs
__scs_entry_jumppad:
0x0: {  	(pc) =	sbr.rel $0x88, $3  }
0x1: {  	(tag) =	ssettag $0x0;
	lr =	simm.s32 $0x1  }
0x2: {  	[smem:$0x3F9E] =	sst lr;
	_ =	strace $0xD0000000  }
0x3: {  	_ = 	snop  }
0x4: {  	_ = 	snop  }
0x5: {  	_ = 	snop  }
0x6: {  	_ = 	snop  }
0x7: {  	_ = 	snop  }
__scs_overlays_trampoline_lowered:
0x8: {  	[smem:$0x3FAD] =	sst s0  }
0x9: {  	[smem:$0x3FAE] =	sst s1  }
0xa: {  	[smem:$0x3FAF] =	sst s2  }
0xb: {  	[smem:$0x3FB0] =	sst s3  }
0xc: {  	[smem:$0x3FB1] =	sst s4  }
0xd: {  	[smem:$0x3FB2] =	sst s5  }
0xe: {  	[smem:$0x3FB3] =	sst s6  }
0xf: {  	[smem:$0x3FB4] =	sst s7  }
0x10: {  	[smem:$0x3FB5] =	sst s8  }
0x11: {  	[smem:$0x3FB6] =	sst s9;
	s0 =	simm.s32 @!p0 $0x0  }
0x12: {  	s1 =	sld [smem:$0x3F9C];
	s0 =	simm.s32 @p0 $0x1  }
0x13: {  	[smem:$0x3FB7] =	sst s0;
	s0 =	simm.s32 @!p1 $0x0  }
0x14: {  	s2 =	sld [smem:$0x3F9B];
	s0 =	simm.s32 @p1 $0x1  }
0x15: {  	[smem:$0x3FB8] =	sst s0;
	s0 =	simm.s32 @!p2 $0x0  }
0x16: {  	s3 =	sld [smem:$0x3FDB];
	s0 =	simm.s32 @p2 $0x1  }
0x17: {  	s4 =	simm.s32 $0x1BF5;
	[smem:$0x3FBA] =	sst s0  }
0x18: {  	s0 =	sld [smem:$0x3F9D];
	_ =	swait.ge [sflag:s4], $0x0  }
0x19: {  	s7 =	sld [smem:$0x3F9E]  }
0x1a: {  	s8 =	sadd.s32 $0xFFFFE003, lr  }
0x1b: {  	s9 =	sadd.s32 $0xFFFFFEF7, lr;
	s5 =	simm.s32 $0xFFFFFFFF;
	p2 =	slt.u32 s8, $0xFFFFF086  }
0x1c: {  	p1 =	slt.u32 s9, $0xF7A;
	s5 =	simm.s32 @!p2 $0x0  }
0x1d: {  	s5 =	simm.s32 @p1 $0x1;
	p0 =	seq.s32 s7, s2  }
0x1e: {  	s7 =	smul.u32 @!p0 $0xF7A, s2;
	p2 =	seq.s32 @!p0 s5, $0x0  }
0x1f: {  	s9 =	smul.u32 $0xF7A, s1;
	s8 =	simm.s32 @!p0 $0x1BF5;
	p2 =	por !p2, p0  }
0x20: {  	[sflag:s8] =	ssyncset.s32 @!p0 $0xFFFFF086;
	s6 =	sadd.s32 @!p0 s3, s7;
	s7 =	simm.s32 @!p0 $0x108  }
0x21: {  	s3 =	sadd.s32 s3, s9;
	s6 =	sadd.s32 @!p0 $0x88, s6;
	s7 =	simm.s32 @p2 $0x1082  }
0x22: {  	[simem:s7], [sflag:s8] =	dma.local @!p0 [hbm:s6], $0xF7A  }
0x23: {  	s9 =	sor.u32 $0xD0000000, s2;
	s6 =	simm.s32 $0x108;
	_ =	swait.ge @!p0 [sflag:s8], $0x0  }
0x24: {  	s3 =	sadd.s32 $0x88, s3;
	s6 =	simm.s32 @!p1 $0x1082;
	[sflag:s4] =	ssyncset.s32 $0xFFFFF086  }
0x25: {  	[simem:s6], [sflag:s4] =	dma.local [hbm:s3], $0xF7A  }
0x26: {  	[smem:$0x3F9E] =	sst s1;
	(tag) =	ssettag s2;
	_ =	strace s9  }
0x27: {  	s1 =	sld [smem:$0x3FAE]  }
0x28: {  	s2 =	sld [smem:$0x3FAF]  }
0x29: {  	s4 =	sld [smem:$0x3FB1]  }
0x2a: {  	p0 =	seq.s32 s5, $0x0;
	s5 =	sld [smem:$0x3FB2]  }
0x2b: {  	s6 =	sld [smem:$0x3FB3]  }
0x2c: {  	s7 =	sld [smem:$0x3FB4]  }
0x2d: {  	s3 =	simm.s32 $0x108;
	s8 =	sld [smem:$0x3FB5]  }
0x2e: {  	s3 =	simm.s32 @!p0 $0x1082;
	s9 =	sld [smem:$0x3FB6]  }
0x2f: {  	lr =	sadd.s32 s0, s3;
	s0 =	sld [smem:$0x3FAD]  }
0x30: {  	s3 =	sld [smem:$0x3FB0]  }
0x31: {  	[smem:$0x3FB9] =	sst s10  }
0x32: {  	s10 =	sld [smem:$0x3FB7];
	_ =	sdelay $0x3  }
0x33: {  	p0 =	seq.s32 s10, $0x1;
	s10 =	sld [smem:$0x3FB9];
	_ =	sdelay $0x3  }
0x34: {  	[smem:$0x3FB9] =	sst s10  }
0x35: {  	s10 =	sld [smem:$0x3FB8];
	_ =	sdelay $0x3  }
0x36: {  	p1 =	seq.s32 s10, $0x1;
	s10 =	sld [smem:$0x3FB9];
	_ =	sdelay $0x3  }
0x37: {  	[smem:$0x3FB9] =	sst s10  }
0x38: {  	s10 =	sld [smem:$0x3FBA]  }
0x39: {  	_ = 	snop;
	(pc) =	sbr.ind lr, $3  }
0x3a: {  	_ = 	snop  }
0x3b: {  	_ = 	snop  }
0x3c: {  	p2 =	seq.s32 s10, $0x1;
	s10 =	sld [smem:$0x3FB9]  }
0x3d: {  	_ =	shalt  }
0x3e: {  	_ =	shalt  }
0x3f: {  	_ =	shalt  }
0x40: {  	_ =	shalt  }
0x41: {  	_ =	shalt  }
0x42: {  	_ =	shalt  }
0x43: {  	_ =	shalt  }
0x44: {  	_ =	shalt  }
0x45: {  	_ =	shalt  }
0x46: {  	_ =	shalt  }
0x47: {  	_ =	shalt  }
0x48: {  	_ =	shalt  }
0x49: {  	_ =	shalt  }
0x4a: {  	_ =	shalt  }
0x4b: {  	_ =	shalt  }
0x4c: {  	_ =	shalt  }
0x4d: {  	_ =	shalt  }
0x4e: {  	_ =	shalt  }
0x4f: {  	_ =	shalt  }
0x50: {  	_ =	shalt  }
0x51: {  	_ =	shalt  }
0x52: {  	_ =	shalt  }
0x53: {  	_ =	shalt  }
0x54: {  	_ =	shalt  }
0x55: {  	_ =	shalt  }
0x56: {  	_ =	shalt  }
0x57: {  	_ =	shalt  }
0x58: {  	_ =	shalt  }
0x59: {  	_ =	shalt  }
0x5a: {  	_ =	shalt  }
0x5b: {  	_ =	shalt  }
0x5c: {  	_ =	shalt  }
0x5d: {  	_ =	shalt  }
0x5e: {  	_ =	shalt  }
0x5f: {  	_ =	shalt  }
0x60: {  	_ =	shalt  }
0x61: {  	_ =	shalt  }
0x62: {  	_ =	shalt  }
0x63: {  	_ =	shalt  }
0x64: {  	_ =	shalt  }
0x65: {  	_ =	shalt  }
0x66: {  	_ =	shalt  }
0x67: {  	_ =	shalt  }
0x68: {  	_ =	shalt  }
0x69: {  	_ =	shalt  }
0x6a: {  	_ =	shalt  }
0x6b: {  	_ =	shalt  }
0x6c: {  	_ =	shalt  }
0x6d: {  	_ =	shalt  }
0x6e: {  	_ =	shalt  }
0x6f: {  	_ =	shalt  }
0x70: {  	_ =	shalt  }
0x71: {  	_ =	shalt  }
0x72: {  	_ =	shalt  }
0x73: {  	_ =	shalt  }
0x74: {  	_ =	shalt  }
0x75: {  	_ =	shalt  }
0x76: {  	_ =	shalt  }
0x77: {  	_ =	shalt  }
0x78: {  	_ =	shalt  }
0x79: {  	_ =	shalt  }
0x7a: {  	_ =	shalt  }
0x7b: {  	_ =	shalt  }
0x7c: {  	_ =	shalt  }
0x7d: {  	_ =	shalt  }
0x7e: {  	_ =	shalt  }
0x7f: {  	_ =	shalt  }
0x80: {  	_ =	shalt  }
0x81: {  	_ =	shalt  }
0x82: {  	_ =	shalt  }
0x83: {  	_ =	shalt  }
0x84: {  	_ =	shalt  }
0x85: {  	_ =	shalt  }
0x86: {  	_ =	shalt  }
0x87: {  	_ =	shalt  }
.Lfunc_end0:
.L_simem_size_0:
called_computation.1_lowered:
.L_overlay_start_0:
0x88: {  	s2 =	sld [smem:$0x3FD9]  }
0x89: {  	s3 =	sld [smem:$0x3FFE];
	_ =	sdelay $0x1  }
0x8a: {  	s1 =	srdreg.scid  }
0x8b: {  	s0 =	sand.u32 $0x1, s1  }
0x8c: {  	s16 =	sshll.u32 s0, $0xA;
	s2 =	sadd.s32 s3, s2  }
0x8d: {  	s2 =	sadd.s32 s2, s16  }
0x8e: {  	[smem:$0x3FC5] =	sst s2  }
0x8f: {  	_ = 	snop  }
0x90: {  	(tm) =	ssettm $0x1  }
0x91: {  	s17 =	sld [smem:$0x3FFB];
	_ =	sdelay $0x3  }
0x92: {  	_ =	strace s17  }
0x93: {  	s2 =	sld [smem:$0x3FFC];
	_ =	sdelay $0x3  }
0x94: {  	_ =	strace s2  }
0x95: {  	s2 =	sld [smem:$0x3FFD];
	_ =	sdelay $0x3  }
0x96: {  	_ =	strace s2  }
0x97: {  	_ =	strace $0x8FFFFFFF  }
0x98: {  	s18 =	sld [smem:$0x3FDB];
	_ =	sdelay $0x1  }
0x99: {  	s19 =	simm.s32 $_scs_section_size  }
0x9a: {  	s4 =	simm.s32 $_size__tile_overlayer_lowered;
	s5 =	simm.s32 $_tile_overlayer_lowered  }
0x9b: {  	s22 =	simm.s32 $0x1BFF;
	s21 =	sshll.u32 s5, $0x1;
	s2 =	sadd.s32 s19, s18  }
0x9c: {  	s6 =	simm.s32 $0x0;
	s20 =	sshll.u32 s4, $0x1;
	s4 =	sadd.s32 s21, s2  }
0x9d: {  	[timem:s6], [sflag:s22] =	dma.local [hbm:s4], s20  }
0x9e: {  	_ =	swait.ge [sflag:s22], s20  }
0x9f: {  	s3 =	ssub.s32 $0x0, s20;
	[sflag:s22] =	ssyncset.done $0x0  }
0xa0: {  	[sflag:s22] =	ssyncadd.s32 s3;
	_ =	sdelay $0x1  }
0xa1: {  	s23 =	simm.s32 $0x1B8B  }
0xa2: {  	_ =	swait.ge [sflag:s23], $0x1  }
0xa3: {  	[sflag:s23] =	ssyncset.done $0x0  }
0xa4: {  	s25 =	simm.s32 $0x1B8E;
	s24 =	sld [smem:$0x3FFE];
	[sflag:s23] =	ssyncadd.s32 $0xFFFFFFFF  }
0xa5: {  	s26 =	simm.s32 $execute0_lowered;
	[smem:$0x3FD2] =	sst s25  }
0xa6: {  	s4 =	sshll.u32 s26, $0x1;
	_ =	strace $0x80000049;
	[dreg:$0x1] =	wrdreg $0xFFFFFFFF  }
0xa7: {  	s28 =	simm.s32 $_size_execute0_lowered;
	s2 =	sadd.s32 s2, s4;
	[dreg:$0x0] =	wrdreg $0x0  }
0xa8: {  	s4 =	sshll.u32 s28, $0x1;
	[dreg:$0x2] =	wrdreg s2  }
0xa9: {  	[dreg:$0x3] =	wrdreg s4  }
0xaa: {  	[dreg:$0x4] =	wrdreg $0xC0  }
0xab: {  	_ =	task [dreg:s6], $0x5FFFF  }
0xac: {  	[dreg:$0x1] =	wrdreg $0xFFFFFFFF  }
0xad: {  	[dreg:$0x0] =	wrdreg $0x60  }
0xae: {  	[dreg:$0x2] =	wrdreg s24  }
0xaf: {  	[dreg:$0x3] =	wrdreg $0x9  }
0xb0: {  	_ =	task.clear_ibuf [dreg:s6], $0x4FFFF;
	_ =	strace $0x90000049  }
0xb1: {  	s29 =	simm.s32 $0x9;
	_ =	strace $0x8000004B  }
0xb2: {  	_ =	swait.ge [sflag:s29], $0x1  }
0xb3: {  	[sflag:s29] =	ssyncadd.s32 $0xFFFFFFFF  }
0xb4: {  	_ =	strace $0x9000004B  }
0xb5: {  	_ =	sfence  }
0xb6: {  	s30 =	sld [smem:$0x0];
	_ =	sdelay $0x2  }
0xb7: {  	s31 =	sshll.u32 s1, $0xD;
	s1 =	sshrl.u32 s1, $0x2  }
0xb8: {  	s3 =	sand.u32 $0x4000, s31;
	s1 =	sadd.s32 s1, s30  }
0xb9: {  	s0 =	sor.u32 s3, s0;
	s1 =	sshll.u32 s1, $0x11  }
0xba: {  	s0 =	sor.u32 s1, s0  }
0xbb: {  	s0 =	sadd.s32 $0x8F2B, s0  }
0xbc: {  	[sflag:s0] =	ssyncadd.remote.s32 $0x1  }
0xbd: {  	_ =	sfence.sel $0xFFFF  }
0xbe: {  	[dreg:$0x0] =	wrdreg $0xFFFFFFFF;
	(pc) =	sbr.abs _section_cstart, $3  }
0xbf: {  	[dreg:$0x1] =	wrdreg $0xFFFFFFFF  }
0xc0: {  	_ =	task.clear_ibuf [dreg:s6], $0x2FFFF;
	_ =	strace $0x9FFFFFFF  }
0xc1: {  	(tm) =	ssettm $0x7FFFFFFF  }
tec
execute0_lowered:
.L_overlay_start_1:
0x0: {  	(tag) =	ssettag $0x1  }
0x1: {  	s1 =	srdreg.scid;
	s0 =	stileid.u32  }
0x2: {  	s1 =	sand.u32 $0x1, s1;
	s3 =	sshll.u32 s0, $0x1  }
0x3: {  	s4 =	rddreg [dreg:$0x0];
	s2 =	simm.s32 $0x0;
	s3 =	sor.u32 s1, s3  }
0x4: {  	[smem:$0x7FF] =	sst s2;
	s30 =	smul.u32 $0x1400, s3  }
0x5: {  	s29 =	sadd.s32 $0x600, s4;
	[dreg:$0x10] =	wrdreg s1;
	s5 =	smul.u32 $0x280, s3  }
0x6: {  	s31 =	sadd.s32 $0x5600, s4;
	_ =	strace $0x8000004A;
	s3 =	smul.u32 $0x14000, s3  }
0x7: {  	s6 =	sor.u32 $0x140, s30;
	s5 =	sadd.s32 s29, s5;
	s15 =	sor.u32 $0x280, s30  }
0x8: {  	s3 =	sadd.s32 s31, s3;
	s20 =	sor.u32 $0x3C0, s30;
	s23 =	sadd.s32 $0x500, s30  }
0x9: {  	s13 =	sadd.s32 $0x780, s30;
	s7 =	sshrl.u32 s6, $0x3;
	[dreg:$0x2] =	wrdreg s5  }
0xa: {  	s16 =	sshrl.u32 s15, $0x3;
	[dreg:$0x4] =	wrdreg s3;
	s14 =	sadd.s32 s29, s7  }
0xb: {  	s18 =	sshll.u32 s6, $0x4;
	s17 =	sadd.s32 s29, s16;
	[dreg:$0x3] =	wrdreg s14  }
0xc: {  	s21 =	sshrl.u32 s20, $0x3;
	s19 =	sadd.s32 s31, s18;
	[dreg:$0x5] =	wrdreg s17  }
0xd: {  	s22 =	sshll.u32 s15, $0x4;
	s3 =	sadd.s32 s29, s21;
	[dreg:$0x6] =	wrdreg s19  }
0xe: {  	s25 =	sshrl.u32 s23, $0x3;
	s24 =	sadd.s32 s31, s22;
	[dreg:$0x7] =	wrdreg s3  }
0xf: {  	s5 =	sshll.u32 s20, $0x4;
	s26 =	sadd.s32 s29, s25;
	[dreg:$0x8] =	wrdreg s24  }
0x10: {  	s9 =	sshrl.u32 s13, $0x3;
	s0 =	sadd.s32 s31, s5;
	[dreg:$0x9] =	wrdreg s26  }
0x11: {  	s1 =	sadd.s32 $0x640, s30;
	s10 =	sadd.s32 s29, s9;
	[dreg:$0xa] =	wrdreg s0  }
0x12: {  	s6 =	sshrl.u32 s1, $0x3;
	s15 =	sadd.s32 $0x8C0, s30;
	[dreg:$0xd] =	wrdreg s10  }
0x13: {  	s7 =	sshll.u32 s23, $0x4;
	s3 =	sadd.s32 s29, s6;
	s14 =	rddreg [dreg:$0x2]  }
0x14: {  	s12 =	sshrl.u32 s15, $0x3;
	s8 =	sadd.s32 s31, s7;
	[dreg:$0xb] =	wrdreg s3  }
0x15: {  	s11 =	sshll.u32 s1, $0x4;
	s16 =	sadd.s32 s29, s12;
	[dreg:$0xc] =	wrdreg s8  }
0x16: {  	s3 =	sadd.s32 s31, s11;
	[dreg:$0xf] =	wrdreg s16  }
0x17: {  	[tilespmem:s2], [sflag:$0x5] =	stream.linear.gather [hbm4b:s14+s2], $0x140, $0x38;
	[tilespmem:$0x14300] =	vst v63  }
0x18: {  	[dreg:$0xe] =	wrdreg s3;
	s3 =	simm.s32 $0x5  }
0x19: {  	_ =	swait.ge [sflag:s3], $0x140  }
0x1a: {  	s4 =	sadd.s32 $0x317000, s4;
	[sflag:s3] =	ssyncset.done $0x0  }
0x1b: {  	s5 =	simm.s32 $0x140;
	s6 =	simm.s32 $0x300;
	[sflag:s3] =	ssyncadd.s32 $0xFFFFFEC0  }
0x1c: {  	[tilespmem:s6], [sflag:$0x1] =	stream.indirect.gather [hbm4b:s4+s5], $0x80, s2, s5, $0xb8;
	[tilespmem:$0x14300] =	vst v63  }
0x1d: {  	s7 =	simm.s32 $0x180;
	s8 =	rddreg [dreg:$0x3]  }
0x1e: {  	[tilespmem:s7], [sflag:$0x5] =	stream.linear.gather [hbm4b:s8+s2], $0x140, $0x38;
	[tilespmem:$0x14300] =	vst v63  }
0x1f: {  	_ =	swait.ge [sflag:s3], $0x140  }
0x20: {  	[sflag:s3] =	ssyncset.done $0x0  }
0x21: {  	s9 =	simm.s32 $0x1;
	s8 =	simm.s32 $0xA300;
	[sflag:s3] =	ssyncadd.s32 $0xFFFFFEC0  }
0x22: {  	[tilespmem:s8], [sflag:$0x2] =	stream.indirect.gather [hbm4b:s4+s5], $0x80, s7, s5, $0xb8;
	[tilespmem:$0x14300] =	vst v63  }
0x23: {  	_ =	swait.ge [sflag:s9], $0xA000  }
0x24: {  	[sflag:s9] =	ssyncset.done $0x0  }
0x25: {  	s10 =	simm.s32 $0x3;
	s11 =	rddreg [dreg:$0x4];
	[sflag:s9] =	ssyncadd.s32 $0xFFFF6000  }
0x26: {  	[hbm4b:s11+s2] =	stream.linear.scatter [tilespmem:s6], [sflag:$0x3], $0xA000, $0x38;
	[tilespmem:$0x14300] =	vst v63  }
0x27: {  	_ =	swait.ge [sflag:s10], $0xA000  }
0x28: {  	[sflag:s10] =	ssyncset.done $0x0  }
0x29: {  	s17 =	rddreg [dreg:$0x5];
	[sflag:s10] =	ssyncadd.s32 $0xFFFF6000  }
0x2a: {  	[tilespmem:s2], [sflag:$0x5] =	stream.linear.gather [hbm4b:s17+s2], $0x140, $0x38;
	[tilespmem:$0x14300] =	vst v63  }
0x2b: {  	_ =	swait.ge [sflag:s3], $0x140  }
0x2c: {  	[sflag:s3] =	ssyncset.done $0x0  }
0x2d: {  	s11 =	simm.s32 $0x2;
	[sflag:s3] =	ssyncadd.s32 $0xFFFFFEC0  }
0x2e: {  	[tilespmem:s6], [sflag:$0x1] =	stream.indirect.gather [hbm4b:s4+s5], $0x80, s2, s5, $0xb8;
	[tilespmem:$0x14300] =	vst v63  }
0x2f: {  	_ =	swait.ge [sflag:s11], $0xA000  }
0x30: {  	[sflag:s11] =	ssyncset.done $0x0  }
0x31: {  	s12 =	simm.s32 $0x4;
	s14 =	rddreg [dreg:$0x6];
	[sflag:s11] =	ssyncadd.s32 $0xFFFF6000  }
0x32: {  	[hbm4b:s14+s2] =	stream.linear.scatter [tilespmem:s8], [sflag:$0x4], $0xA000, $0x38;
	[tilespmem:$0x14300] =	vst v63  }
0x33: {  	_ =	swait.ge [sflag:s12], $0xA000  }
0x34: {  	[sflag:s12] =	ssyncset.done $0x0  }
0x35: {  	s18 =	rddreg [dreg:$0x7];
	[sflag:s12] =	ssyncadd.s32 $0xFFFF6000  }
0x36: {  	[tilespmem:s7], [sflag:$0x5] =	stream.linear.gather [hbm4b:s18+s2], $0x140, $0x38;
	[tilespmem:$0x14300] =	vst v63  }
0x37: {  	_ =	swait.ge [sflag:s3], $0x140  }
0x38: {  	[sflag:s3] =	ssyncset.done $0x0  }
0x39: {  	[sflag:s3] =	ssyncadd.s32 $0xFFFFFEC0  }
0x3a: {  	[tilespmem:s8], [sflag:$0x2] =	stream.indirect.gather [hbm4b:s4+s5], $0x80, s7, s5, $0xb8;
	[tilespmem:$0x14300] =	vst v63  }
0x3b: {  	_ =	swait.ge [sflag:s9], $0xA000  }
0x3c: {  	[sflag:s9] =	ssyncset.done $0x0  }
0x3d: {  	s19 =	rddreg [dreg:$0x8];
	[sflag:s9] =	ssyncadd.s32 $0xFFFF6000  }
0x3e: {  	[hbm4b:s19+s2] =	stream.linear.scatter [tilespmem:s6], [sflag:$0x3], $0xA000, $0x38;
	[tilespmem:$0x14300] =	vst v63  }
0x3f: {  	_ =	swait.ge [sflag:s10], $0xA000  }
0x40: {  	[sflag:s10] =	ssyncset.done $0x0  }
0x41: {  	s20 =	rddreg [dreg:$0x9];
	[sflag:s10] =	ssyncadd.s32 $0xFFFF6000  }
0x42: {  	[tilespmem:s2], [sflag:$0x5] =	stream.linear.gather [hbm4b:s20+s2], $0x140, $0x38;
	[tilespmem:$0x14300] =	vst v63  }
0x43: {  	_ =	swait.ge [sflag:s3], $0x140  }
0x44: {  	[sflag:s3] =	ssyncset.done $0x0  }
0x45: {  	[sflag:s3] =	ssyncadd.s32 $0xFFFFFEC0  }
0x46: {  	[tilespmem:s6], [sflag:$0x1] =	stream.indirect.gather [hbm4b:s4+s5], $0x80, s2, s5, $0xb8;
	[tilespmem:$0x14300] =	vst v63  }
0x47: {  	_ =	swait.ge [sflag:s11], $0xA000  }
0x48: {  	[sflag:s11] =	ssyncset.done $0x0  }
0x49: {  	s21 =	rddreg [dreg:$0xa];
	[sflag:s11] =	ssyncadd.s32 $0xFFFF6000  }
0x4a: {  	[hbm4b:s21+s2] =	stream.linear.scatter [tilespmem:s8], [sflag:$0x4], $0xA000, $0x38;
	[tilespmem:$0x14300] =	vst v63  }
0x4b: {  	_ =	swait.ge [sflag:s12], $0xA000  }
0x4c: {  	[sflag:s12] =	ssyncset.done $0x0  }
0x4d: {  	s22 =	rddreg [dreg:$0xb];
	[sflag:s12] =	ssyncadd.s32 $0xFFFF6000  }
0x4e: {  	[tilespmem:s7], [sflag:$0x5] =	stream.linear.gather [hbm4b:s22+s2], $0x140, $0x38;
	[tilespmem:$0x14300] =	vst v63  }
0x4f: {  	_ =	swait.ge [sflag:s3], $0x140  }
0x50: {  	[sflag:s3] =	ssyncset.done $0x0  }
0x51: {  	[sflag:s3] =	ssyncadd.s32 $0xFFFFFEC0  }
0x52: {  	[tilespmem:s8], [sflag:$0x2] =	stream.indirect.gather [hbm4b:s4+s5], $0x80, s7, s5, $0xb8;
	[tilespmem:$0x14300] =	vst v63  }
0x53: {  	_ =	swait.ge [sflag:s9], $0xA000  }
0x54: {  	[sflag:s9] =	ssyncset.done $0x0  }
0x55: {  	s23 =	rddreg [dreg:$0xc];
	[sflag:s9] =	ssyncadd.s32 $0xFFFF6000  }
0x56: {  	[hbm4b:s23+s2] =	stream.linear.scatter [tilespmem:s6], [sflag:$0x3], $0xA000, $0x38;
	[tilespmem:$0x14300] =	vst v63  }
0x57: {  	_ =	swait.ge [sflag:s10], $0xA000  }
0x58: {  	[sflag:s10] =	ssyncset.done $0x0  }
0x59: {  	s24 =	rddreg [dreg:$0xd];
	[sflag:s10] =	ssyncadd.s32 $0xFFFF6000  }
0x5a: {  	[tilespmem:s2], [sflag:$0x5] =	stream.linear.gather [hbm4b:s24+s2], $0x140, $0x38;
	[tilespmem:$0x14300] =	vst v63  }
0x5b: {  	_ =	swait.ge [sflag:s3], $0x140  }
0x5c: {  	[sflag:s3] =	ssyncset.done $0x0  }
0x5d: {  	[sflag:s3] =	ssyncadd.s32 $0xFFFFFEC0  }
0x5e: {  	[tilespmem:s6], [sflag:$0x1] =	stream.indirect.gather [hbm4b:s4+s5], $0x80, s2, s5, $0xb8;
	[tilespmem:$0x14300] =	vst v63  }
0x5f: {  	_ =	swait.ge [sflag:s11], $0xA000  }
0x60: {  	[sflag:s11] =	ssyncset.done $0x0  }
0x61: {  	s25 =	rddreg [dreg:$0xe];
	[sflag:s11] =	ssyncadd.s32 $0xFFFF6000  }
0x62: {  	[hbm4b:s25+s2] =	stream.linear.scatter [tilespmem:s8], [sflag:$0x4], $0xA000, $0x38;
	[tilespmem:$0x14300] =	vst v63  }
0x63: {  	_ =	swait.ge [sflag:s12], $0xA000  }
0x64: {  	[sflag:s12] =	ssyncset.done $0x0  }
0x65: {  	s26 =	rddreg [dreg:$0xf];
	[sflag:s12] =	ssyncadd.s32 $0xFFFF6000  }
0x66: {  	[tilespmem:s7], [sflag:$0x5] =	stream.linear.gather [hbm4b:s26+s2], $0x140, $0x38;
	[tilespmem:$0x14300] =	vst v63  }
0x67: {  	_ =	swait.ge [sflag:s3], $0x140  }
0x68: {  	[sflag:s3] =	ssyncset.done $0x0  }
0x69: {  	[sflag:s3] =	ssyncadd.s32 $0xFFFFFEC0  }
0x6a: {  	[tilespmem:s8], [sflag:$0x2] =	stream.indirect.gather [hbm4b:s4+s5], $0x80, s7, s5, $0xb8;
	[tilespmem:$0x14300] =	vst v63  }
0x6b: {  	_ =	swait.ge [sflag:s9], $0xA000  }
0x6c: {  	s13 =	sshll.u32 s13, $0x4;
	[sflag:s9] =	ssyncset.done $0x0  }
0x6d: {  	s13 =	sadd.s32 s31, s13;
	[sflag:s9] =	ssyncadd.s32 $0xFFFF6000  }
0x6e: {  	[hbm4b:s13+s2] =	stream.linear.scatter [tilespmem:s6], [sflag:$0x3], $0xA000, $0x38;
	[tilespmem:$0x14300] =	vst v63  }
0x6f: {  	s17 =	sadd.s32 $0xA00, s30;
	_ =	swait.ge [sflag:s10], $0xA000  }
0x70: {  	s0 =	sshrl.u32 s17, $0x3;
	[sflag:s10] =	ssyncset.done $0x0  }
0x71: {  	s14 =	sadd.s32 s29, s0;
	[sflag:s10] =	ssyncadd.s32 $0xFFFF6000  }
0x72: {  	[tilespmem:s2], [sflag:$0x5] =	stream.linear.gather [hbm4b:s14+s2], $0x140, $0x38;
	[tilespmem:$0x14300] =	vst v63  }
0x73: {  	_ =	swait.ge [sflag:s3], $0x140  }
0x74: {  	[sflag:s3] =	ssyncset.done $0x0  }
0x75: {  	[sflag:s3] =	ssyncadd.s32 $0xFFFFFEC0  }
0x76: {  	[tilespmem:s6], [sflag:$0x1] =	stream.indirect.gather [hbm4b:s4+s5], $0x80, s2, s5, $0xb8;
	[tilespmem:$0x14300] =	vst v63  }
0x77: {  	_ =	swait.ge [sflag:s11], $0xA000  }
0x78: {  	s15 =	sshll.u32 s15, $0x4;
	[sflag:s11] =	ssyncset.done $0x0  }
0x79: {  	s15 =	sadd.s32 s31, s15;
	[sflag:s11] =	ssyncadd.s32 $0xFFFF6000  }
0x7a: {  	[hbm4b:s15+s2] =	stream.linear.scatter [tilespmem:s8], [sflag:$0x4], $0xA000, $0x38;
	[tilespmem:$0x14300] =	vst v63  }
0x7b: {  	s19 =	sadd.s32 $0xB40, s30;
	_ =	swait.ge [sflag:s12], $0xA000  }
0x7c: {  	s16 =	sshrl.u32 s19, $0x3;
	[sflag:s12] =	ssyncset.done $0x0  }
0x7d: {  	s16 =	sadd.s32 s29, s16;
	[sflag:s12] =	ssyncadd.s32 $0xFFFF6000  }
0x7e: {  	[tilespmem:s7], [sflag:$0x5] =	stream.linear.gather [hbm4b:s16+s2], $0x140, $0x38;
	[tilespmem:$0x14300] =	vst v63  }
0x7f: {  	_ =	swait.ge [sflag:s3], $0x140  }
0x80: {  	[sflag:s3] =	ssyncset.done $0x0  }
0x81: {  	[sflag:s3] =	ssyncadd.s32 $0xFFFFFEC0  }
0x82: {  	[tilespmem:s8], [sflag:$0x2] =	stream.indirect.gather [hbm4b:s4+s5], $0x80, s7, s5, $0xb8;
	[tilespmem:$0x14300] =	vst v63  }
0x83: {  	_ =	swait.ge [sflag:s9], $0xA000  }
0x84: {  	s17 =	sshll.u32 s17, $0x4;
	[sflag:s9] =	ssyncset.done $0x0  }
0x85: {  	s17 =	sadd.s32 s31, s17;
	[sflag:s9] =	ssyncadd.s32 $0xFFFF6000  }
0x86: {  	[hbm4b:s17+s2] =	stream.linear.scatter [tilespmem:s6], [sflag:$0x3], $0xA000, $0x38;
	[tilespmem:$0x14300] =	vst v63  }
0x87: {  	s21 =	sadd.s32 $0xC80, s30;
	_ =	swait.ge [sflag:s10], $0xA000  }
0x88: {  	s18 =	sshrl.u32 s21, $0x3;
	[sflag:s10] =	ssyncset.done $0x0  }
0x89: {  	s18 =	sadd.s32 s29, s18;
	[sflag:s10] =	ssyncadd.s32 $0xFFFF6000  }
0x8a: {  	[tilespmem:s2], [sflag:$0x5] =	stream.linear.gather [hbm4b:s18+s2], $0x140, $0x38;
	[tilespmem:$0x14300] =	vst v63  }
0x8b: {  	_ =	swait.ge [sflag:s3], $0x140  }
0x8c: {  	[sflag:s3] =	ssyncset.done $0x0  }
0x8d: {  	[sflag:s3] =	ssyncadd.s32 $0xFFFFFEC0  }
0x8e: {  	[tilespmem:s6], [sflag:$0x1] =	stream.indirect.gather [hbm4b:s4+s5], $0x80, s2, s5, $0xb8;
	[tilespmem:$0x14300] =	vst v63  }
0x8f: {  	_ =	swait.ge [sflag:s11], $0xA000  }
0x90: {  	s19 =	sshll.u32 s19, $0x4;
	[sflag:s11] =	ssyncset.done $0x0  }
0x91: {  	s19 =	sadd.s32 s31, s19;
	[sflag:s11] =	ssyncadd.s32 $0xFFFF6000  }
0x92: {  	[hbm4b:s19+s2] =	stream.linear.scatter [tilespmem:s8], [sflag:$0x4], $0xA000, $0x38;
	[tilespmem:$0x14300] =	vst v63  }
0x93: {  	s23 =	sadd.s32 $0xDC0, s30;
	_ =	swait.ge [sflag:s12], $0xA000  }
0x94: {  	s20 =	sshrl.u32 s23, $0x3;
	[sflag:s12] =	ssyncset.done $0x0  }
0x95: {  	s20 =	sadd.s32 s29, s20;
	[sflag:s12] =	ssyncadd.s32 $0xFFFF6000  }
0x96: {  	[tilespmem:s7], [sflag:$0x5] =	stream.linear.gather [hbm4b:s20+s2], $0x140, $0x38;
	[tilespmem:$0x14300] =	vst v63  }
0x97: {  	_ =	swait.ge [sflag:s3], $0x140  }
0x98: {  	[sflag:s3] =	ssyncset.done $0x0  }
0x99: {  	[sflag:s3] =	ssyncadd.s32 $0xFFFFFEC0  }
0x9a: {  	[tilespmem:s8], [sflag:$0x2] =	stream.indirect.gather [hbm4b:s4+s5], $0x80, s7, s5, $0xb8;
	[tilespmem:$0x14300] =	vst v63  }
0x9b: {  	_ =	swait.ge [sflag:s9], $0xA000  }
0x9c: {  	s21 =	sshll.u32 s21, $0x4;
	[sflag:s9] =	ssyncset.done $0x0  }
0x9d: {  	s21 =	sadd.s32 s31, s21;
	[sflag:s9] =	ssyncadd.s32 $0xFFFF6000  }
0x9e: {  	[hbm4b:s21+s2] =	stream.linear.scatter [tilespmem:s6], [sflag:$0x3], $0xA000, $0x38;
	[tilespmem:$0x14300] =	vst v63  }
0x9f: {  	s25 =	sadd.s32 $0xF00, s30;
	_ =	swait.ge [sflag:s10], $0xA000  }
0xa0: {  	s22 =	sshrl.u32 s25, $0x3;
	[sflag:s10] =	ssyncset.done $0x0  }
0xa1: {  	s22 =	sadd.s32 s29, s22;
	[sflag:s10] =	ssyncadd.s32 $0xFFFF6000  }
0xa2: {  	[tilespmem:s2], [sflag:$0x5] =	stream.linear.gather [hbm4b:s22+s2], $0x140, $0x38;
	[tilespmem:$0x14300] =	vst v63  }
0xa3: {  	_ =	swait.ge [sflag:s3], $0x140  }
0xa4: {  	[sflag:s3] =	ssyncset.done $0x0  }
0xa5: {  	[sflag:s3] =	ssyncadd.s32 $0xFFFFFEC0  }
0xa6: {  	[tilespmem:s6], [sflag:$0x1] =	stream.indirect.gather [hbm4b:s4+s5], $0x80, s2, s5, $0xb8;
	[tilespmem:$0x14300] =	vst v63  }
0xa7: {  	_ =	swait.ge [sflag:s11], $0xA000  }
0xa8: {  	s23 =	sshll.u32 s23, $0x4;
	[sflag:s11] =	ssyncset.done $0x0  }
0xa9: {  	s23 =	sadd.s32 s31, s23;
	[sflag:s11] =	ssyncadd.s32 $0xFFFF6000  }
0xaa: {  	[hbm4b:s23+s2] =	stream.linear.scatter [tilespmem:s8], [sflag:$0x4], $0xA000, $0x38;
	[tilespmem:$0x14300] =	vst v63  }
0xab: {  	s28 =	sadd.s32 $0x1040, s30;
	_ =	swait.ge [sflag:s12], $0xA000  }
0xac: {  	s24 =	sshrl.u32 s28, $0x3;
	[sflag:s12] =	ssyncset.done $0x0  }
0xad: {  	s24 =	sadd.s32 s29, s24;
	[sflag:s12] =	ssyncadd.s32 $0xFFFF6000  }
0xae: {  	[tilespmem:s7], [sflag:$0x5] =	stream.linear.gather [hbm4b:s24+s2], $0x140, $0x38;
	[tilespmem:$0x14300] =	vst v63  }
0xaf: {  	_ =	swait.ge [sflag:s3], $0x140  }
0xb0: {  	[sflag:s3] =	ssyncset.done $0x0  }
0xb1: {  	[sflag:s3] =	ssyncadd.s32 $0xFFFFFEC0  }
0xb2: {  	[tilespmem:s8], [sflag:$0x2] =	stream.indirect.gather [hbm4b:s4+s5], $0x80, s7, s5, $0xb8;
	[tilespmem:$0x14300] =	vst v63  }
0xb3: {  	_ =	swait.ge [sflag:s9], $0xA000  }
0xb4: {  	s25 =	sshll.u32 s25, $0x4;
	[sflag:s9] =	ssyncset.done $0x0  }
0xb5: {  	s25 =	sadd.s32 s31, s25;
	[sflag:s9] =	ssyncadd.s32 $0xFFFF6000  }
0xb6: {  	[hbm4b:s25+s2] =	stream.linear.scatter [tilespmem:s6], [sflag:$0x3], $0xA000, $0x38;
	[tilespmem:$0x14300] =	vst v63  }
0xb7: {  	s1 =	sadd.s32 $0x1180, s30;
	_ =	swait.ge [sflag:s10], $0xA000  }
0xb8: {  	s26 =	sshrl.u32 s1, $0x3;
	[sflag:s10] =	ssyncset.done $0x0  }
0xb9: {  	s26 =	sadd.s32 s29, s26;
	[sflag:s10] =	ssyncadd.s32 $0xFFFF6000  }
0xba: {  	[tilespmem:s2], [sflag:$0x5] =	stream.linear.gather [hbm4b:s26+s2], $0x140, $0x38;
	[tilespmem:$0x14300] =	vst v63  }
0xbb: {  	_ =	swait.ge [sflag:s3], $0x140  }
0xbc: {  	[sflag:s3] =	ssyncset.done $0x0  }
0xbd: {  	[sflag:s3] =	ssyncadd.s32 $0xFFFFFEC0  }
0xbe: {  	[tilespmem:s6], [sflag:$0x1] =	stream.indirect.gather [hbm4b:s4+s5], $0x80, s2, s5, $0xb8;
	[tilespmem:$0x14300] =	vst v63  }
0xbf: {  	_ =	swait.ge [sflag:s11], $0xA000  }
0xc0: {  	s28 =	sshll.u32 s28, $0x4;
	[sflag:s11] =	ssyncset.done $0x0  }
0xc1: {  	s28 =	sadd.s32 s31, s28;
	[sflag:s11] =	ssyncadd.s32 $0xFFFF6000  }
0xc2: {  	[hbm4b:s28+s2] =	stream.linear.scatter [tilespmem:s8], [sflag:$0x4], $0xA000, $0x38;
	[tilespmem:$0x14300] =	vst v63  }
0xc3: {  	s0 =	sadd.s32 $0x12C0, s30;
	_ =	swait.ge [sflag:s12], $0xA000  }
0xc4: {  	s30 =	sshrl.u32 s0, $0x3;
	[sflag:s12] =	ssyncset.done $0x0  }
0xc5: {  	s29 =	sadd.s32 s29, s30;
	[sflag:s12] =	ssyncadd.s32 $0xFFFF6000  }
0xc6: {  	[tilespmem:s7], [sflag:$0x5] =	stream.linear.gather [hbm4b:s29+s2], $0x140, $0x38;
	[tilespmem:$0x14300] =	vst v63  }
0xc7: {  	_ =	swait.ge [sflag:s3], $0x140  }
0xc8: {  	[sflag:s3] =	ssyncset.done $0x0  }
0xc9: {  	[sflag:s3] =	ssyncadd.s32 $0xFFFFFEC0  }
0xca: {  	[tilespmem:s8], [sflag:$0x2] =	stream.indirect.gather [hbm4b:s4+s5], $0x80, s7, s5, $0xb8;
	[tilespmem:$0x14300] =	vst v63  }
0xcb: {  	_ =	swait.ge [sflag:s9], $0xA000  }
0xcc: {  	s1 =	sshll.u32 s1, $0x4;
	[sflag:s9] =	ssyncset.done $0x0  }
0xcd: {  	s30 =	sadd.s32 s31, s1;
	[sflag:s9] =	ssyncadd.s32 $0xFFFF6000  }
0xce: {  	[hbm4b:s30+s2] =	stream.linear.scatter [tilespmem:s6], [sflag:$0x3], $0xA000, $0x38;
	[tilespmem:$0x14300] =	vst v63  }
0xcf: {  	_ =	swait.ge [sflag:s11], $0xA000  }
0xd0: {  	s0 =	sshll.u32 s0, $0x4;
	[sflag:s11] =	ssyncset.done $0x0;
	s1 =	rddreg [dreg:$0x10]  }
0xd1: {  	s31 =	sadd.s32 s31, s0;
	s0 =	ssub.s32 $0x2, s1;
	[sflag:s11] =	ssyncadd.s32 $0xFFFF6000  }
0xd2: {  	[hbm4b:s31+s2] =	stream.linear.scatter [tilespmem:s8], [sflag:$0x4], $0xA000, $0x38;
	[tilespmem:$0x14300] =	vst v63  }
0xd3: {  	s1 =	sshrl.u32 s0, $0x1  }
0xd4: {  	s0 =	ssub.s32 s0, s1  }
0xd5: {  	s0 =	smax.u32 s0, $0x1  }
0xd6: {  	p0 =	sne.s32 s0, $0x1  }
.Ltmp0:
0xd7: {  	_ =	swait.ge [sflag:s10], $0xA000;
	(pc) =	sbr.rel @!p0 .LBB2_2-.Ltmp0, $4  }
0xd8: {  	[sflag:s10] =	ssyncset.done $0x0  }
0xd9: {  	[sflag:s10] =	ssyncadd.s32 $0xFFFF6000  }
0xda: {  	_ =	swait.ge [sflag:s12], $0xA000  }
0xdb: {  	s1 =	sadd.s32 $0xFFFFFFFF, s0;
	[sflag:s12] =	ssyncset.done $0x0  }
.LBB2_1:
0xdc: {  	s0 =	rddreg [dreg:$0x2];
	[sflag:s12] =	ssyncadd.s32 $0xFFFF6000  }
0xdd: {  	[tilespmem:s2], [sflag:$0x5] =	stream.linear.gather [hbm4b:s0+s2], $0x140, $0x38;
	[tilespmem:$0x14300] =	vst v63  }
0xde: {  	_ =	swait.ge [sflag:s3], $0x140  }
0xdf: {  	[sflag:s3] =	ssyncset.done $0x0  }
0xe0: {  	[sflag:s3] =	ssyncadd.s32 $0xFFFFFEC0  }
0xe1: {  	[tilespmem:s6], [sflag:$0x1] =	stream.indirect.gather [hbm4b:s4+s5], $0x80, s2, s5, $0xb8;
	[tilespmem:$0x14300] =	vst v63  }
0xe2: {  	s0 =	rddreg [dreg:$0x3]  }
0xe3: {  	[tilespmem:s7], [sflag:$0x5] =	stream.linear.gather [hbm4b:s0+s2], $0x140, $0x38;
	[tilespmem:$0x14300] =	vst v63  }
0xe4: {  	_ =	swait.ge [sflag:s3], $0x140  }
0xe5: {  	[sflag:s3] =	ssyncset.done $0x0  }
0xe6: {  	[sflag:s3] =	ssyncadd.s32 $0xFFFFFEC0  }
0xe7: {  	[tilespmem:s8], [sflag:$0x2] =	stream.indirect.gather [hbm4b:s4+s5], $0x80, s7, s5, $0xb8;
	[tilespmem:$0x14300] =	vst v63  }
0xe8: {  	_ =	swait.ge [sflag:s9], $0xA000  }
0xe9: {  	[sflag:s9] =	ssyncset.done $0x0  }
0xea: {  	s0 =	rddreg [dreg:$0x4];
	[sflag:s9] =	ssyncadd.s32 $0xFFFF6000  }
0xeb: {  	[hbm4b:s0+s2] =	stream.linear.scatter [tilespmem:s6], [sflag:$0x3], $0xA000, $0x38;
	[tilespmem:$0x14300] =	vst v63  }
0xec: {  	_ =	swait.ge [sflag:s10], $0xA000  }
0xed: {  	[sflag:s10] =	ssyncset.done $0x0  }
0xee: {  	s0 =	rddreg [dreg:$0x5];
	[sflag:s10] =	ssyncadd.s32 $0xFFFF6000  }
0xef: {  	[tilespmem:s2], [sflag:$0x5] =	stream.linear.gather [hbm4b:s0+s2], $0x140, $0x38;
	[tilespmem:$0x14300] =	vst v63  }
0xf0: {  	_ =	swait.ge [sflag:s3], $0x140  }
0xf1: {  	[sflag:s3] =	ssyncset.done $0x0  }
0xf2: {  	[sflag:s3] =	ssyncadd.s32 $0xFFFFFEC0  }
0xf3: {  	[tilespmem:s6], [sflag:$0x1] =	stream.indirect.gather [hbm4b:s4+s5], $0x80, s2, s5, $0xb8;
	[tilespmem:$0x14300] =	vst v63  }
0xf4: {  	_ =	swait.ge [sflag:s11], $0xA000  }
0xf5: {  	[sflag:s11] =	ssyncset.done $0x0  }
0xf6: {  	s0 =	rddreg [dreg:$0x6];
	[sflag:s11] =	ssyncadd.s32 $0xFFFF6000  }
0xf7: {  	[hbm4b:s0+s2] =	stream.linear.scatter [tilespmem:s8], [sflag:$0x4], $0xA000, $0x38;
	[tilespmem:$0x14300] =	vst v63  }
0xf8: {  	_ =	swait.ge [sflag:s12], $0xA000  }
0xf9: {  	[sflag:s12] =	ssyncset.done $0x0  }
0xfa: {  	s0 =	rddreg [dreg:$0x7];
	[sflag:s12] =	ssyncadd.s32 $0xFFFF6000  }
0xfb: {  	[tilespmem:s7], [sflag:$0x5] =	stream.linear.gather [hbm4b:s0+s2], $0x140, $0x38;
	[tilespmem:$0x14300] =	vst v63  }
0xfc: {  	_ =	swait.ge [sflag:s3], $0x140  }
0xfd: {  	[sflag:s3] =	ssyncset.done $0x0  }
0xfe: {  	[sflag:s3] =	ssyncadd.s32 $0xFFFFFEC0  }
0xff: {  	[tilespmem:s8], [sflag:$0x2] =	stream.indirect.gather [hbm4b:s4+s5], $0x80, s7, s5, $0xb8;
	[tilespmem:$0x14300] =	vst v63  }
0x100: {  	_ =	swait.ge [sflag:s9], $0xA000  }
0x101: {  	[sflag:s9] =	ssyncset.done $0x0  }
0x102: {  	s0 =	rddreg [dreg:$0x8];
	[sflag:s9] =	ssyncadd.s32 $0xFFFF6000  }
0x103: {  	[hbm4b:s0+s2] =	stream.linear.scatter [tilespmem:s6], [sflag:$0x3], $0xA000, $0x38;
	[tilespmem:$0x14300] =	vst v63  }
0x104: {  	_ =	swait.ge [sflag:s10], $0xA000  }
0x105: {  	[sflag:s10] =	ssyncset.done $0x0  }
0x106: {  	s0 =	rddreg [dreg:$0x9];
	[sflag:s10] =	ssyncadd.s32 $0xFFFF6000  }
0x107: {  	[tilespmem:s2], [sflag:$0x5] =	stream.linear.gather [hbm4b:s0+s2], $0x140, $0x38;
	[tilespmem:$0x14300] =	vst v63  }
0x108: {  	_ =	swait.ge [sflag:s3], $0x140  }
0x109: {  	[sflag:s3] =	ssyncset.done $0x0  }
0x10a: {  	[sflag:s3] =	ssyncadd.s32 $0xFFFFFEC0  }
0x10b: {  	[tilespmem:s6], [sflag:$0x1] =	stream.indirect.gather [hbm4b:s4+s5], $0x80, s2, s5, $0xb8;
	[tilespmem:$0x14300] =	vst v63  }
0x10c: {  	_ =	swait.ge [sflag:s11], $0xA000  }
0x10d: {  	[sflag:s11] =	ssyncset.done $0x0  }
0x10e: {  	s0 =	rddreg [dreg:$0xa];
	[sflag:s11] =	ssyncadd.s32 $0xFFFF6000  }
0x10f: {  	[hbm4b:s0+s2] =	stream.linear.scatter [tilespmem:s8], [sflag:$0x4], $0xA000, $0x38;
	[tilespmem:$0x14300] =	vst v63  }
0x110: {  	_ =	swait.ge [sflag:s12], $0xA000  }
0x111: {  	[sflag:s12] =	ssyncset.done $0x0  }
0x112: {  	s0 =	rddreg [dreg:$0xb];
	[sflag:s12] =	ssyncadd.s32 $0xFFFF6000  }
0x113: {  	[tilespmem:s7], [sflag:$0x5] =	stream.linear.gather [hbm4b:s0+s2], $0x140, $0x38;
	[tilespmem:$0x14300] =	vst v63  }
0x114: {  	_ =	swait.ge [sflag:s3], $0x140  }
0x115: {  	[sflag:s3] =	ssyncset.done $0x0  }
0x116: {  	[sflag:s3] =	ssyncadd.s32 $0xFFFFFEC0  }
0x117: {  	[tilespmem:s8], [sflag:$0x2] =	stream.indirect.gather [hbm4b:s4+s5], $0x80, s7, s5, $0xb8;
	[tilespmem:$0x14300] =	vst v63  }
0x118: {  	_ =	swait.ge [sflag:s9], $0xA000  }
0x119: {  	[sflag:s9] =	ssyncset.done $0x0  }
0x11a: {  	s0 =	rddreg [dreg:$0xc];
	[sflag:s9] =	ssyncadd.s32 $0xFFFF6000  }
0x11b: {  	[hbm4b:s0+s2] =	stream.linear.scatter [tilespmem:s6], [sflag:$0x3], $0xA000, $0x38;
	[tilespmem:$0x14300] =	vst v63  }
0x11c: {  	_ =	swait.ge [sflag:s10], $0xA000  }
0x11d: {  	[sflag:s10] =	ssyncset.done $0x0  }
0x11e: {  	s0 =	rddreg [dreg:$0xd];
	[sflag:s10] =	ssyncadd.s32 $0xFFFF6000  }
0x11f: {  	[tilespmem:s2], [sflag:$0x5] =	stream.linear.gather [hbm4b:s0+s2], $0x140, $0x38;
	[tilespmem:$0x14300] =	vst v63  }
0x120: {  	_ =	swait.ge [sflag:s3], $0x140  }
0x121: {  	[sflag:s3] =	ssyncset.done $0x0  }
0x122: {  	[sflag:s3] =	ssyncadd.s32 $0xFFFFFEC0  }
0x123: {  	[tilespmem:s6], [sflag:$0x1] =	stream.indirect.gather [hbm4b:s4+s5], $0x80, s2, s5, $0xb8;
	[tilespmem:$0x14300] =	vst v63  }
0x124: {  	_ =	swait.ge [sflag:s11], $0xA000  }
0x125: {  	[sflag:s11] =	ssyncset.done $0x0  }
0x126: {  	s0 =	rddreg [dreg:$0xe];
	[sflag:s11] =	ssyncadd.s32 $0xFFFF6000  }
0x127: {  	[hbm4b:s0+s2] =	stream.linear.scatter [tilespmem:s8], [sflag:$0x4], $0xA000, $0x38;
	[tilespmem:$0x14300] =	vst v63  }
0x128: {  	_ =	swait.ge [sflag:s12], $0xA000  }
0x129: {  	[sflag:s12] =	ssyncset.done $0x0  }
0x12a: {  	s0 =	rddreg [dreg:$0xf];
	[sflag:s12] =	ssyncadd.s32 $0xFFFF6000  }
0x12b: {  	[tilespmem:s7], [sflag:$0x5] =	stream.linear.gather [hbm4b:s0+s2], $0x140, $0x38;
	[tilespmem:$0x14300] =	vst v63  }
0x12c: {  	_ =	swait.ge [sflag:s3], $0x140  }
0x12d: {  	[sflag:s3] =	ssyncset.done $0x0  }
0x12e: {  	[sflag:s3] =	ssyncadd.s32 $0xFFFFFEC0  }
0x12f: {  	[tilespmem:s8], [sflag:$0x2] =	stream.indirect.gather [hbm4b:s4+s5], $0x80, s7, s5, $0xb8;
	[tilespmem:$0x14300] =	vst v63  }
0x130: {  	_ =	swait.ge [sflag:s9], $0xA000  }
0x131: {  	[sflag:s9] =	ssyncset.done $0x0  }
0x132: {  	[sflag:s9] =	ssyncadd.s32 $0xFFFF6000  }
0x133: {  	[hbm4b:s13+s2] =	stream.linear.scatter [tilespmem:s6], [sflag:$0x3], $0xA000, $0x38;
	[tilespmem:$0x14300] =	vst v63  }
0x134: {  	_ =	swait.ge [sflag:s10], $0xA000  }
0x135: {  	[sflag:s10] =	ssyncset.done $0x0  }
0x136: {  	[sflag:s10] =	ssyncadd.s32 $0xFFFF6000  }
0x137: {  	[tilespmem:s2], [sflag:$0x5] =	stream.linear.gather [hbm4b:s14+s2], $0x140, $0x38;
	[tilespmem:$0x14300] =	vst v63  }
0x138: {  	_ =	swait.ge [sflag:s3], $0x140  }
0x139: {  	[sflag:s3] =	ssyncset.done $0x0  }
0x13a: {  	[sflag:s3] =	ssyncadd.s32 $0xFFFFFEC0  }
0x13b: {  	[tilespmem:s6], [sflag:$0x1] =	stream.indirect.gather [hbm4b:s4+s5], $0x80, s2, s5, $0xb8;
	[tilespmem:$0x14300] =	vst v63  }
0x13c: {  	_ =	swait.ge [sflag:s11], $0xA000  }
0x13d: {  	[sflag:s11] =	ssyncset.done $0x0  }
0x13e: {  	[sflag:s11] =	ssyncadd.s32 $0xFFFF6000  }
0x13f: {  	[hbm4b:s15+s2] =	stream.linear.scatter [tilespmem:s8], [sflag:$0x4], $0xA000, $0x38;
	[tilespmem:$0x14300] =	vst v63  }
0x140: {  	_ =	swait.ge [sflag:s12], $0xA000  }
0x141: {  	[sflag:s12] =	ssyncset.done $0x0  }
0x142: {  	[sflag:s12] =	ssyncadd.s32 $0xFFFF6000  }
0x143: {  	[tilespmem:s7], [sflag:$0x5] =	stream.linear.gather [hbm4b:s16+s2], $0x140, $0x38;
	[tilespmem:$0x14300] =	vst v63  }
0x144: {  	_ =	swait.ge [sflag:s3], $0x140  }
0x145: {  	[sflag:s3] =	ssyncset.done $0x0  }
0x146: {  	[sflag:s3] =	ssyncadd.s32 $0xFFFFFEC0  }
0x147: {  	[tilespmem:s8], [sflag:$0x2] =	stream.indirect.gather [hbm4b:s4+s5], $0x80, s7, s5, $0xb8;
	[tilespmem:$0x14300] =	vst v63  }
0x148: {  	_ =	swait.ge [sflag:s9], $0xA000  }
0x149: {  	[sflag:s9] =	ssyncset.done $0x0  }
0x14a: {  	[sflag:s9] =	ssyncadd.s32 $0xFFFF6000  }
0x14b: {  	[hbm4b:s17+s2] =	stream.linear.scatter [tilespmem:s6], [sflag:$0x3], $0xA000, $0x38;
	[tilespmem:$0x14300] =	vst v63  }
0x14c: {  	_ =	swait.ge [sflag:s10], $0xA000  }
0x14d: {  	[sflag:s10] =	ssyncset.done $0x0  }
0x14e: {  	[sflag:s10] =	ssyncadd.s32 $0xFFFF6000  }
0x14f: {  	[tilespmem:s2], [sflag:$0x5] =	stream.linear.gather [hbm4b:s18+s2], $0x140, $0x38;
	[tilespmem:$0x14300] =	vst v63  }
0x150: {  	_ =	swait.ge [sflag:s3], $0x140  }
0x151: {  	[sflag:s3] =	ssyncset.done $0x0  }
0x152: {  	[sflag:s3] =	ssyncadd.s32 $0xFFFFFEC0  }
0x153: {  	[tilespmem:s6], [sflag:$0x1] =	stream.indirect.gather [hbm4b:s4+s5], $0x80, s2, s5, $0xb8;
	[tilespmem:$0x14300] =	vst v63  }
0x154: {  	_ =	swait.ge [sflag:s11], $0xA000  }
0x155: {  	[sflag:s11] =	ssyncset.done $0x0  }
0x156: {  	[sflag:s11] =	ssyncadd.s32 $0xFFFF6000  }
0x157: {  	[hbm4b:s19+s2] =	stream.linear.scatter [tilespmem:s8], [sflag:$0x4], $0xA000, $0x38;
	[tilespmem:$0x14300] =	vst v63  }
0x158: {  	_ =	swait.ge [sflag:s12], $0xA000  }
0x159: {  	[sflag:s12] =	ssyncset.done $0x0  }
0x15a: {  	[sflag:s12] =	ssyncadd.s32 $0xFFFF6000  }
0x15b: {  	[tilespmem:s7], [sflag:$0x5] =	stream.linear.gather [hbm4b:s20+s2], $0x140, $0x38;
	[tilespmem:$0x14300] =	vst v63  }
0x15c: {  	_ =	swait.ge [sflag:s3], $0x140  }
0x15d: {  	[sflag:s3] =	ssyncset.done $0x0  }
0x15e: {  	[sflag:s3] =	ssyncadd.s32 $0xFFFFFEC0  }
0x15f: {  	[tilespmem:s8], [sflag:$0x2] =	stream.indirect.gather [hbm4b:s4+s5], $0x80, s7, s5, $0xb8;
	[tilespmem:$0x14300] =	vst v63  }
0x160: {  	_ =	swait.ge [sflag:s9], $0xA000  }
0x161: {  	[sflag:s9] =	ssyncset.done $0x0  }
0x162: {  	[sflag:s9] =	ssyncadd.s32 $0xFFFF6000  }
0x163: {  	[hbm4b:s21+s2] =	stream.linear.scatter [tilespmem:s6], [sflag:$0x3], $0xA000, $0x38;
	[tilespmem:$0x14300] =	vst v63  }
0x164: {  	_ =	swait.ge [sflag:s10], $0xA000  }
0x165: {  	[sflag:s10] =	ssyncset.done $0x0  }
0x166: {  	[sflag:s10] =	ssyncadd.s32 $0xFFFF6000  }
0x167: {  	[tilespmem:s2], [sflag:$0x5] =	stream.linear.gather [hbm4b:s22+s2], $0x140, $0x38;
	[tilespmem:$0x14300] =	vst v63  }
0x168: {  	_ =	swait.ge [sflag:s3], $0x140  }
0x169: {  	[sflag:s3] =	ssyncset.done $0x0  }
0x16a: {  	[sflag:s3] =	ssyncadd.s32 $0xFFFFFEC0  }
0x16b: {  	[tilespmem:s6], [sflag:$0x1] =	stream.indirect.gather [hbm4b:s4+s5], $0x80, s2, s5, $0xb8;
	[tilespmem:$0x14300] =	vst v63  }
0x16c: {  	_ =	swait.ge [sflag:s11], $0xA000  }
0x16d: {  	[sflag:s11] =	ssyncset.done $0x0  }
0x16e: {  	[sflag:s11] =	ssyncadd.s32 $0xFFFF6000  }
0x16f: {  	[hbm4b:s23+s2] =	stream.linear.scatter [tilespmem:s8], [sflag:$0x4], $0xA000, $0x38;
	[tilespmem:$0x14300] =	vst v63  }
0x170: {  	_ =	swait.ge [sflag:s12], $0xA000  }
0x171: {  	[sflag:s12] =	ssyncset.done $0x0  }
0x172: {  	[sflag:s12] =	ssyncadd.s32 $0xFFFF6000  }
0x173: {  	[tilespmem:s7], [sflag:$0x5] =	stream.linear.gather [hbm4b:s24+s2], $0x140, $0x38;
	[tilespmem:$0x14300] =	vst v63  }
0x174: {  	_ =	swait.ge [sflag:s3], $0x140  }
0x175: {  	[sflag:s3] =	ssyncset.done $0x0  }
0x176: {  	[sflag:s3] =	ssyncadd.s32 $0xFFFFFEC0  }
0x177: {  	[tilespmem:s8], [sflag:$0x2] =	stream.indirect.gather [hbm4b:s4+s5], $0x80, s7, s5, $0xb8;
	[tilespmem:$0x14300] =	vst v63  }
0x178: {  	_ =	swait.ge [sflag:s9], $0xA000  }
0x179: {  	[sflag:s9] =	ssyncset.done $0x0  }
0x17a: {  	[sflag:s9] =	ssyncadd.s32 $0xFFFF6000  }
0x17b: {  	[hbm4b:s25+s2] =	stream.linear.scatter [tilespmem:s6], [sflag:$0x3], $0xA000, $0x38;
	[tilespmem:$0x14300] =	vst v63  }
0x17c: {  	_ =	swait.ge [sflag:s10], $0xA000  }
0x17d: {  	[sflag:s10] =	ssyncset.done $0x0  }
0x17e: {  	[sflag:s10] =	ssyncadd.s32 $0xFFFF6000  }
0x17f: {  	[tilespmem:s2], [sflag:$0x5] =	stream.linear.gather [hbm4b:s26+s2], $0x140, $0x38;
	[tilespmem:$0x14300] =	vst v63  }
0x180: {  	_ =	swait.ge [sflag:s3], $0x140  }
0x181: {  	[sflag:s3] =	ssyncset.done $0x0  }
0x182: {  	[sflag:s3] =	ssyncadd.s32 $0xFFFFFEC0  }
0x183: {  	[tilespmem:s6], [sflag:$0x1] =	stream.indirect.gather [hbm4b:s4+s5], $0x80, s2, s5, $0xb8;
	[tilespmem:$0x14300] =	vst v63  }
0x184: {  	_ =	swait.ge [sflag:s11], $0xA000  }
0x185: {  	[sflag:s11] =	ssyncset.done $0x0  }
0x186: {  	[sflag:s11] =	ssyncadd.s32 $0xFFFF6000  }
0x187: {  	[hbm4b:s28+s2] =	stream.linear.scatter [tilespmem:s8], [sflag:$0x4], $0xA000, $0x38;
	[tilespmem:$0x14300] =	vst v63  }
0x188: {  	_ =	swait.ge [sflag:s12], $0xA000  }
0x189: {  	[sflag:s12] =	ssyncset.done $0x0  }
0x18a: {  	[sflag:s12] =	ssyncadd.s32 $0xFFFF6000  }
0x18b: {  	[tilespmem:s7], [sflag:$0x5] =	stream.linear.gather [hbm4b:s29+s2], $0x140, $0x38;
	[tilespmem:$0x14300] =	vst v63  }
0x18c: {  	_ =	swait.ge [sflag:s3], $0x140  }
0x18d: {  	[sflag:s3] =	ssyncset.done $0x0  }
0x18e: {  	[sflag:s3] =	ssyncadd.s32 $0xFFFFFEC0  }
0x18f: {  	[tilespmem:s8], [sflag:$0x2] =	stream.indirect.gather [hbm4b:s4+s5], $0x80, s7, s5, $0xb8;
	[tilespmem:$0x14300] =	vst v63  }
0x190: {  	_ =	swait.ge [sflag:s9], $0xA000  }
0x191: {  	[sflag:s9] =	ssyncset.done $0x0  }
0x192: {  	[sflag:s9] =	ssyncadd.s32 $0xFFFF6000  }
0x193: {  	[hbm4b:s30+s2] =	stream.linear.scatter [tilespmem:s6], [sflag:$0x3], $0xA000, $0x38;
	[tilespmem:$0x14300] =	vst v63  }
0x194: {  	_ =	swait.ge [sflag:s11], $0xA000  }
0x195: {  	[sflag:s11] =	ssyncset.done $0x0  }
0x196: {  	p0 =	sne.s32 s1, $0x1;
	[sflag:s11] =	ssyncadd.s32 $0xFFFF6000  }
0x197: {  	[hbm4b:s31+s2] =	stream.linear.scatter [tilespmem:s8], [sflag:$0x4], $0xA000, $0x38;
	[tilespmem:$0x14300] =	vst v63  }
.Ltmp1:
0x198: {  	_ =	swait.ge [sflag:s10], $0xA000;
	(pc) =	sbr.rel @p0 .LBB2_1-.Ltmp1, $4  }
0x199: {  	[sflag:s10] =	ssyncset.done $0x0  }
0x19a: {  	[sflag:s10] =	ssyncadd.s32 $0xFFFF6000  }
0x19b: {  	_ =	swait.ge [sflag:s12], $0xA000  }
0x19c: {  	s1 =	sadd.s32 $0xFFFFFFFF, s1;
	[sflag:s12] =	ssyncset.done $0x0  }
.LBB2_2:
0x19d: {  	[sflag:s12] =	ssyncadd.s32 $0xFFFF6000  }
0x19e: {  	_ =	sfence.sel $0x180000  }
0x19f: {  	[bflag:$0x0] =	sbarrier.arrive $0xFFFF  }
0x1a0: {  	_ =	strace $0x9000004A  }
0x1a1: {  	s0 =	stileid.u32;
	[bflag:$0x2] =	sbarrier.arrive $0xFFFF  }
0x1a2: {  	p0 =	sne.s32 s0, $0x0;
	s0 =	rddreg [dreg:$0x1]  }
0x1a3: {  	s0 =	sadd.s32 @!p0 $0x100000, s0  }
0x1a4: {  	[sflag:s0] =	ssyncadd.tile.s32 @!p0 $0x1;
	_ =	shalt  }
.Lfunc_end2:
_tile_overlayer_lowered:
.L_overlay_start_2:
0x1a5: {  	(tag) =	ssettag $0x2  }
0x1a6: {  	s0 =	rddreg [dreg:$0x0];
	s2 =	stileid.u32  }
0x1a7: {  	s1 =	rddreg [dreg:$0x1];
	p0 =	sne.s32 s2, $0x0  }
0x1a8: {  	s3 =	rddreg [dreg:$0x2];
	[bflag:$0x3] =	sbarrier.arrive $0xFFFF;
	s2 =	simm.s32 @!p0 $0x1C05  }
0x1a9: {  	[timem:s3], [sflag:s2] =	dma.local @!p0 [hbm:s0], s1  }
0x1aa: {  	s0 =	simm.s32 @!p0 $0x5  }
0x1ab: {  	_ =	swait.ge @!p0 [sflag:s0], s1  }
0x1ac: {  	s1 =	ssub.s32 @!p0 $0x0, s1;
	[sflag:s0] =	ssyncset.done @!p0 $0x0  }
0x1ad: {  	[sflag:s0] =	ssyncadd.s32 @!p0 s1  }
0x1ae: {  	[bflag:$0x3] =	sbarrier.arrive $0xFFFF  }
0x1af: {  	_ =	shalt  }

// kernel: kernel.9.cloned.1.call-start
scs
__scs_entry_jumppad:
0x0: {  	(pc) =	sbr.rel $0x88, $3  }
0x1: {  	(tag) =	ssettag $0x0;
	lr =	simm.s32 $0x1  }
0x2: {  	[smem:$0x3F9E] =	sst lr;
	_ =	strace $0xD0000000  }
0x3: {  	_ = 	snop  }
0x4: {  	_ = 	snop  }
0x5: {  	_ = 	snop  }
0x6: {  	_ = 	snop  }
0x7: {  	_ = 	snop  }
__scs_overlays_trampoline_lowered:
0x8: {  	[smem:$0x3FAD] =	sst s0  }
0x9: {  	[smem:$0x3FAE] =	sst s1  }
0xa: {  	[smem:$0x3FAF] =	sst s2  }
0xb: {  	[smem:$0x3FB0] =	sst s3  }
0xc: {  	[smem:$0x3FB1] =	sst s4  }
0xd: {  	[smem:$0x3FB2] =	sst s5  }
0xe: {  	[smem:$0x3FB3] =	sst s6  }
0xf: {  	[smem:$0x3FB4] =	sst s7  }
0x10: {  	[smem:$0x3FB5] =	sst s8  }
0x11: {  	[smem:$0x3FB6] =	sst s9;
	s0 =	simm.s32 @!p0 $0x0  }
0x12: {  	s1 =	sld [smem:$0x3F9C];
	s0 =	simm.s32 @p0 $0x1  }
0x13: {  	[smem:$0x3FB7] =	sst s0;
	s0 =	simm.s32 @!p1 $0x0  }
0x14: {  	s2 =	sld [smem:$0x3F9B];
	s0 =	simm.s32 @p1 $0x1  }
0x15: {  	[smem:$0x3FB8] =	sst s0;
	s0 =	simm.s32 @!p2 $0x0  }
0x16: {  	s3 =	sld [smem:$0x3FDB];
	s0 =	simm.s32 @p2 $0x1  }
0x17: {  	s4 =	simm.s32 $0x1BF5;
	[smem:$0x3FBA] =	sst s0  }
0x18: {  	s0 =	sld [smem:$0x3F9D];
	_ =	swait.ge [sflag:s4], $0x0  }
0x19: {  	s7 =	sld [smem:$0x3F9E]  }
0x1a: {  	s8 =	sadd.s32 $0xFFFFE003, lr  }
0x1b: {  	s9 =	sadd.s32 $0xFFFFFEF7, lr;
	s5 =	simm.s32 $0xFFFFFFFF;
	p2 =	slt.u32 s8, $0xFFFFF086  }
0x1c: {  	p1 =	slt.u32 s9, $0xF7A;
	s5 =	simm.s32 @!p2 $0x0  }
0x1d: {  	s5 =	simm.s32 @p1 $0x1;
	p0 =	seq.s32 s7, s2  }
0x1e: {  	s7 =	smul.u32 @!p0 $0xF7A, s2;
	p2 =	seq.s32 @!p0 s5, $0x0  }
0x1f: {  	s9 =	smul.u32 $0xF7A, s1;
	s8 =	simm.s32 @!p0 $0x1BF5;
	p2 =	por !p2, p0  }
0x20: {  	[sflag:s8] =	ssyncset.s32 @!p0 $0xFFFFF086;
	s6 =	sadd.s32 @!p0 s3, s7;
	s7 =	simm.s32 @!p0 $0x108  }
0x21: {  	s3 =	sadd.s32 s3, s9;
	s6 =	sadd.s32 @!p0 $0x88, s6;
	s7 =	simm.s32 @p2 $0x1082  }
0x22: {  	[simem:s7], [sflag:s8] =	dma.local @!p0 [hbm:s6], $0xF7A  }
0x23: {  	s9 =	sor.u32 $0xD0000000, s2;
	s6 =	simm.s32 $0x108;
	_ =	swait.ge @!p0 [sflag:s8], $0x0  }
0x24: {  	s3 =	sadd.s32 $0x88, s3;
	s6 =	simm.s32 @!p1 $0x1082;
	[sflag:s4] =	ssyncset.s32 $0xFFFFF086  }
0x25: {  	[simem:s6], [sflag:s4] =	dma.local [hbm:s3], $0xF7A  }
0x26: {  	[smem:$0x3F9E] =	sst s1;
	(tag) =	ssettag s2;
	_ =	strace s9  }
0x27: {  	s1 =	sld [smem:$0x3FAE]  }
0x28: {  	s2 =	sld [smem:$0x3FAF]  }
0x29: {  	s4 =	sld [smem:$0x3FB1]  }
0x2a: {  	p0 =	seq.s32 s5, $0x0;
	s5 =	sld [smem:$0x3FB2]  }
0x2b: {  	s6 =	sld [smem:$0x3FB3]  }
0x2c: {  	s7 =	sld [smem:$0x3FB4]  }
0x2d: {  	s3 =	simm.s32 $0x108;
	s8 =	sld [smem:$0x3FB5]  }
0x2e: {  	s3 =	simm.s32 @!p0 $0x1082;
	s9 =	sld [smem:$0x3FB6]  }
0x2f: {  	lr =	sadd.s32 s0, s3;
	s0 =	sld [smem:$0x3FAD]  }
0x30: {  	s3 =	sld [smem:$0x3FB0]  }
0x31: {  	[smem:$0x3FB9] =	sst s10  }
0x32: {  	s10 =	sld [smem:$0x3FB7];
	_ =	sdelay $0x3  }
0x33: {  	p0 =	seq.s32 s10, $0x1;
	s10 =	sld [smem:$0x3FB9];
	_ =	sdelay $0x3  }
0x34: {  	[smem:$0x3FB9] =	sst s10  }
0x35: {  	s10 =	sld [smem:$0x3FB8];
	_ =	sdelay $0x3  }
0x36: {  	p1 =	seq.s32 s10, $0x1;
	s10 =	sld [smem:$0x3FB9];
	_ =	sdelay $0x3  }
0x37: {  	[smem:$0x3FB9] =	sst s10  }
0x38: {  	s10 =	sld [smem:$0x3FBA]  }
0x39: {  	_ = 	snop;
	(pc) =	sbr.ind lr, $3  }
0x3a: {  	_ = 	snop  }
0x3b: {  	_ = 	snop  }
0x3c: {  	p2 =	seq.s32 s10, $0x1;
	s10 =	sld [smem:$0x3FB9]  }
0x3d: {  	_ =	shalt  }
0x3e: {  	_ =	shalt  }
0x3f: {  	_ =	shalt  }
0x40: {  	_ =	shalt  }
0x41: {  	_ =	shalt  }
0x42: {  	_ =	shalt  }
0x43: {  	_ =	shalt  }
0x44: {  	_ =	shalt  }
0x45: {  	_ =	shalt  }
0x46: {  	_ =	shalt  }
0x47: {  	_ =	shalt  }
0x48: {  	_ =	shalt  }
0x49: {  	_ =	shalt  }
0x4a: {  	_ =	shalt  }
0x4b: {  	_ =	shalt  }
0x4c: {  	_ =	shalt  }
0x4d: {  	_ =	shalt  }
0x4e: {  	_ =	shalt  }
0x4f: {  	_ =	shalt  }
0x50: {  	_ =	shalt  }
0x51: {  	_ =	shalt  }
0x52: {  	_ =	shalt  }
0x53: {  	_ =	shalt  }
0x54: {  	_ =	shalt  }
0x55: {  	_ =	shalt  }
0x56: {  	_ =	shalt  }
0x57: {  	_ =	shalt  }
0x58: {  	_ =	shalt  }
0x59: {  	_ =	shalt  }
0x5a: {  	_ =	shalt  }
0x5b: {  	_ =	shalt  }
0x5c: {  	_ =	shalt  }
0x5d: {  	_ =	shalt  }
0x5e: {  	_ =	shalt  }
0x5f: {  	_ =	shalt  }
0x60: {  	_ =	shalt  }
0x61: {  	_ =	shalt  }
0x62: {  	_ =	shalt  }
0x63: {  	_ =	shalt  }
0x64: {  	_ =	shalt  }
0x65: {  	_ =	shalt  }
0x66: {  	_ =	shalt  }
0x67: {  	_ =	shalt  }
0x68: {  	_ =	shalt  }
0x69: {  	_ =	shalt  }
0x6a: {  	_ =	shalt  }
0x6b: {  	_ =	shalt  }
0x6c: {  	_ =	shalt  }
0x6d: {  	_ =	shalt  }
0x6e: {  	_ =	shalt  }
0x6f: {  	_ =	shalt  }
0x70: {  	_ =	shalt  }
0x71: {  	_ =	shalt  }
0x72: {  	_ =	shalt  }
0x73: {  	_ =	shalt  }
0x74: {  	_ =	shalt  }
0x75: {  	_ =	shalt  }
0x76: {  	_ =	shalt  }
0x77: {  	_ =	shalt  }
0x78: {  	_ =	shalt  }
0x79: {  	_ =	shalt  }
0x7a: {  	_ =	shalt  }
0x7b: {  	_ =	shalt  }
0x7c: {  	_ =	shalt  }
0x7d: {  	_ =	shalt  }
0x7e: {  	_ =	shalt  }
0x7f: {  	_ =	shalt  }
0x80: {  	_ =	shalt  }
0x81: {  	_ =	shalt  }
0x82: {  	_ =	shalt  }
0x83: {  	_ =	shalt  }
0x84: {  	_ =	shalt  }
0x85: {  	_ =	shalt  }
0x86: {  	_ =	shalt  }
0x87: {  	_ =	shalt  }
.Lfunc_end0:
.L_simem_size_0:
called_computation.2_lowered:
.L_overlay_start_0:
0x88: {  	s2 =	sld [smem:$0x3FD9]  }
0x89: {  	s3 =	sld [smem:$0x3FFE];
	_ =	sdelay $0x1  }
0x8a: {  	s1 =	srdreg.scid  }
0x8b: {  	s0 =	sand.u32 $0x1, s1  }
0x8c: {  	s17 =	sshll.u32 s0, $0xA;
	s2 =	sadd.s32 s3, s2  }
0x8d: {  	s2 =	sadd.s32 s2, s17  }
0x8e: {  	[smem:$0x3FC5] =	sst s2  }
0x8f: {  	_ = 	snop  }
0x90: {  	s2 =	sld [smem:$0x3FC7]  }
0x91: {  	s18 =	sld [smem:$0x3FD0];
	(tm) =	ssettm $0x1  }
0x92: {  	s4 =	sld [smem:$0x3FFB];
	_ =	sdelay $0x3  }
0x93: {  	_ =	strace s4  }
0x94: {  	s4 =	sld [smem:$0x3FFC];
	_ =	sdelay $0x3  }
0x95: {  	_ =	strace s4  }
0x96: {  	s4 =	sld [smem:$0x3FFD];
	_ =	sdelay $0x3  }
0x97: {  	_ =	strace s4  }
0x98: {  	_ =	strace $0x8FFFFFFF  }
0x99: {  	s19 =	sld [smem:$0x3FDB];
	_ =	sdelay $0x1  }
0x9a: {  	s5 =	simm.s32 $_scs_section_size  }
0x9b: {  	s6 =	simm.s32 $_size__tile_overlayer_lowered;
	s7 =	simm.s32 $_tile_overlayer_lowered  }
0x9c: {  	s22 =	simm.s32 $0x1BFF;
	s21 =	sshll.u32 s7, $0x1;
	s4 =	sadd.s32 s5, s19  }
0x9d: {  	s8 =	simm.s32 $0x0;
	s20 =	sshll.u32 s6, $0x1;
	s6 =	sadd.s32 s21, s4  }
0x9e: {  	[timem:s8], [sflag:s22] =	dma.local [hbm:s6], s20  }
0x9f: {  	_ =	swait.ge [sflag:s22], s20  }
0xa0: {  	s5 =	ssub.s32 $0x0, s20;
	[sflag:s22] =	ssyncset.done $0x0  }
0xa1: {  	[sflag:s22] =	ssyncadd.s32 s5;
	_ =	sdelay $0x1  }
0xa2: {  	s23 =	simm.s32 $0x1B8B  }
0xa3: {  	_ =	swait.ge [sflag:s23], $0x1  }
0xa4: {  	[sflag:s23] =	ssyncset.done $0x0  }
0xa5: {  	s25 =	simm.s32 $0x1B8E;
	s24 =	sld [smem:$0x3FFE];
	[sflag:s23] =	ssyncadd.s32 $0xFFFFFFFF  }
0xa6: {  	s26 =	simm.s32 $execute0_lowered;
	[smem:$0x3FD2] =	sst s25  }
0xa7: {  	s6 =	sshll.u32 s26, $0x1;
	_ =	strace $0x8000004C;
	[dreg:$0x1] =	wrdreg $0xFFFFFFFF  }
0xa8: {  	s28 =	simm.s32 $_size_execute0_lowered;
	s4 =	sadd.s32 s4, s6;
	[dreg:$0x0] =	wrdreg $0x0  }
0xa9: {  	s6 =	sshll.u32 s28, $0x1;
	[dreg:$0x2] =	wrdreg s4  }
0xaa: {  	[dreg:$0x3] =	wrdreg s6  }
0xab: {  	[dreg:$0x4] =	wrdreg $0xC0  }
0xac: {  	_ =	task [dreg:s8], $0x5FFFF  }
0xad: {  	[dreg:$0x1] =	wrdreg $0xFFFFFFFF  }
0xae: {  	[dreg:$0x0] =	wrdreg $0x60  }
0xaf: {  	[dreg:$0x2] =	wrdreg s24  }
0xb0: {  	[dreg:$0x3] =	wrdreg s2  }
0xb1: {  	[dreg:$0x4] =	wrdreg s18  }
0xb2: {  	[dreg:$0x5] =	wrdreg $0x9  }
0xb3: {  	_ =	task.clear_ibuf [dreg:s8], $0x6FFFF;
	_ =	strace $0x9000004C  }
0xb4: {  	s29 =	simm.s32 $0x9;
	_ =	strace $0x8000004E  }
0xb5: {  	_ =	swait.ge [sflag:s29], $0x1  }
0xb6: {  	[sflag:s29] =	ssyncadd.s32 $0xFFFFFFFF  }
0xb7: {  	_ =	strace $0x9000004E  }
0xb8: {  	_ =	sfence  }
0xb9: {  	s30 =	sld [smem:$0x0];
	_ =	sdelay $0x2  }
0xba: {  	s31 =	sshll.u32 s1, $0xD;
	s1 =	sshrl.u32 s1, $0x2  }
0xbb: {  	s3 =	sand.u32 $0x4000, s31;
	s1 =	sadd.s32 s1, s30  }
0xbc: {  	s0 =	sor.u32 s3, s0;
	s1 =	sshll.u32 s1, $0x11  }
0xbd: {  	s0 =	sor.u32 s1, s0  }
0xbe: {  	s0 =	sadd.s32 $0x8F2B, s0  }
0xbf: {  	[sflag:s0] =	ssyncadd.remote.s32 $0x1  }
0xc0: {  	_ =	sfence.sel $0xFFFF  }
0xc1: {  	[dreg:$0x0] =	wrdreg $0xFFFFFFFF;
	(pc) =	sbr.abs _section_cstart, $3  }
0xc2: {  	[dreg:$0x1] =	wrdreg $0xFFFFFFFF  }
0xc3: {  	_ =	task.clear_ibuf [dreg:s8], $0x2FFFF;
	_ =	strace $0x9FFFFFFF  }
0xc4: {  	(tm) =	ssettm $0x7FFFFFFF  }
0xc5: {  	_ =	shalt  }
tec
execute0_lowered:
.L_overlay_start_1:
0x0: {  	(tag) =	ssettag $0x1  }
0x1: {  	s4 =	rddreg [dreg:$0x0]  }
0x2: {  	s2 =	rddreg [dreg:$0x1];
	s1 =	srdreg.scid  }
0x3: {  	s0 =	stileid.u32;
	s5 =	rddreg [dreg:$0x2]  }
0x4: {  	s3 =	simm.s32 $0x0;
	s9 =	simm.s32 $0x1;
	s10 =	simm.s32 $0x14280  }
0x5: {  	s11 =	simm.s32 $0x0;
	s6 =	sand.u32 $0x1, s1;
	s7 =	sshll.u32 s0, $0x1  }
0x6: {  	s1 =	rddreg [dreg:$0x3];
	s7 =	sor.u32 s6, s7;
	s6 =	ssub.s32 $0x2, s6  }
0x7: {  	[smem:$0x7FF] =	sst s3;
	s8 =	smul.u32 $0x50, s7;
	s31 =	sshrl.u32 s6, $0x1  }
0x8: {  	_ =	strace $0x8000004D;
	s7 =	sshll.u32 s7, $0xB;
	s6 =	ssub.s32 s6, s31  }
0x9: {  	s5 =	sadd.s32 s5, s7;
	s7 =	simm.s32 $0x2;
	s4 =	sadd.s32 s8, s4  }
0xa: {  	s6 =	smax.u32 s6, $0x1;
	s8 =	simm.s32 $0x280;
	s4 =	sadd.s32 $0x600, s4  }
.LBB2_1:
0xb: {  	[tilespmem:s3], [sflag:$0x2] =	stream.linear.gather [hbm4b:s4+s3], $0x280, $0x38;
	[tilespmem:$0x18280] =	vst v63  }
0xc: {  	_ =	swait.ge [sflag:s7], $0x280  }
0xd: {  	[sflag:s7] =	ssyncset.done $0x0  }
0xe: {  	[sflag:s7] =	ssyncadd.s32 $0xFFFFFD80  }
0xf: {  	[tilespmem:s8], [sflag:$0x1] =	stream.indirect.gather [hbm4b:s2+s8], $0x80, s3, s8, $0xb8;
	[tilespmem:$0x18280] =	vst v63  }
0x10: {  	_ =	swait.ge [sflag:s9], $0x14000  }
0x11: {  	[sflag:s9] =	ssyncset.done $0x0  }
0x12: {  	s12 =	simm.s32 $0x3C0;
	[sflag:s9] =	ssyncadd.s32 $0xFFFEC000  }
0x13: {  	v0 =	vld [tilespmem:s12+$0xFFFFFF40]  }
0x14: {  	v1 =	vld [tilespmem:s12+$0xFFFFFEC0];
	_ =	sdelay $0x1  }
0x15: {  	v2 =	vld [tilespmem:s12+$0xFFFFFFC0];
	_ =	sdelay $0x1  }
0x16: {  	v3 =	vld [tilespmem:s12+$0x40]  }
0x17: {  	v0 =	vadd.f32 v0, v1  }
0x18: {  	v1 =	vld [tilespmem:s12+$0xC0]  }
0x19: {  	v0 =	vadd.f32 v2, v0;
	_ =	sdelay $0x1  }
0x1a: {  	v0 =	vadd.f32 v3, v0;
	_ =	sdelay $0x1  }
0x1b: {  	v0 =	vadd.f32 v1, v0;
	_ =	sdelay $0x1  }
0x1c: {  	v0 =	vmul.f32 $2.000000030e-01, v0  }
0x1d: {  	s13 =	simm.s32 $0x0  }
0x1e: {  	[tilespmem:s13+$0x14280] =	vst v0  }
0x1f: {  	v0 =	vld [tilespmem:s12+$0xFFFFFED0]  }
0x20: {  	v1 =	vld [tilespmem:s12+$0xFFFFFF50];
	_ =	sdelay $0x1  }
0x21: {  	v2 =	vld [tilespmem:s12+$0xFFFFFFD0];
	_ =	sdelay $0x1  }
0x22: {  	v3 =	vld [tilespmem:s12+$0x50]  }
0x23: {  	v0 =	vadd.f32 v1, v0  }
0x24: {  	v1 =	vld [tilespmem:s12+$0xD0]  }
0x25: {  	v0 =	vadd.f32 v2, v0;
	_ =	sdelay $0x1  }
0x26: {  	v0 =	vadd.f32 v3, v0;
	_ =	sdelay $0x1  }
0x27: {  	v0 =	vadd.f32 v1, v0;
	_ =	sdelay $0x1  }
0x28: {  	v0 =	vmul.f32 $2.000000030e-01, v0;
	_ =	sdelay $0x1  }
0x29: {  	[tilespmem:s13+$0x14290] =	vst v0  }
0x2a: {  	v0 =	vld [tilespmem:s12+$0xFFFFFEE0]  }
0x2b: {  	v1 =	vld [tilespmem:s12+$0xFFFFFF60];
	_ =	sdelay $0x1  }
0x2c: {  	v2 =	vld [tilespmem:s12+$0xFFFFFFE0];
	_ =	sdelay $0x1  }
0x2d: {  	v3 =	vld [tilespmem:s12+$0x60]  }
0x2e: {  	v0 =	vadd.f32 v1, v0  }
0x2f: {  	v1 =	vld [tilespmem:s12+$0xE0]  }
0x30: {  	v0 =	vadd.f32 v2, v0;
	_ =	sdelay $0x1  }
0x31: {  	v0 =	vadd.f32 v3, v0;
	_ =	sdelay $0x1  }
0x32: {  	v0 =	vadd.f32 v1, v0;
	_ =	sdelay $0x1  }
0x33: {  	v0 =	vmul.f32 $2.000000030e-01, v0;
	_ =	sdelay $0x1  }
0x34: {  	[tilespmem:s13+$0x142A0] =	vst v0  }
0x35: {  	v0 =	vld [tilespmem:s12+$0xFFFFFEF0]  }
0x36: {  	v1 =	vld [tilespmem:s12+$0xFFFFFF70];
	_ =	sdelay $0x1  }
0x37: {  	v2 =	vld [tilespmem:s12+$0xFFFFFFF0];
	_ =	sdelay $0x1  }
0x38: {  	v3 =	vld [tilespmem:s12+$0x70]  }
0x39: {  	v0 =	vadd.f32 v1, v0  }
0x3a: {  	v1 =	vld [tilespmem:s12+$0xF0]  }
0x3b: {  	v0 =	vadd.f32 v2, v0;
	_ =	sdelay $0x1  }
0x3c: {  	v0 =	vadd.f32 v3, v0;
	_ =	sdelay $0x1  }
0x3d: {  	v0 =	vadd.f32 v1, v0;
	_ =	sdelay $0x1  }
0x3e: {  	v0 =	vmul.f32 $2.000000030e-01, v0;
	_ =	sdelay $0x1  }
0x3f: {  	[tilespmem:s13+$0x142B0] =	vst v0  }
0x40: {  	v0 =	vld [tilespmem:s12+$0xFFFFFF00]  }
0x41: {  	v1 =	vld [tilespmem:s12+$0xFFFFFF80];
	_ =	sdelay $0x1  }
0x42: {  	v2 =	vld [tilespmem:s12+$0x0];
	_ =	sdelay $0x1  }
0x43: {  	v3 =	vld [tilespmem:s12+$0x80]  }
0x44: {  	v0 =	vadd.f32 v1, v0  }
0x45: {  	v1 =	vld [tilespmem:s12+$0x100]  }
0x46: {  	v0 =	vadd.f32 v2, v0;
	_ =	sdelay $0x1  }
0x47: {  	v0 =	vadd.f32 v3, v0;
	_ =	sdelay $0x1  }
0x48: {  	v0 =	vadd.f32 v1, v0;
	_ =	sdelay $0x1  }
0x49: {  	v0 =	vmul.f32 $2.000000030e-01, v0;
	_ =	sdelay $0x1  }
0x4a: {  	[tilespmem:s13+$0x142C0] =	vst v0  }
0x4b: {  	v0 =	vld [tilespmem:s12+$0xFFFFFF10]  }
0x4c: {  	v1 =	vld [tilespmem:s12+$0xFFFFFF90];
	_ =	sdelay $0x1  }
0x4d: {  	v2 =	vld [tilespmem:s12+$0x10];
	_ =	sdelay $0x1  }
0x4e: {  	v3 =	vld [tilespmem:s12+$0x90]  }
0x4f: {  	v0 =	vadd.f32 v1, v0  }
0x50: {  	v1 =	vld [tilespmem:s12+$0x110]  }
0x51: {  	v0 =	vadd.f32 v2, v0;
	_ =	sdelay $0x1  }
0x52: {  	v0 =	vadd.f32 v3, v0;
	_ =	sdelay $0x1  }
0x53: {  	v0 =	vadd.f32 v1, v0;
	_ =	sdelay $0x1  }
0x54: {  	v0 =	vmul.f32 $2.000000030e-01, v0;
	_ =	sdelay $0x1  }
0x55: {  	[tilespmem:s13+$0x142D0] =	vst v0  }
0x56: {  	v0 =	vld [tilespmem:s12+$0xFFFFFF20]  }
0x57: {  	v1 =	vld [tilespmem:s12+$0xFFFFFFA0];
	_ =	sdelay $0x1  }
0x58: {  	v2 =	vld [tilespmem:s12+$0x20];
	_ =	sdelay $0x1  }
0x59: {  	v3 =	vld [tilespmem:s12+$0xA0]  }
0x5a: {  	v0 =	vadd.f32 v1, v0  }
0x5b: {  	v1 =	vld [tilespmem:s12+$0x120]  }
0x5c: {  	v0 =	vadd.f32 v2, v0;
	_ =	sdelay $0x1  }
0x5d: {  	v0 =	vadd.f32 v3, v0;
	_ =	sdelay $0x1  }
0x5e: {  	v0 =	vadd.f32 v1, v0;
	_ =	sdelay $0x1  }
0x5f: {  	v0 =	vmul.f32 $2.000000030e-01, v0;
	_ =	sdelay $0x1  }
0x60: {  	[tilespmem:s13+$0x142E0] =	vst v0  }
0x61: {  	v3 =	vld [tilespmem:s12+$0xFFFFFF30]  }
0x62: {  	v4 =	vld [tilespmem:s12+$0xFFFFFFB0];
	_ =	sdelay $0x1  }
0x63: {  	v2 =	vld [tilespmem:s12+$0x30];
	_ =	sdelay $0x1  }
0x64: {  	v0 =	vld [tilespmem:s12+$0xB0]  }
0x65: {  	s14 =	simm.s32 $0x200;
	v1 =	vld [tilespmem:s12+$0x130];
	v3 =	vadd.f32 v4, v3  }
.LBB2_2:
0x66: {  	p0 =	sne.s32 s14, $0xFE00  }
0x67: {  	s12 =	sadd.s32 $0x280, s12;
	s15 =	smov.u32 s14;
	s14 =	sadd.s32 $0x200, s14;
	v2 =	vadd.f32 v2, v3  }
0x68: {  	_ = 	snop  }
0x69: {  	v0 =	vadd.f32 v0, v2;
	_ =	sdelay $0x1  }
0x6a: {  	v0 =	vadd.f32 v1, v0;
	_ =	sdelay $0x1  }
0x6b: {  	v0 =	vmul.f32 $2.000000030e-01, v0;
	_ =	sdelay $0x1  }
0x6c: {  	[tilespmem:s13+$0x142F0] =	vst v0  }
0x6d: {  	v0 =	vld [tilespmem:s12+$0xFFFFFF40]  }
0x6e: {  	v1 =	vld [tilespmem:s12+$0xFFFFFEC0]  }
0x6f: {  	v2 =	vld [tilespmem:s12+$0xFFFFFFC0];
	_ =	sdelay $0x2  }
0x70: {  	v3 =	vld [tilespmem:s12+$0x40]  }
0x71: {  	v0 =	vadd.f32 v0, v1  }
0x72: {  	v1 =	vld [tilespmem:s12+$0xC0]  }
0x73: {  	v0 =	vadd.f32 v2, v0;
	_ =	sdelay $0x1  }
0x74: {  	v0 =	vadd.f32 v3, v0;
	_ =	sdelay $0x1  }
0x75: {  	v0 =	vadd.f32 v1, v0;
	_ =	sdelay $0x1  }
0x76: {  	v0 =	vmul.f32 $2.000000030e-01, v0  }
0x77: {  	s13 =	sshra.s32 s15, $0x2  }
0x78: {  	[tilespmem:s13+$0x14280] =	vst v0  }
0x79: {  	v0 =	vld [tilespmem:s12+$0xFFFFFED0]  }
0x7a: {  	v1 =	vld [tilespmem:s12+$0xFFFFFF50];
	_ =	sdelay $0x1  }
0x7b: {  	v2 =	vld [tilespmem:s12+$0xFFFFFFD0];
	_ =	sdelay $0x1  }
0x7c: {  	v3 =	vld [tilespmem:s12+$0x50]  }
0x7d: {  	v0 =	vadd.f32 v1, v0  }
0x7e: {  	v1 =	vld [tilespmem:s12+$0xD0]  }
0x7f: {  	v0 =	vadd.f32 v2, v0;
	_ =	sdelay $0x1  }
0x80: {  	v0 =	vadd.f32 v3, v0;
	_ =	sdelay $0x1  }
0x81: {  	v0 =	vadd.f32 v1, v0;
	_ =	sdelay $0x1  }
0x82: {  	v0 =	vmul.f32 $2.000000030e-01, v0;
	_ =	sdelay $0x1  }
0x83: {  	[tilespmem:s13+$0x14290] =	vst v0  }
0x84: {  	v0 =	vld [tilespmem:s12+$0xFFFFFEE0]  }
0x85: {  	v1 =	vld [tilespmem:s12+$0xFFFFFF60];
	_ =	sdelay $0x1  }
0x86: {  	v2 =	vld [tilespmem:s12+$0xFFFFFFE0];
	_ =	sdelay $0x1  }
0x87: {  	v3 =	vld [tilespmem:s12+$0x60]  }
0x88: {  	v0 =	vadd.f32 v1, v0  }
0x89: {  	v1 =	vld [tilespmem:s12+$0xE0]  }
0x8a: {  	v0 =	vadd.f32 v2, v0;
	_ =	sdelay $0x1  }
0x8b: {  	v0 =	vadd.f32 v3, v0;
	_ =	sdelay $0x1  }
0x8c: {  	v0 =	vadd.f32 v1, v0;
	_ =	sdelay $0x1  }
0x8d: {  	v0 =	vmul.f32 $2.000000030e-01, v0;
	_ =	sdelay $0x1  }
0x8e: {  	[tilespmem:s13+$0x142A0] =	vst v0  }
0x8f: {  	v0 =	vld [tilespmem:s12+$0xFFFFFEF0]  }
0x90: {  	v1 =	vld [tilespmem:s12+$0xFFFFFF70]  }
0x91: {  	v2 =	vld [tilespmem:s12+$0xFFFFFFF0];
	_ =	sdelay $0x2  }
0x92: {  	v3 =	vld [tilespmem:s12+$0x70]  }
0x93: {  	v0 =	vadd.f32 v1, v0  }
0x94: {  	v1 =	vld [tilespmem:s12+$0xF0]  }
0x95: {  	v0 =	vadd.f32 v2, v0;
	_ =	sdelay $0x1  }
0x96: {  	v0 =	vadd.f32 v3, v0;
	_ =	sdelay $0x1  }
0x97: {  	v0 =	vadd.f32 v1, v0;
	_ =	sdelay $0x1  }
0x98: {  	v0 =	vmul.f32 $2.000000030e-01, v0;
	_ =	sdelay $0x1  }
0x99: {  	[tilespmem:s13+$0x142B0] =	vst v0  }
0x9a: {  	v0 =	vld [tilespmem:s12+$0xFFFFFF00]  }
0x9b: {  	v1 =	vld [tilespmem:s12+$0xFFFFFF80]  }
0x9c: {  	v2 =	vld [tilespmem:s12+$0x0];
	_ =	sdelay $0x2  }
0x9d: {  	v3 =	vld [tilespmem:s12+$0x80]  }
0x9e: {  	v0 =	vadd.f32 v1, v0  }
0x9f: {  	v1 =	vld [tilespmem:s12+$0x100]  }
0xa0: {  	v0 =	vadd.f32 v2, v0;
	_ =	sdelay $0x1  }
0xa1: {  	v0 =	vadd.f32 v3, v0;
	_ =	sdelay $0x1  }
0xa2: {  	v0 =	vadd.f32 v1, v0;
	_ =	sdelay $0x1  }
0xa3: {  	v0 =	vmul.f32 $2.000000030e-01, v0;
	_ =	sdelay $0x1  }
0xa4: {  	[tilespmem:s13+$0x142C0] =	vst v0  }
0xa5: {  	v0 =	vld [tilespmem:s12+$0xFFFFFF10]  }
0xa6: {  	v1 =	vld [tilespmem:s12+$0xFFFFFF90]  }
0xa7: {  	v2 =	vld [tilespmem:s12+$0x10]  }
0xa8: {  	v3 =	vld [tilespmem:s12+$0x90]  }
0xa9: {  	v4 =	vld [tilespmem:s12+$0x110];
	_ =	sdelay $0x1  }
0xaa: {  	v0 =	vadd.f32 v1, v0;
	_ =	sdelay $0x1  }
0xab: {  	v0 =	vadd.f32 v2, v0;
	_ =	sdelay $0x1  }
0xac: {  	v0 =	vadd.f32 v3, v0;
	_ =	sdelay $0x1  }
0xad: {  	v0 =	vadd.f32 v4, v0;
	_ =	sdelay $0x1  }
0xae: {  	v0 =	vmul.f32 $2.000000030e-01, v0;
	_ =	sdelay $0x1  }
0xaf: {  	[tilespmem:s13+$0x142D0] =	vst v0  }
0xb0: {  	v0 =	vld [tilespmem:s12+$0xFFFFFF20]  }
0xb1: {  	v1 =	vld [tilespmem:s12+$0xFFFFFFA0]  }
0xb2: {  	v2 =	vld [tilespmem:s12+$0x20]  }
0xb3: {  	v3 =	vld [tilespmem:s12+$0xA0]  }
0xb4: {  	v4 =	vld [tilespmem:s12+$0x120];
	_ =	sdelay $0x1  }
0xb5: {  	v0 =	vadd.f32 v1, v0;
	_ =	sdelay $0x1  }
0xb6: {  	v0 =	vadd.f32 v2, v0;
	_ =	sdelay $0x1  }
0xb7: {  	v0 =	vadd.f32 v3, v0;
	_ =	sdelay $0x1  }
0xb8: {  	v0 =	vadd.f32 v4, v0;
	_ =	sdelay $0x1  }
0xb9: {  	v0 =	vmul.f32 $2.000000030e-01, v0;
	_ =	sdelay $0x1  }
0xba: {  	[tilespmem:s13+$0x142E0] =	vst v0  }
0xbb: {  	v3 =	vld [tilespmem:s12+$0xFFFFFF30]  }
0xbc: {  	v4 =	vld [tilespmem:s12+$0xFFFFFFB0]  }
.Ltmp0:
0xbd: {  	v2 =	vld [tilespmem:s12+$0x30];
	(pc) =	sbr.rel @p0 .LBB2_2-.Ltmp0, $3  }
0xbe: {  	v0 =	vld [tilespmem:s12+$0xB0]  }
0xbf: {  	v1 =	vld [tilespmem:s12+$0x130];
	_ =	sdelay $0x1  }
0xc0: {  	v3 =	vadd.f32 v4, v3  }
0xc1: {  	_ = 	snop  }
0xc2: {  	v2 =	vadd.f32 v2, v3;
	_ =	sdelay $0x1  }
0xc3: {  	v0 =	vadd.f32 v0, v2;
	_ =	sdelay $0x1  }
0xc4: {  	v0 =	vadd.f32 v1, v0;
	_ =	sdelay $0x1  }
0xc5: {  	s11 =	sadd.s32 $0x1, s11;
	v0 =	vmul.f32 $2.000000030e-01, v0  }
0xc6: {  	p0 =	sne.s32 s11, s6  }
.Ltmp1:
0xc7: {  	[tilespmem:s13+$0x142F0] =	vst v0;
	(pc) =	sbr.rel @p0 .LBB2_1-.Ltmp1, $4  }
0xc8: {  	[hbm4b:s5+s3] =	stream.linear.scatter [tilespmem:s10], [sflag:$0x2], $0x4000, $0x38;
	[tilespmem:$0x18280] =	vst v63  }
0xc9: {  	_ =	swait.ge [sflag:s7], $0x4000  }
0xca: {  	[sflag:s7] =	ssyncset.done $0x0  }
0xcb: {  	[sflag:s7] =	ssyncadd.s32 $0xFFFFC000  }
0xcc: {  	_ =	sfence.sel $0x180000  }
0xcd: {  	[bflag:$0x0] =	sbarrier.arrive $0xFFFF  }
0xce: {  	p0 =	sne.s32 s0, $0x0;
	_ =	strace $0x9000004D  }
0xcf: {  	s0 =	sadd.s32 @!p0 $0x100000, s1;
	[bflag:$0x2] =	sbarrier.arrive $0xFFFF  }
0xd0: {  	[sflag:s0] =	ssyncadd.tile.s32 @!p0 $0x1;
	_ =	shalt  }
.Lfunc_end2:
_tile_overlayer_lowered:
.L_overlay_start_2:
0xd1: {  	(tag) =	ssettag $0x2  }
0xd2: {  	s0 =	rddreg [dreg:$0x0];
	s2 =	stileid.u32  }
0xd3: {  	s1 =	rddreg [dreg:$0x1];
	p0 =	sne.s32 s2, $0x0  }
0xd4: {  	s3 =	rddreg [dreg:$0x2];
	[bflag:$0x3] =	sbarrier.arrive $0xFFFF;
	s2 =	simm.s32 @!p0 $0x1C02  }
0xd5: {  	[timem:s3], [sflag:s2] =	dma.local @!p0 [hbm:s0], s1  }
0xd6: {  	s0 =	simm.s32 @!p0 $0x2  }
0xd7: {  	_ =	swait.ge @!p0 [sflag:s0], s1  }
0xd8: {  	s1 =	ssub.s32 @!p0 $0x0, s1;
	[sflag:s0] =	ssyncset.done @!p0 $0x0  }
0xd9: {  	[sflag:s0] =	ssyncadd.s32 @!p0 s1  }
0xda: {  	[bflag:$0x3] =	sbarrier.arrive $0xFFFF  }
0xdb: {  	_ =	shalt  }

// kernel: sparse-core-data-format-call.cloned.1.call-start
scs
called_computation_lowered:
.L_overlay_start_0:
0x0: {  	s1 =	sld [smem:$0x3FD9]  }
0x1: {  	s2 =	sld [smem:$0x3FFE];
	_ =	sdelay $0x1  }
0x2: {  	s3 =	srdreg.scid  }
0x3: {  	s0 =	sand.u32 $0x1, s3  }
0x4: {  	s17 =	sshll.u32 s0, $0xA;
	s1 =	sadd.s32 s2, s1  }
0x5: {  	s1 =	sadd.s32 s1, s17  }
0x6: {  	[smem:$0x3FC5] =	sst s1  }
0x7: {  	_ = 	snop  }
0x8: {  	(tm) =	ssettm $0x1  }
0x9: {  	s18 =	sld [smem:$0x3FFB];
	_ =	sdelay $0x3  }
0xa: {  	_ =	strace s18  }
0xb: {  	s1 =	sld [smem:$0x3FFC];
	_ =	sdelay $0x3  }
0xc: {  	_ =	strace s1  }
0xd: {  	s1 =	sld [smem:$0x3FFD];
	_ =	sdelay $0x3  }
0xe: {  	_ =	strace s1  }
0xf: {  	_ =	strace $0x8FFFFFFF  }
0x10: {  	s19 =	sld [smem:$0x3FDB];
	_ =	sdelay $0x1  }
0x11: {  	s20 =	simm.s32 $_scs_section_size  }
0x12: {  	s4 =	simm.s32 $_size__tile_overlayer_lowered;
	s5 =	simm.s32 $_tile_overlayer_lowered  }
0x13: {  	s23 =	simm.s32 $0x1BFF;
	s22 =	sshll.u32 s5, $0x1;
	s1 =	sadd.s32 s20, s19  }
0x14: {  	s6 =	simm.s32 $0x0;
	s21 =	sshll.u32 s4, $0x1;
	s4 =	sadd.s32 s22, s1  }
0x15: {  	[timem:s6], [sflag:s23] =	dma.local [hbm:s4], s21  }
0x16: {  	_ =	swait.ge [sflag:s23], s21  }
0x17: {  	s2 =	ssub.s32 $0x0, s21;
	[sflag:s23] =	ssyncset.done $0x0  }
0x18: {  	[sflag:s23] =	ssyncadd.s32 s2;
	_ =	sdelay $0x1  }
0x19: {  	s24 =	simm.s32 $0x1B8B  }
0x1a: {  	_ =	swait.ge [sflag:s24], $0x1  }
0x1b: {  	[sflag:s24] =	ssyncset.done $0x0  }
0x1c: {  	s26 =	simm.s32 $0x1B8E;
	s25 =	sld [smem:$0x3FFE];
	[sflag:s24] =	ssyncadd.s32 $0xFFFFFFFF  }
0x1d: {  	s27 =	simm.s32 $execute0_lowered;
	[smem:$0x3FD2] =	sst s26  }
0x1e: {  	s4 =	sshll.u32 s27, $0x1;
	_ =	strace $0x80000046;
	[dreg:$0x1] =	wrdreg $0xFFFFFFFF  }
0x1f: {  	s28 =	simm.s32 $_size_execute0_lowered;
	s1 =	sadd.s32 s1, s4;
	[dreg:$0x0] =	wrdreg $0x0  }
0x20: {  	s4 =	sshll.u32 s28, $0x1;
	[dreg:$0x2] =	wrdreg s1  }
0x21: {  	[dreg:$0x3] =	wrdreg s4  }
0x22: {  	[dreg:$0x4] =	wrdreg $0xC0  }
0x23: {  	_ =	task [dreg:s6], $0x5FFFF  }
0x24: {  	[dreg:$0x1] =	wrdreg $0xFFFFFFFF  }
0x25: {  	[dreg:$0x0] =	wrdreg $0x60  }
0x26: {  	[dreg:$0x2] =	wrdreg s25  }
0x27: {  	[dreg:$0x3] =	wrdreg $0x9  }
0x28: {  	_ =	task.clear_ibuf [dreg:s6], $0x4FFFF;
	_ =	strace $0x90000046  }
0x29: {  	s29 =	simm.s32 $0x9;
	_ =	strace $0x80000048  }
0x2a: {  	_ =	swait.ge [sflag:s29], $0x1  }
0x2b: {  	[sflag:s29] =	ssyncadd.s32 $0xFFFFFFFF  }
0x2c: {  	_ =	strace $0x90000048  }
0x2d: {  	_ =	sfence  }
0x2e: {  	s30 =	sld [smem:$0x0];
	_ =	sdelay $0x2  }
0x2f: {  	s31 =	sshll.u32 s3, $0xD;
	s3 =	sshrl.u32 s3, $0x2  }
0x30: {  	s2 =	sand.u32 $0x4000, s31;
	s1 =	sadd.s32 s3, s30  }
0x31: {  	s0 =	sor.u32 s2, s0;
	s1 =	sshll.u32 s1, $0x11  }
0x32: {  	s0 =	sor.u32 s1, s0  }
0x33: {  	s0 =	sadd.s32 $0x8F2B, s0  }
0x34: {  	[sflag:s0] =	ssyncadd.remote.s32 $0x1  }
0x35: {  	_ =	sfence.sel $0xFFFF  }
0x36: {  	[dreg:$0x0] =	wrdreg $0xFFFFFFFF;
	(pc) =	sbr.abs _section_cstart, $3  }
0x37: {  	[dreg:$0x1] =	wrdreg $0xFFFFFFFF  }
0x38: {  	_ =	task.clear_ibuf [dreg:s6], $0x2FFFF;
	_ =	strace $0x9FFFFFFF  }
0x39: {  	(tm) =	ssettm $0x7FFFFFFF  }
tec
execute0_lowered:
.L_overlay_start_1:
0x0: {  	(tag) =	ssettag $0x1  }
0x1: {  	s0 =	stileid.u32  }
0x2: {  	s1 =	srdreg.scid;
	s6 =	rddreg [dreg:$0x0]  }
0x3: {  	s31 =	simm.s32 $0x2;
	s14 =	simm.s32 $0x0;
	s10 =	simm.s32 $0x8000  }
0x4: {  	s11 =	simm.s32 $0x0;
	s2 =	sshll.u32 s0, $0x3;
	s1 =	sshll.u32 s1, $0x7  }
0x5: {  	s15 =	simm.s32 $0x0;
	s3 =	sand.u32 $0x1, s0;
	s1 =	sor.u32 s2, s1  }
0x6: {  	s13 =	simm.s32 $0x0;
	s5 =	ssub.s32 $0x32, s3;
	s2 =	sand.u32 $0xF0, s1  }
0x7: {  	s12 =	smov.u32 s3;
	s1 =	rddreg [dreg:$0x1];
	s4 =	ssub.s32 $0x100, s2  }
0x8: {  	_ =	strace $0x80000047;
	s8 =	sshrl.u32 s5, $0x1;
	s7 =	sand.u32 $0xF0, s4  }
0x9: {  	s5 =	sand.u32 $0x1, s5;
	p0 =	sne.s32 s7, $0x0;
	s7 =	simm.s32 $0x1  }
.Ltmp0:
0xa: {  	s4 =	sshrl.u32 s4, $0x8;
	s7 =	simm.s32 @!p0 $0x0;
	(pc) =	sbr.rel .LBB1_1-.Ltmp0, $4  }
0xb: {  	s9 =	sshll.u32 s2, $0x7;
	s5 =	sadd.s32 s5, s8;
	s7 =	sadd.s32 s7, s4  }
0xc: {  	s30 =	sadd.s32 s9, s6;
	s4 =	simm.s32 $0x1;
	s5 =	smul.u32 s5, s7  }
0xd: {  	s6 =	sadd.s32 $0x317000, s6;
	s9 =	simm.s32 $0x800;
	[sflag:s4] =	ssyncpa.u1 $0x0  }
0xe: {  	s7 =	sadd.s32 $0x187000, s30;
	[sflag:s31] =	ssyncpa.u1 $0x0;
	s8 =	sadd.s32 $0x1, s5  }
.LBB1_7:
0xf: {  	s16 =	sadd.s32 $0x2, s12  }
0x10: {  	p1 =	sgt.s32 s16, $0x31  }
0x11: {  	s16 =	smov.u32 @p1 s3;
	p1 =	sne.s32 s13, s8  }
.Ltmp1:
0x12: {  	p0 =	slt.u32 s13, $0x2;
	(pc) =	sbr.rel @!p1 .LBB1_8-.Ltmp1, $4  }
0x13: {  	s14 =	simm.s32 @!p0 $0x2  }
0x14: {  	s17 =	sadd.s32 $0x1, s13;
	s15 =	smov.u32 s12;
	_ =	swait.ge @!p0 [sflag:s14], $0x4000  }
0x15: {  	s11 =	sadd.s32 $0x4000, s11;
	s13 =	smov.u32 s17;
	[sflag:s14] =	ssyncset.done @!p0 $0x0  }
0x16: {  	s12 =	smov.u32 s16;
	[sflag:s14] =	ssyncadd.s32 @!p0 $0xFFFFC000;
	s14 =	smov.u32 s2  }
.LBB1_1:
0x17: {  	p0 =	sge.u32 s13, s5  }
0x18: {  	s16 =	sxor.u32 @!p0 $0xFFFFFFFF, s13  }
0x19: {  	s31 =	sadd.s32 $0xFFFFFFFF, s13;
	s17 =	sshll.u32 @!p0 s12, $0xF;
	s16 =	sshll.u32 @!p0 s16, $0xE  }
0x1a: {  	s18 =	simm.s32 @!p0 $0x0;
	s17 =	sadd.s32 @!p0 s17, s7;
	s16 =	sand.u32 @!p0 $0x4000, s16  }
0x1b: {  	[tilespmem:s16], [sflag:$0x1] =	stream.linear.gather @!p0 [hbm4b:s17+s18], $0x4000, $0x38;
	[tilespmem:$0x10000] =	vst v63  }
0x1c: {  	p0 =	sge.u32 s31, s5  }
.Ltmp2:
0x1d: {  	_ = 	snop;
	(pc) =	sbr.rel @p0 .LBB1_7-.Ltmp2, $1  }
0x1e: {  	_ =	sdelay $0x3  }
0x1f: {  	s17 =	sand.u32 $0x4000, s11  }
0x20: {  	_ =	swait.ge [sflag:s4], $0x4000;
	s19 =	sshll.u32 s13, $0xE;
	s16 =	sor.u32 $0x8040, s17  }
0x21: {  	s18 =	sor.u32 $0x40, s17;
	[sflag:s4] =	ssyncset.done $0x0;
	s31 =	sand.u32 $0x4000, s19  }
0x22: {  	s19 =	simm.s32 $0x0;
	[sflag:s4] =	ssyncadd.s32 $0xFFFFC000;
	s17 =	sor.u32 $0x8000, s31  }
.LBB1_3:
0x23: {  	v0 =	vmov s18;
	_ =	sdelay $0x3  }
0x24: {  	s21 =	simm.s32 $0x0  }
0x25: {  	v6 =	vld.idx.msk [tilespmem:v0+s21+$0x30 ss:$0x1], $0xffff  }
0x26: {  	v7 =	vld.idx.msk [tilespmem:v0+s21+$0xFFFFFFC0 ss:$0x1], $0xffff  }
0x27: {  	v5 =	vld.idx.msk [tilespmem:v0+s21+$0xFFFFFFD0 ss:$0x1], $0xffff  }
0x28: {  	v4 =	vld.idx.msk [tilespmem:v0+s21+$0xFFFFFFE0 ss:$0x1], $0xffff  }
0x29: {  	v3 =	vld.idx.msk [tilespmem:v0+s21+$0xFFFFFFF0 ss:$0x1], $0xffff  }
0x2a: {  	v1 =	vld.idx.msk [tilespmem:v0+s21+$0x0 ss:$0x1], $0xffff  }
0x2b: {  	v2 =	vld.idx.msk [tilespmem:v0+s21+$0x10 ss:$0x1], $0xffff;
	[tilespmem:s16+$0x30] =	vst v6  }
0x2c: {  	s20 =	simm.s32 $0x80;
	s22 =	simm.s32 $0x400;
	[tilespmem:s16+$0xFFFFFFC0] =	vst v7;
	v6 =	vld.idx.msk [tilespmem:v0+s21+$0x20 ss:$0x1], $0xffff;
	s21 =	smov.u32 s16  }
.LBB1_4:
0x2d: {  	p0 =	sne.s32 s22, $0xE00;
	v7 =	vld.idx.msk [tilespmem:v0+s20+$0x30 ss:$0x1], $0xffff;
	[tilespmem:s21+$0xFFFFFFD0] =	vst v5  }
0x2e: {  	v8 =	vld.idx.msk [tilespmem:v0+s20+$0xFFFFFFC0 ss:$0x1], $0xffff;
	[tilespmem:s21+$0xFFFFFFE0] =	vst v4  }
0x2f: {  	v5 =	vld.idx.msk [tilespmem:v0+s20+$0xFFFFFFD0 ss:$0x1], $0xffff;
	[tilespmem:s21+$0xFFFFFFF0] =	vst v3  }
.Ltmp3:
0x30: {  	v4 =	vld.idx.msk [tilespmem:v0+s20+$0xFFFFFFE0 ss:$0x1], $0xffff;
	[tilespmem:s21+$0x0] =	vst v1;
	(pc) =	sbr.rel @p0 .LBB1_4-.Ltmp3, $4  }
0x31: {  	v3 =	vld.idx.msk [tilespmem:v0+s20+$0xFFFFFFF0 ss:$0x1], $0xffff;
	[tilespmem:s21+$0x10] =	vst v2  }
0x32: {  	v1 =	vld.idx.msk [tilespmem:v0+s20+$0x0 ss:$0x1], $0xffff;
	[tilespmem:s21+$0x20] =	vst v6;
	s21 =	sadd.s32 $0x800, s21  }
0x33: {  	v2 =	vld.idx.msk [tilespmem:v0+s20+$0x10 ss:$0x1], $0xffff;
	[tilespmem:s21+$0x30] =	vst v7  }
0x34: {  	[tilespmem:s21+$0xFFFFFFC0] =	vst v8;
	v6 =	vld.idx.msk [tilespmem:v0+s20+$0x20 ss:$0x1], $0xffff;
	s20 =	sshra.s32 s22, $0x2;
	s22 =	sadd.s32 $0x200, s22  }
0x35: {  	_ =	sdelay $0x2  }
0x36: {  	[tilespmem:s21+$0xFFFFFFD0] =	vst v5  }
0x37: {  	v56 =	vld.idx.msk [tilespmem:v0+s20+$0x30 ss:$0x1], $0xffff;
	[tilespmem:s21+$0xFFFFFFE0] =	vst v4  }
0x38: {  	v57 =	vld.idx.msk [tilespmem:v0+s20+$0xFFFFFFC0 ss:$0x1], $0xffff;
	[tilespmem:s21+$0xFFFFFFF0] =	vst v3  }
0x39: {  	v58 =	vld.idx.msk [tilespmem:v0+s20+$0xFFFFFFD0 ss:$0x1], $0xffff;
	[tilespmem:s21+$0x0] =	vst v1  }
0x3a: {  	v59 =	vld.idx.msk [tilespmem:v0+s20+$0xFFFFFFE0 ss:$0x1], $0xffff;
	[tilespmem:s21+$0x10] =	vst v2  }
0x3b: {  	v60 =	vld.idx.msk [tilespmem:v0+s20+$0xFFFFFFF0 ss:$0x1], $0xffff;
	s31 =	sadd.s32 $0x800, s21;
	[tilespmem:s21+$0x20] =	vst v6  }
0x3c: {  	v61 =	vld.idx.msk [tilespmem:v0+s20+$0x0 ss:$0x1], $0xffff;
	[tilespmem:s31+$0x30] =	vst v56  }
0x3d: {  	v62 =	vld.idx.msk [tilespmem:v0+s20+$0x10 ss:$0x1], $0xffff;
	s19 =	sadd.s32 $0x1, s19;
	[tilespmem:s31+$0xFFFFFFC0] =	vst v57  }
0x3e: {  	v63 =	vld.idx.msk [tilespmem:v0+s20+$0x20 ss:$0x1], $0xffff;
	p0 =	sne.s32 s19, $0x10;
	[tilespmem:s31+$0xFFFFFFD0] =	vst v58  }
.Ltmp4:
0x3f: {  	[tilespmem:s31+$0xFFFFFFE0] =	vst v59;
	(pc) =	sbr.rel @p0 .LBB1_3-.Ltmp4, $4  }
0x40: {  	[tilespmem:s31+$0xFFFFFFF0] =	vst v60  }
0x41: {  	[tilespmem:s31+$0x0] =	vst v61  }
0x42: {  	[tilespmem:s31+$0x10] =	vst v62  }
0x43: {  	s16 =	sadd.s32 $0x80, s16;
	s18 =	sadd.s32 $0x400, s18;
	[tilespmem:s31+$0x20] =	vst v63  }
.Ltmp5:
0x44: {  	(pc) =	sbr.rel .LBB1_7-.Ltmp5, $4  }
0x45: {  	s15 =	sshll.u32 s15, $0xF  }
0x46: {  	s14 =	sshll.u32 s14, $0x4;
	s15 =	sadd.s32 s6, s15  }
0x47: {  	s14 =	sadd.s32 s14, s15  }
0x48: {  	[hbm4b:s14+s9] =	stream.strided.scatter [tilespmem:s17], [sflag:$0x2], $0x4000, s10, s9, $0x38;
	[tilespmem:$0x10000] =	vst v63  }
.LBB1_8:
0x49: {  	_ =	sfence.sel $0x180000  }
0x4a: {  	s2 =	simm.s32 $0x1;
	[bflag:$0x0] =	sbarrier.arrive $0xFFFF  }
0x4b: {  	s31 =	simm.s32 $0x2;
	[sflag:s2] =	ssyncpa.u1 $0x1  }
0x4c: {  	[sflag:s31] =	ssyncpa.u1 $0x1  }
0x4d: {  	p0 =	sne.s32 s0, $0x0;
	_ =	strace $0x90000047  }
0x4e: {  	s0 =	sadd.s32 @!p0 $0x100000, s1;
	[bflag:$0x2] =	sbarrier.arrive $0xFFFF  }
0x4f: {  	[sflag:s0] =	ssyncadd.tile.s32 @!p0 $0x1;
	_ =	shalt  }
.Lfunc_end1:
_tile_overlayer_lowered:
.L_overlay_start_2:
0x50: {  	(tag) =	ssettag $0x2  }
0x51: {  	s0 =	rddreg [dreg:$0x0];
	s2 =	stileid.u32  }
0x52: {  	s1 =	rddreg [dreg:$0x1];
	p0 =	sne.s32 s2, $0x0  }
0x53: {  	s3 =	rddreg [dreg:$0x2];
	[bflag:$0x3] =	sbarrier.arrive $0xFFFF;
	s2 =	simm.s32 @!p0 $0x1C01  }
0x54: {  	[timem:s3], [sflag:s2] =	dma.local @!p0 [hbm:s0], s1  }
0x55: {  	s0 =	simm.s32 @!p0 $0x1  }
0x56: {  	_ =	swait.ge @!p0 [sflag:s0], s1  }
0x57: {  	s1 =	ssub.s32 @!p0 $0x0, s1;
	[sflag:s0] =	ssyncset.done @!p0 $0x0  }
0x58: {  	[sflag:s0] =	ssyncadd.s32 @!p0 s1  }
0x59: {  	[bflag:$0x3] =	sbarrier.arrive $0xFFFF  }
0x5a: {  	_ =	shalt  }

</sc_bundles>
